<compile_context>
chip_gen: v7x
topology: tpu7x:2x2x1
jax: 0.10.2.dev20260603
libtpu: 0.0.44.dev20260713+nightly
codegen_flags: <defaults>
</compile_context>

<pallas_src>
import dataclasses
import functools

import jax
import jax.numpy as jnp
from jax import lax
from jax.experimental import pallas as pl
from jax.experimental.pallas import tpu as pltpu
from jax.experimental.pallas import tpu_sc as plsc

NC = 2
NS = 16
NW = NC * NS
L = 16

B = 16384
D = 128
CHUNK = 128
B_PER_W = B // NW
N_CHUNKS = B_PER_W // CHUNK
QROWS = 4


def _gmf_sc(user_ids, item_ids, user_table, item_table, W, b_vec):
    mesh = plsc.VectorSubcoreMesh(core_axis_name="c", subcore_axis_name="s")

    cp = pltpu.CompilerParams()
    if "needs_layout_passes" in pltpu.CompilerParams.__dataclass_fields__:
        cp = dataclasses.replace(cp, needs_layout_passes=False)

    @functools.partial(
        pl.kernel,
        compiler_params=cp,
        out_type=jax.ShapeDtypeStruct((B,), jnp.float32),
        mesh=mesh,
        scratch_types=[
            pltpu.VMEM((B_PER_W,), jnp.int32),
            pltpu.VMEM((B_PER_W,), jnp.int32),
            pltpu.VMEM((CHUNK, D), jnp.float32),
            pltpu.VMEM((CHUNK, D), jnp.float32),
            pltpu.VMEM((CHUNK, D), jnp.float32),
            pltpu.VMEM((CHUNK, D), jnp.float32),
            pltpu.VMEM((B_PER_W,), jnp.float32),
            pltpu.VMEM((D,), jnp.float32),
            pltpu.VMEM((L,), jnp.float32),
            pltpu.SemaphoreType.DMA,
            pltpu.SemaphoreType.DMA,
            pltpu.SemaphoreType.DMA,
            pltpu.SemaphoreType.DMA,
            pltpu.SemaphoreType.DMA,
        ],
    )
    def k(uids_hbm, iids_hbm, utab_hbm, itab_hbm, w_hbm, b_hbm, out_hbm,
          uidx_v, iidx_v, u0, u1, i0, i1, out_v, w_v, b_v,
          su0, su1, si0, si1, sp):
        wid = lax.axis_index("s") * NC + lax.axis_index("c")
        base = wid * B_PER_W

        cp_ui = pltpu.async_copy(uids_hbm.at[pl.ds(base, B_PER_W)], uidx_v, sp)
        cp_ii = pltpu.async_copy(iids_hbm.at[pl.ds(base, B_PER_W)], iidx_v, sp)
        cp_ui.wait()
        cp_ii.wait()

        u_bufs, i_bufs = [u0, u1], [i0, i1]
        u_sems, i_sems = [su0, su1], [si0, si1]

        def start(c):
            s = c % 2
            cu = pltpu.async_copy(
                utab_hbm.at[uidx_v.at[pl.ds(c * CHUNK, CHUNK)]],
                u_bufs[s], u_sems[s])
            ci = pltpu.async_copy(
                itab_hbm.at[iidx_v.at[pl.ds(c * CHUNK, CHUNK)]],
                i_bufs[s], i_sems[s])
            return cu, ci

        cps = [start(0)]

        cp_w = pltpu.async_copy(w_hbm.at[0], w_v, sp)
        cp_b = pltpu.async_copy(b_hbm, b_v, sp)
        cp_w.wait()
        cp_b.wait()
        w_regs = [w_v[pl.ds(L * j, L)] for j in range(D // L)]
        bv = b_v[...]

        for c in range(N_CHUNKS):
            s = c % 2
            cu, ci = cps[c]
            if c + 1 < N_CHUNKS:
                cps.append(start(c + 1))
            cu.wait()
            ci.wait()
            urows_v, irows_v = u_bufs[s], i_bufs[s]

            @pl.loop(0, CHUNK // L)
            def _group(g, c=c, urows_v=urows_v, irows_v=irows_v):
                lane = lax.iota(jnp.int32, L)

                def quad(qi, out_vec):
                    rbase = g * L + qi * QROWS
                    for r in range(QROWS):
                        acc = jnp.zeros((L,), jnp.float32)
                        for j in range(D // L):
                            u = urows_v[rbase + r, pl.ds(L * j, L)]
                            v = irows_v[rbase + r, pl.ds(L * j, L)]
                            acc = acc + (u * v) * w_regs[j]
                        su = jnp.sum(acc)
                        out_vec = jnp.where(lane == qi * QROWS + r, su,
                                            out_vec)
                    return out_vec

                out_vec = lax.fori_loop(0, L // QROWS, quad,
                                        jnp.zeros((L,), jnp.float32))
                x = out_vec + bv
                y = 1.0 / (1.0 + jnp.exp(-x))
                out_v[pl.ds(c * CHUNK + g * L, L)] = y

        pltpu.sync_copy(out_v, out_hbm.at[pl.ds(base, B_PER_W)])

    return k(user_ids, item_ids, user_table, item_table, W, b_vec)


def kernel(user_ids, item_ids, user_table, item_table, W, b):
    b_vec = jnp.broadcast_to(b.astype(jnp.float32), (L,))
    out = _gmf_sc(user_ids.astype(jnp.int32), item_ids.astype(jnp.int32),
                  user_table, item_table, W, b_vec)
    return out.reshape(B, 1)

# --- scband reference (transcript-rebuilt; emitter-appended) ---
"""Pipeline reference for scband-gmf-56573309223634 (READ-ONLY COPY).

The authoritative reference and input builder live on the scoring server;
editing this copy changes nothing except your own understanding.
"""

import jax, jax.numpy as jnp
import numpy as np

N_USERS = 1000000
N_ITEMS = 100000
N_FACTORS = 128
BATCH = 16384

def setup_inputs(seed: int = 0) -> dict:
    key = jax.random.key(seed)
    k1, k2, k3, k4, k5 = jax.random.split(key, 5)
    user_ids = jax.random.randint(k1, (BATCH,), 0, N_USERS, dtype=jnp.int64 if jax.config.jax_enable_x64 else jnp.int32)
    item_ids = jax.random.randint(k2, (BATCH,), 0, N_ITEMS, dtype=jnp.int64 if jax.config.jax_enable_x64 else jnp.int32)
    # Xavier-uniform-like init for embeddings and output layer
    lim_u = float(np.sqrt(6.0 / (N_USERS + N_FACTORS)))
    lim_i = float(np.sqrt(6.0 / (N_ITEMS + N_FACTORS)))
    lim_w = float(np.sqrt(6.0 / (N_FACTORS + 1)))
    user_table = jax.random.uniform(k3, (N_USERS, N_FACTORS), jnp.float32, -lim_u, lim_u)
    item_table = jax.random.uniform(k4, (N_ITEMS, N_FACTORS), jnp.float32, -lim_i, lim_i)
    W = jax.random.uniform(k5, (1, N_FACTORS), jnp.float32, -lim_w, lim_w)
    b = jnp.zeros((1,), jnp.float32)
    return {"user_ids": user_ids, "item_ids": item_ids, "user_table": user_table, "item_table": item_table, "W": W, "b": b}

def reference(user_ids, item_ids, user_table, item_table, W, b):
    user_emb = jnp.take(user_table, user_ids, axis=0)   # [B, F]
    item_emb = jnp.take(item_table, item_ids, axis=0)   # [B, F]
    interaction = user_emb * item_emb                    # [B, F]
    out = interaction @ W.T + b                          # [B, 1]
    return jax.nn.sigmoid(out)

if __name__ == "__main__":
    import jax
    _d = setup_inputs()
    print(jax.jit(kernel)(*tuple(_d.values())))

</pallas_src>

<mosaic_0001>
#map = affine_map<(d0, d1) -> (0)>
#map1 = affine_map<(d0, d1) -> (0, 0)>
module attributes {stable_mosaic.version = 14 : i64} {
  func.func @k(%arg0: i32, %arg1: i32, %arg2: memref<16384xi32, #tpu.memory_space<hbm>>, %arg3: memref<16384xi32, #tpu.memory_space<hbm>>, %arg4: memref<1000000x128xf32, #tpu.memory_space<hbm>>, %arg5: memref<100000x128xf32, #tpu.memory_space<hbm>>, %arg6: memref<1x128xf32, #tpu.memory_space<hbm>>, %arg7: memref<16xf32, #tpu.memory_space<hbm>>, %arg8: memref<16384xf32, #tpu.memory_space<hbm>>, %arg9: memref<512xi32, #tpu.memory_space<vmem>>, %arg10: memref<512xi32, #tpu.memory_space<vmem>>, %arg11: memref<128x128xf32, #tpu.memory_space<vmem>>, %arg12: memref<128x128xf32, #tpu.memory_space<vmem>>, %arg13: memref<128x128xf32, #tpu.memory_space<vmem>>, %arg14: memref<128x128xf32, #tpu.memory_space<vmem>>, %arg15: memref<512xf32, #tpu.memory_space<vmem>>, %arg16: memref<128xf32, #tpu.memory_space<vmem>>, %arg17: memref<16xf32, #tpu.memory_space<vmem>>, %arg18: memref<!tpu.dma_semaphore, #tpu.memory_space<semaphore_mem>>, %arg19: memref<!tpu.dma_semaphore, #tpu.memory_space<semaphore_mem>>, %arg20: memref<!tpu.dma_semaphore, #tpu.memory_space<semaphore_mem>>, %arg21: memref<!tpu.dma_semaphore, #tpu.memory_space<semaphore_mem>>, %arg22: memref<!tpu.dma_semaphore, #tpu.memory_space<semaphore_mem>>) attributes {dimension_semantics = [#tpu.dimension_semantics<core_parallel>, #tpu.dimension_semantics<subcore_parallel>], iteration_bounds = array<i64: 2, 16>, scalar_prefetch = 0 : i64, scratch_operands = 14 : i64, tpu.core_type = #tpu.core_type<sc_vector_subcore>, window_params = [{transform_indices = #map}, {transform_indices = #map}, {transform_indices = #map1}, {transform_indices = #map1}, {transform_indices = #map1}, {transform_indices = #map}, {transform_indices = #map}]} {
    %mul3A = arith.constant 2 : i32
    %mul3A_0 = arith.muli %arg1, %mul3A : i32
    %add3A = arith.addi %mul3A_0, %arg0 : i32
    %mul3A_1 = arith.constant 512 : i32
    %mul3A_2 = arith.muli %add3A, %mul3A_1 : i32
    %dma_start3A = tpu.memref_slice %arg2[%mul3A_2] : memref<16384xi32, #tpu.memory_space<hbm>> -> memref<512xi32, #tpu.memory_space<hbm>>
    %dma_start3A_3 = tpu.memref_slice %arg2[%mul3A_2] : memref<16384xi32, #tpu.memory_space<hbm>> -> memref<512xi32, #tpu.memory_space<hbm>>
    tpu.enqueue_dma source(%dma_start3A_3 : memref<512xi32, #tpu.memory_space<hbm>>) target(%arg9 : memref<512xi32, #tpu.memory_space<vmem>>) target_semaphore(%arg22 : memref<!tpu.dma_semaphore, #tpu.memory_space<semaphore_mem>>)
    %dma_start3A_4 = tpu.memref_slice %arg3[%mul3A_2] : memref<16384xi32, #tpu.memory_space<hbm>> -> memref<512xi32, #tpu.memory_space<hbm>>
    %dma_start3A_5 = tpu.memref_slice %arg3[%mul3A_2] : memref<16384xi32, #tpu.memory_space<hbm>> -> memref<512xi32, #tpu.memory_space<hbm>>
    tpu.enqueue_dma source(%dma_start3A_5 : memref<512xi32, #tpu.memory_space<hbm>>) target(%arg10 : memref<512xi32, #tpu.memory_space<vmem>>) target_semaphore(%arg22 : memref<!tpu.dma_semaphore, #tpu.memory_space<semaphore_mem>>)
    %dma_wait3A = tpu.memref_slice %arg2[%mul3A_2] : memref<16384xi32, #tpu.memory_space<hbm>> -> memref<512xi32, #tpu.memory_space<hbm>>
    %dma_wait3A_6 = tpu.memref_slice %arg2[%mul3A_2] : memref<16384xi32, #tpu.memory_space<hbm>> -> memref<512xi32, #tpu.memory_space<hbm>>
    tpu.wait_dma2 semaphore(%arg22 : memref<!tpu.dma_semaphore, #tpu.memory_space<semaphore_mem>>) src(%dma_wait3A_6 : memref<512xi32, #tpu.memory_space<hbm>>) dst(%arg9 : memref<512xi32, #tpu.memory_space<vmem>>)
    %dma_wait3A_7 = tpu.memref_slice %arg3[%mul3A_2] : memref<16384xi32, #tpu.memory_space<hbm>> -> memref<512xi32, #tpu.memory_space<hbm>>
    %dma_wait3A_8 = tpu.memref_slice %arg3[%mul3A_2] : memref<16384xi32, #tpu.memory_space<hbm>> -> memref<512xi32, #tpu.memory_space<hbm>>
    tpu.wait_dma2 semaphore(%arg22 : memref<!tpu.dma_semaphore, #tpu.memory_space<semaphore_mem>>) src(%dma_wait3A_8 : memref<512xi32, #tpu.memory_space<hbm>>) dst(%arg10 : memref<512xi32, #tpu.memory_space<vmem>>)
    %dma_start3A_9 = arith.constant 0 : i32
    %dma_start3A_10 = tpu.memref_slice %arg9[%dma_start3A_9] : memref<512xi32, #tpu.memory_space<vmem>> -> memref<128xi32, #tpu.memory_space<vmem>>
    %dma_start3A_11 = arith.constant 0 : i32
    %dma_start3A_12 = arith.constant 0 : i32
    %dma_start3A_13 = tpu.memref_slice %arg4[%dma_start3A_11, %dma_start3A_12] : memref<1000000x128xf32, #tpu.memory_space<hbm>> -> memref<1000000x128xf32, #tpu.memory_space<hbm>>
    tpu.enqueue_indirect_dma source(%dma_start3A_13 : memref<1000000x128xf32, #tpu.memory_space<hbm>>) target(%arg11 : memref<128x128xf32, #tpu.memory_space<vmem>>) offsets(%dma_start3A_10 : memref<128xi32, #tpu.memory_space<vmem>>) semaphore(%arg18 : memref<!tpu.dma_semaphore, #tpu.memory_space<semaphore_mem>>)
    %dma_start3A_14 = arith.constant 0 : i32
    %dma_start3A_15 = tpu.memref_slice %arg10[%dma_start3A_14] : memref<512xi32, #tpu.memory_space<vmem>> -> memref<128xi32, #tpu.memory_space<vmem>>
    %dma_start3A_16 = arith.constant 0 : i32
    %dma_start3A_17 = arith.constant 0 : i32
    %dma_start3A_18 = tpu.memref_slice %arg5[%dma_start3A_16, %dma_start3A_17] : memref<100000x128xf32, #tpu.memory_space<hbm>> -> memref<100000x128xf32, #tpu.memory_space<hbm>>
    tpu.enqueue_indirect_dma source(%dma_start3A_18 : memref<100000x128xf32, #tpu.memory_space<hbm>>) target(%arg13 : memref<128x128xf32, #tpu.memory_space<vmem>>) offsets(%dma_start3A_15 : memref<128xi32, #tpu.memory_space<vmem>>) semaphore(%arg20 : memref<!tpu.dma_semaphore, #tpu.memory_space<semaphore_mem>>)
    %dma_start3A_19 = arith.constant 0 : i32
    %dma_start3A_20 = arith.constant 0 : i32
    %dma_start3A_21 = tpu.memref_slice %arg6[%dma_start3A_19, %dma_start3A_20] : memref<1x128xf32, #tpu.memory_space<hbm>> -> memref<1x128xf32, #tpu.memory_space<hbm>>
    %dma_start3A_22 = tpu.memref_squeeze %dma_start3A_21 : memref<1x128xf32, #tpu.memory_space<hbm>> -> memref<128xf32, #tpu.memory_space<hbm>>
    %dma_start3A_23 = arith.constant 0 : i32
    %dma_start3A_24 = tpu.memref_slice %arg6[%dma_start3A_19, %dma_start3A_23] : memref<1x128xf32, #tpu.memory_space<hbm>> -> memref<1x128xf32, #tpu.memory_space<hbm>>
    %dma_start3A_25 = tpu.memref_squeeze %dma_start3A_24 : memref<1x128xf32, #tpu.memory_space<hbm>> -> memref<128xf32, #tpu.memory_space<hbm>>
    tpu.enqueue_dma source(%dma_start3A_25 : memref<128xf32, #tpu.memory_space<hbm>>) target(%arg16 : memref<128xf32, #tpu.memory_space<vmem>>) target_semaphore(%arg22 : memref<!tpu.dma_semaphore, #tpu.memory_space<semaphore_mem>>)
    tpu.enqueue_dma source(%arg7 : memref<16xf32, #tpu.memory_space<hbm>>) target(%arg17 : memref<16xf32, #tpu.memory_space<vmem>>) target_semaphore(%arg22 : memref<!tpu.dma_semaphore, #tpu.memory_space<semaphore_mem>>)
    %dma_wait3A_26 = arith.constant 0 : i32
    %dma_wait3A_27 = arith.constant 0 : i32
    %dma_wait3A_28 = tpu.memref_slice %arg6[%dma_wait3A_26, %dma_wait3A_27] : memref<1x128xf32, #tpu.memory_space<hbm>> -> memref<1x128xf32, #tpu.memory_space<hbm>>
    %dma_wait3A_29 = tpu.memref_squeeze %dma_wait3A_28 : memref<1x128xf32, #tpu.memory_space<hbm>> -> memref<128xf32, #tpu.memory_space<hbm>>
    %dma_wait3A_30 = arith.constant 0 : i32
    %dma_wait3A_31 = tpu.memref_slice %arg6[%dma_wait3A_26, %dma_wait3A_30] : memref<1x128xf32, #tpu.memory_space<hbm>> -> memref<1x128xf32, #tpu.memory_space<hbm>>
    %dma_wait3A_32 = tpu.memref_squeeze %dma_wait3A_31 : memref<1x128xf32, #tpu.memory_space<hbm>> -> memref<128xf32, #tpu.memory_space<hbm>>
    tpu.wait_dma2 semaphore(%arg22 : memref<!tpu.dma_semaphore, #tpu.memory_space<semaphore_mem>>) src(%dma_wait3A_32 : memref<128xf32, #tpu.memory_space<hbm>>) dst(%arg16 : memref<128xf32, #tpu.memory_space<vmem>>)
    tpu.wait_dma2 semaphore(%arg22 : memref<!tpu.dma_semaphore, #tpu.memory_space<semaphore_mem>>) src(%arg7 : memref<16xf32, #tpu.memory_space<hbm>>) dst(%arg17 : memref<16xf32, #tpu.memory_space<vmem>>)
    %get3A = arith.constant 0 : index
    %get3A_33 = tpu.vector_load %arg16[%get3A] {strides = array<i32>} : memref<128xf32, #tpu.memory_space<vmem>>, vector<16xf32>,
    %get3A_34 = arith.constant 16 : index
    %get3A_35 = tpu.vector_load %arg16[%get3A_34] {strides = array<i32>} : memref<128xf32, #tpu.memory_space<vmem>>, vector<16xf32>,
    %get3A_36 = arith.constant 32 : index
    %get3A_37 = tpu.vector_load %arg16[%get3A_36] {strides = array<i32>} : memref<128xf32, #tpu.memory_space<vmem>>, vector<16xf32>,
    %get3A_38 = arith.constant 48 : index
    %get3A_39 = tpu.vector_load %arg16[%get3A_38] {strides = array<i32>} : memref<128xf32, #tpu.memory_space<vmem>>, vector<16xf32>,
    %get3A_40 = arith.constant 64 : index
    %get3A_41 = tpu.vector_load %arg16[%get3A_40] {strides = array<i32>} : memref<128xf32, #tpu.memory_space<vmem>>, vector<16xf32>,
    %get3A_42 = arith.constant 80 : index
    %get3A_43 = tpu.vector_load %arg16[%get3A_42] {strides = array<i32>} : memref<128xf32, #tpu.memory_space<vmem>>, vector<16xf32>,
    %get3A_44 = arith.constant 96 : index
    %get3A_45 = tpu.vector_load %arg16[%get3A_44] {strides = array<i32>} : memref<128xf32, #tpu.memory_space<vmem>>, vector<16xf32>,
    %get3A_46 = arith.constant 112 : index
    %get3A_47 = tpu.vector_load %arg16[%get3A_46] {strides = array<i32>} : memref<128xf32, #tpu.memory_space<vmem>>, vector<16xf32>,
    %get3A_48 = arith.constant 0 : index
    %get3A_49 = tpu.vector_load %arg17[%get3A_48] {strides = array<i32>} : memref<16xf32, #tpu.memory_space<vmem>>, vector<16xf32>,
    %dma_start3A_50 = arith.constant 128 : i32
    %dma_start3A_51 = tpu.memref_slice %arg9[%dma_start3A_50] : memref<512xi32, #tpu.memory_space<vmem>> -> memref<128xi32, #tpu.memory_space<vmem>>
    %dma_start3A_52 = arith.constant 0 : i32
    %dma_start3A_53 = arith.constant 0 : i32
    %dma_start3A_54 = tpu.memref_slice %arg4[%dma_start3A_52, %dma_start3A_53] : memref<1000000x128xf32, #tpu.memory_space<hbm>> -> memref<1000000x128xf32, #tpu.memory_space<hbm>>
    tpu.enqueue_indirect_dma source(%dma_start3A_54 : memref<1000000x128xf32, #tpu.memory_space<hbm>>) target(%arg12 : memref<128x128xf32, #tpu.memory_space<vmem>>) offsets(%dma_start3A_51 : memref<128xi32, #tpu.memory_space<vmem>>) semaphore(%arg19 : memref<!tpu.dma_semaphore, #tpu.memory_space<semaphore_mem>>)
    %dma_start3A_55 = arith.constant 128 : i32
    %dma_start3A_56 = tpu.memref_slice %arg10[%dma_start3A_55] : memref<512xi32, #tpu.memory_space<vmem>> -> memref<128xi32, #tpu.memory_space<vmem>>
    %dma_start3A_57 = arith.constant 0 : i32
    %dma_start3A_58 = arith.constant 0 : i32
    %dma_start3A_59 = tpu.memref_slice %arg5[%dma_start3A_57, %dma_start3A_58] : memref<100000x128xf32, #tpu.memory_space<hbm>> -> memref<100000x128xf32, #tpu.memory_space<hbm>>
    tpu.enqueue_indirect_dma source(%dma_start3A_59 : memref<100000x128xf32, #tpu.memory_space<hbm>>) target(%arg14 : memref<128x128xf32, #tpu.memory_space<vmem>>) offsets(%dma_start3A_56 : memref<128xi32, #tpu.memory_space<vmem>>) semaphore(%arg21 : memref<!tpu.dma_semaphore, #tpu.memory_space<semaphore_mem>>)
    %dma_wait3A_60 = arith.constant 0 : i32
    %dma_wait3A_61 = tpu.memref_slice %arg9[%dma_wait3A_60] : memref<512xi32, #tpu.memory_space<vmem>> -> memref<128xi32, #tpu.memory_space<vmem>>
    %dma_wait3A_62 = arith.constant 0 : i32
    %dma_wait3A_63 = arith.constant 0 : i32
    %dma_wait3A_64 = tpu.memref_slice %arg4[%dma_wait3A_62, %dma_wait3A_63] : memref<1000000x128xf32, #tpu.memory_space<hbm>> -> memref<1000000x128xf32, #tpu.memory_space<hbm>>
    tpu.wait_indirect_dma semaphore(%arg18 : memref<!tpu.dma_semaphore, #tpu.memory_space<semaphore_mem>>) src(%dma_wait3A_64 : memref<1000000x128xf32, #tpu.memory_space<hbm>>) dst(%arg11 : memref<128x128xf32, #tpu.memory_space<vmem>>)
    %dma_wait3A_65 = arith.constant 0 : i32
    %dma_wait3A_66 = tpu.memref_slice %arg10[%dma_wait3A_65] : memref<512xi32, #tpu.memory_space<vmem>> -> memref<128xi32, #tpu.memory_space<vmem>>
    %dma_wait3A_67 = arith.constant 0 : i32
    %dma_wait3A_68 = arith.constant 0 : i32
    %dma_wait3A_69 = tpu.memref_slice %arg5[%dma_wait3A_67, %dma_wait3A_68] : memref<100000x128xf32, #tpu.memory_space<hbm>> -> memref<100000x128xf32, #tpu.memory_space<hbm>>
    tpu.wait_indirect_dma semaphore(%arg20 : memref<!tpu.dma_semaphore, #tpu.memory_space<semaphore_mem>>) src(%dma_wait3A_69 : memref<100000x128xf32, #tpu.memory_space<hbm>>) dst(%arg13 : memref<128x128xf32, #tpu.memory_space<vmem>>)
    %scan3A = arith.constant 0 : i32
    %scan3A_70 = arith.constant 8 : i32
    %scan3A_71 = arith.addi %scan3A, %scan3A_70 : i32
    %scan3A_72 = arith.constant 1 : i32
    scf.for %scan3A_139 = %scan3A to %scan3A_71 step %scan3A_72  : i32 {
      %mul3A_140 = arith.constant 1 : i32
      %mul3A_141 = arith.muli %scan3A_139, %mul3A_140 : i32
      %add3A_142 = arith.constant 0 : i32
      %add3A_143 = arith.addi %add3A_142, %mul3A_141 : i32
      %iota3A = tpu.iota {dimensions = array<i32: 0>} : vector<16xi32>
      %broadcast_in_dim3A = arith.constant 0.000000e+00 : f32
      %broadcast_in_dim3A_144 = vector.broadcast %broadcast_in_dim3A : f32 to vector<16xf32>
      %scan3A_145 = arith.constant 0 : i32
      %scan3A_146 = arith.constant 4 : i32
      %scan3A_147 = arith.addi %scan3A_145, %scan3A_146 : i32
      %scan3A_148 = arith.constant 1 : i32
      %scan3A_149 = scf.for %scan3A_164 = %scan3A_145 to %scan3A_147 step %scan3A_148 iter_args(%scan3A_165 = %broadcast_in_dim3A_144) -> (vector<16xf32>)  : i32 {
        %mul3A_166 = arith.constant 16 : i32
        %mul3A_167 = arith.muli %add3A_143, %mul3A_166 : i32
        %mul3A_168 = arith.constant 4 : i32
        %mul3A_169 = arith.muli %scan3A_164, %mul3A_168 : i32
        %add3A_170 = arith.addi %mul3A_167, %mul3A_169 : i32
        %broadcast_in_dim3A_171 = arith.constant 0.000000e+00 : f32
        %broadcast_in_dim3A_172 = vector.broadcast %broadcast_in_dim3A_171 : f32 to vector<16xf32>
        %add3A_173 = arith.constant 0 : i32
        %add3A_174 = arith.addi %add3A_170, %add3A_173 : i32
        %get3A_175 = arith.index_cast %add3A_174 : i32 to index
        %get3A_176 = arith.constant 0 : index
        %get3A_177 = tpu.vector_load %arg11[%get3A_175, %get3A_176] {strides = array<i32>} : memref<128x128xf32, #tpu.memory_space<vmem>>, vector<16xf32>,
        %add3A_178 = arith.constant 0 : i32
        %add3A_179 = arith.addi %add3A_170, %add3A_178 : i32
        %get3A_180 = arith.index_cast %add3A_179 : i32 to index
        %get3A_181 = arith.constant 0 : index
        %get3A_182 = tpu.vector_load %arg13[%get3A_180, %get3A_181] {strides = array<i32>} : memref<128x128xf32, #tpu.memory_space<vmem>>, vector<16xf32>,
        %mul3A_183 = arith.mulf %get3A_177, %get3A_182 : vector<16xf32>
        %mul3A_184 = arith.mulf %mul3A_183, %get3A_33 : vector<16xf32>
        %add3A_185 = arith.addf %broadcast_in_dim3A_172, %mul3A_184 : vector<16xf32>
        %add3A_186 = arith.constant 0 : i32
        %add3A_187 = arith.addi %add3A_170, %add3A_186 : i32
        %get3A_188 = arith.index_cast %add3A_187 : i32 to index
        %get3A_189 = arith.constant 16 : index
        %get3A_190 = tpu.vector_load %arg11[%get3A_188, %get3A_189] {strides = array<i32>} : memref<128x128xf32, #tpu.memory_space<vmem>>, vector<16xf32>,
        %add3A_191 = arith.constant 0 : i32
        %add3A_192 = arith.addi %add3A_170, %add3A_191 : i32
        %get3A_193 = arith.index_cast %add3A_192 : i32 to index
        %get3A_194 = arith.constant 16 : index
        %get3A_195 = tpu.vector_load %arg13[%get3A_193, %get3A_194] {strides = array<i32>} : memref<128x128xf32, #tpu.memory_space<vmem>>, vector<16xf32>,
        %mul3A_196 = arith.mulf %get3A_190, %get3A_195 : vector<16xf32>
        %mul3A_197 = arith.mulf %mul3A_196, %get3A_35 : vector<16xf32>
        %add3A_198 = arith.addf %add3A_185, %mul3A_197 : vector<16xf32>
        %add3A_199 = arith.constant 0 : i32
        %add3A_200 = arith.addi %add3A_170, %add3A_199 : i32
        %get3A_201 = arith.index_cast %add3A_200 : i32 to index
        %get3A_202 = arith.constant 32 : index
        %get3A_203 = tpu.vector_load %arg11[%get3A_201, %get3A_202] {strides = array<i32>} : memref<128x128xf32, #tpu.memory_space<vmem>>, vector<16xf32>,
        %add3A_204 = arith.constant 0 : i32
        %add3A_205 = arith.addi %add3A_170, %add3A_204 : i32
        %get3A_206 = arith.index_cast %add3A_205 : i32 to index
        %get3A_207 = arith.constant 32 : index
        %get3A_208 = tpu.vector_load %arg13[%get3A_206, %get3A_207] {strides = array<i32>} : memref<128x128xf32, #tpu.memory_space<vmem>>, vector<16xf32>,
        %mul3A_209 = arith.mulf %get3A_203, %get3A_208 : vector<16xf32>
        %mul3A_210 = arith.mulf %mul3A_209, %get3A_37 : vector<16xf32>
        %add3A_211 = arith.addf %add3A_198, %mul3A_210 : vector<16xf32>
        %add3A_212 = arith.constant 0 : i32
        %add3A_213 = arith.addi %add3A_170, %add3A_212 : i32
        %get3A_214 = arith.index_cast %add3A_213 : i32 to index
        %get3A_215 = arith.constant 48 : index
        %get3A_216 = tpu.vector_load %arg11[%get3A_214, %get3A_215] {strides = array<i32>} : memref<128x128xf32, #tpu.memory_space<vmem>>, vector<16xf32>,
        %add3A_217 = arith.constant 0 : i32
        %add3A_218 = arith.addi %add3A_170, %add3A_217 : i32
        %get3A_219 = arith.index_cast %add3A_218 : i32 to index
        %get3A_220 = arith.constant 48 : index
        %get3A_221 = tpu.vector_load %arg13[%get3A_219, %get3A_220] {strides = array<i32>} : memref<128x128xf32, #tpu.memory_space<vmem>>, vector<16xf32>,
        %mul3A_222 = arith.mulf %get3A_216, %get3A_221 : vector<16xf32>
        %mul3A_223 = arith.mulf %mul3A_222, %get3A_39 : vector<16xf32>
        %add3A_224 = arith.addf %add3A_211, %mul3A_223 : vector<16xf32>
        %add3A_225 = arith.constant 0 : i32
        %add3A_226 = arith.addi %add3A_170, %add3A_225 : i32
        %get3A_227 = arith.index_cast %add3A_226 : i32 to index
        %get3A_228 = arith.constant 64 : index
        %get3A_229 = tpu.vector_load %arg11[%get3A_227, %get3A_228] {strides = array<i32>} : memref<128x128xf32, #tpu.memory_space<vmem>>, vector<16xf32>,
        %add3A_230 = arith.constant 0 : i32
        %add3A_231 = arith.addi %add3A_170, %add3A_230 : i32
        %get3A_232 = arith.index_cast %add3A_231 : i32 to index
        %get3A_233 = arith.constant 64 : index
        %get3A_234 = tpu.vector_load %arg13[%get3A_232, %get3A_233] {strides = array<i32>} : memref<128x128xf32, #tpu.memory_space<vmem>>, vector<16xf32>,
        %mul3A_235 = arith.mulf %get3A_229, %get3A_234 : vector<16xf32>
        %mul3A_236 = arith.mulf %mul3A_235, %get3A_41 : vector<16xf32>
        %add3A_237 = arith.addf %add3A_224, %mul3A_236 : vector<16xf32>
        %add3A_238 = arith.constant 0 : i32
        %add3A_239 = arith.addi %add3A_170, %add3A_238 : i32
        %get3A_240 = arith.index_cast %add3A_239 : i32 to index
        %get3A_241 = arith.constant 80 : index
        %get3A_242 = tpu.vector_load %arg11[%get3A_240, %get3A_241] {strides = array<i32>} : memref<128x128xf32, #tpu.memory_space<vmem>>, vector<16xf32>,
        %add3A_243 = arith.constant 0 : i32
        %add3A_244 = arith.addi %add3A_170, %add3A_243 : i32
        %get3A_245 = arith.index_cast %add3A_244 : i32 to index
        %get3A_246 = arith.constant 80 : index
        %get3A_247 = tpu.vector_load %arg13[%get3A_245, %get3A_246] {strides = array<i32>} : memref<128x128xf32, #tpu.memory_space<vmem>>, vector<16xf32>,
        %mul3A_248 = arith.mulf %get3A_242, %get3A_247 : vector<16xf32>
        %mul3A_249 = arith.mulf %mul3A_248, %get3A_43 : vector<16xf32>
        %add3A_250 = arith.addf %add3A_237, %mul3A_249 : vector<16xf32>
        %add3A_251 = arith.constant 0 : i32
        %add3A_252 = arith.addi %add3A_170, %add3A_251 : i32
        %get3A_253 = arith.index_cast %add3A_252 : i32 to index
        %get3A_254 = arith.constant 96 : index
        %get3A_255 = tpu.vector_load %arg11[%get3A_253, %get3A_254] {strides = array<i32>} : memref<128x128xf32, #tpu.memory_space<vmem>>, vector<16xf32>,
        %add3A_256 = arith.constant 0 : i32
        %add3A_257 = arith.addi %add3A_170, %add3A_256 : i32
        %get3A_258 = arith.index_cast %add3A_257 : i32 to index
        %get3A_259 = arith.constant 96 : index
        %get3A_260 = tpu.vector_load %arg13[%get3A_258, %get3A_259] {strides = array<i32>} : memref<128x128xf32, #tpu.memory_space<vmem>>, vector<16xf32>,
        %mul3A_261 = arith.mulf %get3A_255, %get3A_260 : vector<16xf32>
        %mul3A_262 = arith.mulf %mul3A_261, %get3A_45 : vector<16xf32>
        %add3A_263 = arith.addf %add3A_250, %mul3A_262 : vector<16xf32>
        %add3A_264 = arith.constant 0 : i32
        %add3A_265 = arith.addi %add3A_170, %add3A_264 : i32
        %get3A_266 = arith.index_cast %add3A_265 : i32 to index
        %get3A_267 = arith.constant 112 : index
        %get3A_268 = tpu.vector_load %arg11[%get3A_266, %get3A_267] {strides = array<i32>} : memref<128x128xf32, #tpu.memory_space<vmem>>, vector<16xf32>,
        %add3A_269 = arith.constant 0 : i32
        %add3A_270 = arith.addi %add3A_170, %add3A_269 : i32
        %get3A_271 = arith.index_cast %add3A_270 : i32 to index
        %get3A_272 = arith.constant 112 : index
        %get3A_273 = tpu.vector_load %arg13[%get3A_271, %get3A_272] {strides = array<i32>} : memref<128x128xf32, #tpu.memory_space<vmem>>, vector<16xf32>,
        %mul3A_274 = arith.mulf %get3A_268, %get3A_273 : vector<16xf32>
        %mul3A_275 = arith.mulf %mul3A_274, %get3A_47 : vector<16xf32>
        %add3A_276 = arith.addf %add3A_263, %mul3A_275 : vector<16xf32>
        %reduce_sum3A = arith.constant true
        %reduce_sum3A_277 = vector.broadcast %reduce_sum3A : i1 to vector<16xi1>
        %reduce_sum3A_278 = tpu.scan <sum>, %add3A_276 masked %reduce_sum3A_277 : vector<16xf32>, vector<16xi1> -> vector<16xf32>
        %reduce_sum3A_279 = vector.extract %reduce_sum3A_278[15] : f32 from vector<16xf32>
        %mul3A_280 = arith.constant 4 : i32
        %mul3A_281 = arith.muli %scan3A_164, %mul3A_280 : i32
        %add3A_282 = arith.constant 0 : i32
        %add3A_283 = arith.addi %mul3A_281, %add3A_282 : i32
        %eq3A = vector.broadcast %add3A_283 : i32 to vector<16xi32>
        %eq3A_284 = arith.cmpi eq, %iota3A, %eq3A : vector<16xi32>
        %broadcast_in_dim3A_285 = vector.broadcast %reduce_sum3A_279 : f32 to vector<16xf32>
        %select_n3A = arith.select %eq3A_284, %broadcast_in_dim3A_285, %scan3A_165 : vector<16xi1>, vector<16xf32>
        %broadcast_in_dim3A_286 = arith.constant 0.000000e+00 : f32
        %broadcast_in_dim3A_287 = vector.broadcast %broadcast_in_dim3A_286 : f32 to vector<16xf32>
        %add3A_288 = arith.constant 1 : i32
        %add3A_289 = arith.addi %add3A_170, %add3A_288 : i32
        %get3A_290 = arith.index_cast %add3A_289 : i32 to index
        %get3A_291 = arith.constant 0 : index
        %get3A_292 = tpu.vector_load %arg11[%get3A_290, %get3A_291] {strides = array<i32>} : memref<128x128xf32, #tpu.memory_space<vmem>>, vector<16xf32>,
        %add3A_293 = arith.constant 1 : i32
        %add3A_294 = arith.addi %add3A_170, %add3A_293 : i32
        %get3A_295 = arith.index_cast %add3A_294 : i32 to index
        %get3A_296 = arith.constant 0 : index
        %get3A_297 = tpu.vector_load %arg13[%get3A_295, %get3A_296] {strides = array<i32>} : memref<128x128xf32, #tpu.memory_space<vmem>>, vector<16xf32>,
        %mul3A_298 = arith.mulf %get3A_292, %get3A_297 : vector<16xf32>
        %mul3A_299 = arith.mulf %mul3A_298, %get3A_33 : vector<16xf32>
        %add3A_300 = arith.addf %broadcast_in_dim3A_287, %mul3A_299 : vector<16xf32>
        %add3A_301 = arith.constant 1 : i32
        %add3A_302 = arith.addi %add3A_170, %add3A_301 : i32
        %get3A_303 = arith.index_cast %add3A_302 : i32 to index
        %get3A_304 = arith.constant 16 : index
        %get3A_305 = tpu.vector_load %arg11[%get3A_303, %get3A_304] {strides = array<i32>} : memref<128x128xf32, #tpu.memory_space<vmem>>, vector<16xf32>,
        %add3A_306 = arith.constant 1 : i32
        %add3A_307 = arith.addi %add3A_170, %add3A_306 : i32
        %get3A_308 = arith.index_cast %add3A_307 : i32 to index
        %get3A_309 = arith.constant 16 : index
        %get3A_310 = tpu.vector_load %arg13[%get3A_308, %get3A_309] {strides = array<i32>} : memref<128x128xf32, #tpu.memory_space<vmem>>, vector<16xf32>,
        %mul3A_311 = arith.mulf %get3A_305, %get3A_310 : vector<16xf32>
        %mul3A_312 = arith.mulf %mul3A_311, %get3A_35 : vector<16xf32>
        %add3A_313 = arith.addf %add3A_300, %mul3A_312 : vector<16xf32>
        %add3A_314 = arith.constant 1 : i32
        %add3A_315 = arith.addi %add3A_170, %add3A_314 : i32
        %get3A_316 = arith.index_cast %add3A_315 : i32 to index
        %get3A_317 = arith.constant 32 : index
        %get3A_318 = tpu.vector_load %arg11[%get3A_316, %get3A_317] {strides = array<i32>} : memref<128x128xf32, #tpu.memory_space<vmem>>, vector<16xf32>,
        %add3A_319 = arith.constant 1 : i32
        %add3A_320 = arith.addi %add3A_170, %add3A_319 : i32
        %get3A_321 = arith.index_cast %add3A_320 : i32 to index
        %get3A_322 = arith.constant 32 : index
        %get3A_323 = tpu.vector_load %arg13[%get3A_321, %get3A_322] {strides = array<i32>} : memref<128x128xf32, #tpu.memory_space<vmem>>, vector<16xf32>,
        %mul3A_324 = arith.mulf %get3A_318, %get3A_323 : vector<16xf32>
        %mul3A_325 = arith.mulf %mul3A_324, %get3A_37 : vector<16xf32>
        %add3A_326 = arith.addf %add3A_313, %mul3A_325 : vector<16xf32>
        %add3A_327 = arith.constant 1 : i32
        %add3A_328 = arith.addi %add3A_170, %add3A_327 : i32
        %get3A_329 = arith.index_cast %add3A_328 : i32 to index
        %get3A_330 = arith.constant 48 : index
        %get3A_331 = tpu.vector_load %arg11[%get3A_329, %get3A_330] {strides = array<i32>} : memref<128x128xf32, #tpu.memory_space<vmem>>, vector<16xf32>,
        %add3A_332 = arith.constant 1 : i32
        %add3A_333 = arith.addi %add3A_170, %add3A_332 : i32
        %get3A_334 = arith.index_cast %add3A_333 : i32 to index
        %get3A_335 = arith.constant 48 : index
        %get3A_336 = tpu.vector_load %arg13[%get3A_334, %get3A_335] {strides = array<i32>} : memref<128x128xf32, #tpu.memory_space<vmem>>, vector<16xf32>,
        %mul3A_337 = arith.mulf %get3A_331, %get3A_336 : vector<16xf32>
        %mul3A_338 = arith.mulf %mul3A_337, %get3A_39 : vector<16xf32>
        %add3A_339 = arith.addf %add3A_326, %mul3A_338 : vector<16xf32>
        %add3A_340 = arith.constant 1 : i32
        %add3A_341 = arith.addi %add3A_170, %add3A_340 : i32
        %get3A_342 = arith.index_cast %add3A_341 : i32 to index
        %get3A_343 = arith.constant 64 : index
        %get3A_344 = tpu.vector_load %arg11[%get3A_342, %get3A_343] {strides = array<i32>} : memref<128x128xf32, #tpu.memory_space<vmem>>, vector<16xf32>,
        %add3A_345 = arith.constant 1 : i32
        %add3A_346 = arith.addi %add3A_170, %add3A_345 : i32
        %get3A_347 = arith.index_cast %add3A_346 : i32 to index
        %get3A_348 = arith.constant 64 : index
        %get3A_349 = tpu.vector_load %arg13[%get3A_347, %get3A_348] {strides = array<i32>} : memref<128x128xf32, #tpu.memory_space<vmem>>, vector<16xf32>,
        %mul3A_350 = arith.mulf %get3A_344, %get3A_349 : vector<16xf32>
        %mul3A_351 = arith.mulf %mul3A_350, %get3A_41 : vector<16xf32>
        %add3A_352 = arith.addf %add3A_339, %mul3A_351 : vector<16xf32>
        %add3A_353 = arith.constant 1 : i32
        %add3A_354 = arith.addi %add3A_170, %add3A_353 : i32
        %get3A_355 = arith.index_cast %add3A_354 : i32 to index
        %get3A_356 = arith.constant 80 : index
        %get3A_357 = tpu.vector_load %arg11[%get3A_355, %get3A_356] {strides = array<i32>} : memref<128x128xf32, #tpu.memory_space<vmem>>, vector<16xf32>,
        %add3A_358 = arith.constant 1 : i32
        %add3A_359 = arith.addi %add3A_170, %add3A_358 : i32
        %get3A_360 = arith.index_cast %add3A_359 : i32 to index
        %get3A_361 = arith.constant 80 : index
        %get3A_362 = tpu.vector_load %arg13[%get3A_360, %get3A_361] {strides = array<i32>} : memref<128x128xf32, #tpu.memory_space<vmem>>, vector<16xf32>,
        %mul3A_363 = arith.mulf %get3A_357, %get3A_362 : vector<16xf32>
        %mul3A_364 = arith.mulf %mul3A_363, %get3A_43 : vector<16xf32>
        %add3A_365 = arith.addf %add3A_352, %mul3A_364 : vector<16xf32>
        %add3A_366 = arith.constant 1 : i32
        %add3A_367 = arith.addi %add3A_170, %add3A_366 : i32
        %get3A_368 = arith.index_cast %add3A_367 : i32 to index
        %get3A_369 = arith.constant 96 : index
        %get3A_370 = tpu.vector_load %arg11[%get3A_368, %get3A_369] {strides = array<i32>} : memref<128x128xf32, #tpu.memory_space<vmem>>, vector<16xf32>,
        %add3A_371 = arith.constant 1 : i32
        %add3A_372 = arith.addi %add3A_170, %add3A_371 : i32
        %get3A_373 = arith.index_cast %add3A_372 : i32 to index
        %get3A_374 = arith.constant 96 : index
        %get3A_375 = tpu.vector_load %arg13[%get3A_373, %get3A_374] {strides = array<i32>} : memref<128x128xf32, #tpu.memory_space<vmem>>, vector<16xf32>,
        %mul3A_376 = arith.mulf %get3A_370, %get3A_375 : vector<16xf32>
        %mul3A_377 = arith.mulf %mul3A_376, %get3A_45 : vector<16xf32>
        %add3A_378 = arith.addf %add3A_365, %mul3A_377 : vector<16xf32>
        %add3A_379 = arith.constant 1 : i32
        %add3A_380 = arith.addi %add3A_170, %add3A_379 : i32
        %get3A_381 = arith.index_cast %add3A_380 : i32 to index
        %get3A_382 = arith.constant 112 : index
        %get3A_383 = tpu.vector_load %arg11[%get3A_381, %get3A_382] {strides = array<i32>} : memref<128x128xf32, #tpu.memory_space<vmem>>, vector<16xf32>,
        %add3A_384 = arith.constant 1 : i32
        %add3A_385 = arith.addi %add3A_170, %add3A_384 : i32
        %get3A_386 = arith.index_cast %add3A_385 : i32 to index
        %get3A_387 = arith.constant 112 : index
        %get3A_388 = tpu.vector_load %arg13[%get3A_386, %get3A_387] {strides = array<i32>} : memref<128x128xf32, #tpu.memory_space<vmem>>, vector<16xf32>,
        %mul3A_389 = arith.mulf %get3A_383, %get3A_388 : vector<16xf32>
        %mul3A_390 = arith.mulf %mul3A_389, %get3A_47 : vector<16xf32>
        %add3A_391 = arith.addf %add3A_378, %mul3A_390 : vector<16xf32>
        %reduce_sum3A_392 = arith.constant true
        %reduce_sum3A_393 = vector.broadcast %reduce_sum3A_392 : i1 to vector<16xi1>
        %reduce_sum3A_394 = tpu.scan <sum>, %add3A_391 masked %reduce_sum3A_393 : vector<16xf32>, vector<16xi1> -> vector<16xf32>
        %reduce_sum3A_395 = vector.extract %reduce_sum3A_394[15] : f32 from vector<16xf32>
        %mul3A_396 = arith.constant 4 : i32
        %mul3A_397 = arith.muli %scan3A_164, %mul3A_396 : i32
        %add3A_398 = arith.constant 1 : i32
        %add3A_399 = arith.addi %mul3A_397, %add3A_398 : i32
        %eq3A_400 = vector.broadcast %add3A_399 : i32 to vector<16xi32>
        %eq3A_401 = arith.cmpi eq, %iota3A, %eq3A_400 : vector<16xi32>
        %broadcast_in_dim3A_402 = vector.broadcast %reduce_sum3A_395 : f32 to vector<16xf32>
        %select_n3A_403 = arith.select %eq3A_401, %broadcast_in_dim3A_402, %select_n3A : vector<16xi1>, vector<16xf32>
        %broadcast_in_dim3A_404 = arith.constant 0.000000e+00 : f32
        %broadcast_in_dim3A_405 = vector.broadcast %broadcast_in_dim3A_404 : f32 to vector<16xf32>
        %add3A_406 = arith.constant 2 : i32
        %add3A_407 = arith.addi %add3A_170, %add3A_406 : i32
        %get3A_408 = arith.index_cast %add3A_407 : i32 to index
        %get3A_409 = arith.constant 0 : index
        %get3A_410 = tpu.vector_load %arg11[%get3A_408, %get3A_409] {strides = array<i32>} : memref<128x128xf32, #tpu.memory_space<vmem>>, vector<16xf32>,
        %add3A_411 = arith.constant 2 : i32
        %add3A_412 = arith.addi %add3A_170, %add3A_411 : i32
        %get3A_413 = arith.index_cast %add3A_412 : i32 to index
        %get3A_414 = arith.constant 0 : index
        %get3A_415 = tpu.vector_load %arg13[%get3A_413, %get3A_414] {strides = array<i32>} : memref<128x128xf32, #tpu.memory_space<vmem>>, vector<16xf32>,
        %mul3A_416 = arith.mulf %get3A_410, %get3A_415 : vector<16xf32>
        %mul3A_417 = arith.mulf %mul3A_416, %get3A_33 : vector<16xf32>
        %add3A_418 = arith.addf %broadcast_in_dim3A_405, %mul3A_417 : vector<16xf32>
        %add3A_419 = arith.constant 2 : i32
        %add3A_420 = arith.addi %add3A_170, %add3A_419 : i32
        %get3A_421 = arith.index_cast %add3A_420 : i32 to index
        %get3A_422 = arith.constant 16 : index
        %get3A_423 = tpu.vector_load %arg11[%get3A_421, %get3A_422] {strides = array<i32>} : memref<128x128xf32, #tpu.memory_space<vmem>>, vector<16xf32>,
        %add3A_424 = arith.constant 2 : i32
        %add3A_425 = arith.addi %add3A_170, %add3A_424 : i32
        %get3A_426 = arith.index_cast %add3A_425 : i32 to index
        %get3A_427 = arith.constant 16 : index
        %get3A_428 = tpu.vector_load %arg13[%get3A_426, %get3A_427] {strides = array<i32>} : memref<128x128xf32, #tpu.memory_space<vmem>>, vector<16xf32>,
        %mul3A_429 = arith.mulf %get3A_423, %get3A_428 : vector<16xf32>
        %mul3A_430 = arith.mulf %mul3A_429, %get3A_35 : vector<16xf32>
        %add3A_431 = arith.addf %add3A_418, %mul3A_430 : vector<16xf32>
        %add3A_432 = arith.constant 2 : i32
        %add3A_433 = arith.addi %add3A_170, %add3A_432 : i32
        %get3A_434 = arith.index_cast %add3A_433 : i32 to index
        %get3A_435 = arith.constant 32 : index
        %get3A_436 = tpu.vector_load %arg11[%get3A_434, %get3A_435] {strides = array<i32>} : memref<128x128xf32, #tpu.memory_space<vmem>>, vector<16xf32>,
        %add3A_437 = arith.constant 2 : i32
        %add3A_438 = arith.addi %add3A_170, %add3A_437 : i32
        %get3A_439 = arith.index_cast %add3A_438 : i32 to index
        %get3A_440 = arith.constant 32 : index
        %get3A_441 = tpu.vector_load %arg13[%get3A_439, %get3A_440] {strides = array<i32>} : memref<128x128xf32, #tpu.memory_space<vmem>>, vector<16xf32>,
        %mul3A_442 = arith.mulf %get3A_436, %get3A_441 : vector<16xf32>
        %mul3A_443 = arith.mulf %mul3A_442, %get3A_37 : vector<16xf32>
        %add3A_444 = arith.addf %add3A_431, %mul3A_443 : vector<16xf32>
        %add3A_445 = arith.constant 2 : i32
        %add3A_446 = arith.addi %add3A_170, %add3A_445 : i32
        %get3A_447 = arith.index_cast %add3A_446 : i32 to index
        %get3A_448 = arith.constant 48 : index
        %get3A_449 = tpu.vector_load %arg11[%get3A_447, %get3A_448] {strides = array<i32>} : memref<128x128xf32, #tpu.memory_space<vmem>>, vector<16xf32>,
        %add3A_450 = arith.constant 2 : i32
        %add3A_451 = arith.addi %add3A_170, %add3A_450 : i32
        %get3A_452 = arith.index_cast %add3A_451 : i32 to index
        %get3A_453 = arith.constant 48 : index
        %get3A_454 = tpu.vector_load %arg13[%get3A_452, %get3A_453] {strides = array<i32>} : memref<128x128xf32, #tpu.memory_space<vmem>>, vector<16xf32>,
        %mul3A_455 = arith.mulf %get3A_449, %get3A_454 : vector<16xf32>
        %mul3A_456 = arith.mulf %mul3A_455, %get3A_39 : vector<16xf32>
        %add3A_457 = arith.addf %add3A_444, %mul3A_456 : vector<16xf32>
        %add3A_458 = arith.constant 2 : i32
        %add3A_459 = arith.addi %add3A_170, %add3A_458 : i32
        %get3A_460 = arith.index_cast %add3A_459 : i32 to index
        %get3A_461 = arith.constant 64 : index
        %get3A_462 = tpu.vector_load %arg11[%get3A_460, %get3A_461] {strides = array<i32>} : memref<128x128xf32, #tpu.memory_space<vmem>>, vector<16xf32>,
        %add3A_463 = arith.constant 2 : i32
        %add3A_464 = arith.addi %add3A_170, %add3A_463 : i32
        %get3A_465 = arith.index_cast %add3A_464 : i32 to index
        %get3A_466 = arith.constant 64 : index
        %get3A_467 = tpu.vector_load %arg13[%get3A_465, %get3A_466] {strides = array<i32>} : memref<128x128xf32, #tpu.memory_space<vmem>>, vector<16xf32>,
        %mul3A_468 = arith.mulf %get3A_462, %get3A_467 : vector<16xf32>
        %mul3A_469 = arith.mulf %mul3A_468, %get3A_41 : vector<16xf32>
        %add3A_470 = arith.addf %add3A_457, %mul3A_469 : vector<16xf32>
        %add3A_471 = arith.constant 2 : i32
        %add3A_472 = arith.addi %add3A_170, %add3A_471 : i32
        %get3A_473 = arith.index_cast %add3A_472 : i32 to index
        %get3A_474 = arith.constant 80 : index
        %get3A_475 = tpu.vector_load %arg11[%get3A_473, %get3A_474] {strides = array<i32>} : memref<128x128xf32, #tpu.memory_space<vmem>>, vector<16xf32>,
        %add3A_476 = arith.constant 2 : i32
        %add3A_477 = arith.addi %add3A_170, %add3A_476 : i32
        %get3A_478 = arith.index_cast %add3A_477 : i32 to index
        %get3A_479 = arith.constant 80 : index
        %get3A_480 = tpu.vector_load %arg13[%get3A_478, %get3A_479] {strides = array<i32>} : memref<128x128xf32, #tpu.memory_space<vmem>>, vector<16xf32>,
        %mul3A_481 = arith.mulf %get3A_475, %get3A_480 : vector<16xf32>
        %mul3A_482 = arith.mulf %mul3A_481, %get3A_43 : vector<16xf32>
        %add3A_483 = arith.addf %add3A_470, %mul3A_482 : vector<16xf32>
        %add3A_484 = arith.constant 2 : i32
        %add3A_485 = arith.addi %add3A_170, %add3A_484 : i32
        %get3A_486 = arith.index_cast %add3A_485 : i32 to index
        %get3A_487 = arith.constant 96 : index
        %get3A_488 = tpu.vector_load %arg11[%get3A_486, %get3A_487] {strides = array<i32>} : memref<128x128xf32, #tpu.memory_space<vmem>>, vector<16xf32>,
        %add3A_489 = arith.constant 2 : i32
        %add3A_490 = arith.addi %add3A_170, %add3A_489 : i32
        %get3A_491 = arith.index_cast %add3A_490 : i32 to index
        %get3A_492 = arith.constant 96 : index
        %get3A_493 = tpu.vector_load %arg13[%get3A_491, %get3A_492] {strides = array<i32>} : memref<128x128xf32, #tpu.memory_space<vmem>>, vector<16xf32>,
        %mul3A_494 = arith.mulf %get3A_488, %get3A_493 : vector<16xf32>
        %mul3A_495 = arith.mulf %mul3A_494, %get3A_45 : vector<16xf32>
        %add3A_496 = arith.addf %add3A_483, %mul3A_495 : vector<16xf32>
        %add3A_497 = arith.constant 2 : i32
        %add3A_498 = arith.addi %add3A_170, %add3A_497 : i32
        %get3A_499 = arith.index_cast %add3A_498 : i32 to index
        %get3A_500 = arith.constant 112 : index
        %get3A_501 = tpu.vector_load %arg11[%get3A_499, %get3A_500] {strides = array<i32>} : memref<128x128xf32, #tpu.memory_space<vmem>>, vector<16xf32>,
        %add3A_502 = arith.constant 2 : i32
        %add3A_503 = arith.addi %add3A_170, %add3A_502 : i32
        %get3A_504 = arith.index_cast %add3A_503 : i32 to index
        %get3A_505 = arith.constant 112 : index
        %get3A_506 = tpu.vector_load %arg13[%get3A_504, %get3A_505] {strides = array<i32>} : memref<128x128xf32, #tpu.memory_space<vmem>>, vector<16xf32>,
        %mul3A_507 = arith.mulf %get3A_501, %get3A_506 : vector<16xf32>
        %mul3A_508 = arith.mulf %mul3A_507, %get3A_47 : vector<16xf32>
        %add3A_509 = arith.addf %add3A_496, %mul3A_508 : vector<16xf32>
        %reduce_sum3A_510 = arith.constant true
        %reduce_sum3A_511 = vector.broadcast %reduce_sum3A_510 : i1 to vector<16xi1>
        %reduce_sum3A_512 = tpu.scan <sum>, %add3A_509 masked %reduce_sum3A_511 : vector<16xf32>, vector<16xi1> -> vector<16xf32>
        %reduce_sum3A_513 = vector.extract %reduce_sum3A_512[15] : f32 from vector<16xf32>
        %mul3A_514 = arith.constant 4 : i32
        %mul3A_515 = arith.muli %scan3A_164, %mul3A_514 : i32
        %add3A_516 = arith.constant 2 : i32
        %add3A_517 = arith.addi %mul3A_515, %add3A_516 : i32
        %eq3A_518 = vector.broadcast %add3A_517 : i32 to vector<16xi32>
        %eq3A_519 = arith.cmpi eq, %iota3A, %eq3A_518 : vector<16xi32>
        %broadcast_in_dim3A_520 = vector.broadcast %reduce_sum3A_513 : f32 to vector<16xf32>
        %select_n3A_521 = arith.select %eq3A_519, %broadcast_in_dim3A_520, %select_n3A_403 : vector<16xi1>, vector<16xf32>
        %broadcast_in_dim3A_522 = arith.constant 0.000000e+00 : f32
        %broadcast_in_dim3A_523 = vector.broadcast %broadcast_in_dim3A_522 : f32 to vector<16xf32>
        %add3A_524 = arith.constant 3 : i32
        %add3A_525 = arith.addi %add3A_170, %add3A_524 : i32
        %get3A_526 = arith.index_cast %add3A_525 : i32 to index
        %get3A_527 = arith.constant 0 : index
        %get3A_528 = tpu.vector_load %arg11[%get3A_526, %get3A_527] {strides = array<i32>} : memref<128x128xf32, #tpu.memory_space<vmem>>, vector<16xf32>,
        %add3A_529 = arith.constant 3 : i32
        %add3A_530 = arith.addi %add3A_170, %add3A_529 : i32
        %get3A_531 = arith.index_cast %add3A_530 : i32 to index
        %get3A_532 = arith.constant 0 : index
        %get3A_533 = tpu.vector_load %arg13[%get3A_531, %get3A_532] {strides = array<i32>} : memref<128x128xf32, #tpu.memory_space<vmem>>, vector<16xf32>,
        %mul3A_534 = arith.mulf %get3A_528, %get3A_533 : vector<16xf32>
        %mul3A_535 = arith.mulf %mul3A_534, %get3A_33 : vector<16xf32>
        %add3A_536 = arith.addf %broadcast_in_dim3A_523, %mul3A_535 : vector<16xf32>
        %add3A_537 = arith.constant 3 : i32
        %add3A_538 = arith.addi %add3A_170, %add3A_537 : i32
        %get3A_539 = arith.index_cast %add3A_538 : i32 to index
        %get3A_540 = arith.constant 16 : index
        %get3A_541 = tpu.vector_load %arg11[%get3A_539, %get3A_540] {strides = array<i32>} : memref<128x128xf32, #tpu.memory_space<vmem>>, vector<16xf32>,
        %add3A_542 = arith.constant 3 : i32
        %add3A_543 = arith.addi %add3A_170, %add3A_542 : i32
        %get3A_544 = arith.index_cast %add3A_543 : i32 to index
        %get3A_545 = arith.constant 16 : index
        %get3A_546 = tpu.vector_load %arg13[%get3A_544, %get3A_545] {strides = array<i32>} : memref<128x128xf32, #tpu.memory_space<vmem>>, vector<16xf32>,
        %mul3A_547 = arith.mulf %get3A_541, %get3A_546 : vector<16xf32>
        %mul3A_548 = arith.mulf %mul3A_547, %get3A_35 : vector<16xf32>
        %add3A_549 = arith.addf %add3A_536, %mul3A_548 : vector<16xf32>
        %add3A_550 = arith.constant 3 : i32
        %add3A_551 = arith.addi %add3A_170, %add3A_550 : i32
        %get3A_552 = arith.index_cast %add3A_551 : i32 to index
        %get3A_553 = arith.constant 32 : index
        %get3A_554 = tpu.vector_load %arg11[%get3A_552, %get3A_553] {strides = array<i32>} : memref<128x128xf32, #tpu.memory_space<vmem>>, vector<16xf32>,
        %add3A_555 = arith.constant 3 : i32
        %add3A_556 = arith.addi %add3A_170, %add3A_555 : i32
        %get3A_557 = arith.index_cast %add3A_556 : i32 to index
        %get3A_558 = arith.constant 32 : index
        %get3A_559 = tpu.vector_load %arg13[%get3A_557, %get3A_558] {strides = array<i32>} : memref<128x128xf32, #tpu.memory_space<vmem>>, vector<16xf32>,
        %mul3A_560 = arith.mulf %get3A_554, %get3A_559 : vector<16xf32>
        %mul3A_561 = arith.mulf %mul3A_560, %get3A_37 : vector<16xf32>
        %add3A_562 = arith.addf %add3A_549, %mul3A_561 : vector<16xf32>
        %add3A_563 = arith.constant 3 : i32
        %add3A_564 = arith.addi %add3A_170, %add3A_563 : i32
        %get3A_565 = arith.index_cast %add3A_564 : i32 to index
        %get3A_566 = arith.constant 48 : index
        %get3A_567 = tpu.vector_load %arg11[%get3A_565, %get3A_566] {strides = array<i32>} : memref<128x128xf32, #tpu.memory_space<vmem>>, vector<16xf32>,
        %add3A_568 = arith.constant 3 : i32
        %add3A_569 = arith.addi %add3A_170, %add3A_568 : i32
        %get3A_570 = arith.index_cast %add3A_569 : i32 to index
        %get3A_571 = arith.constant 48 : index
        %get3A_572 = tpu.vector_load %arg13[%get3A_570, %get3A_571] {strides = array<i32>} : memref<128x128xf32, #tpu.memory_space<vmem>>, vector<16xf32>,
        %mul3A_573 = arith.mulf %get3A_567, %get3A_572 : vector<16xf32>
        %mul3A_574 = arith.mulf %mul3A_573, %get3A_39 : vector<16xf32>
        %add3A_575 = arith.addf %add3A_562, %mul3A_574 : vector<16xf32>
        %add3A_576 = arith.constant 3 : i32
        %add3A_577 = arith.addi %add3A_170, %add3A_576 : i32
        %get3A_578 = arith.index_cast %add3A_577 : i32 to index
        %get3A_579 = arith.constant 64 : index
        %get3A_580 = tpu.vector_load %arg11[%get3A_578, %get3A_579] {strides = array<i32>} : memref<128x128xf32, #tpu.memory_space<vmem>>, vector<16xf32>,
        %add3A_581 = arith.constant 3 : i32
        %add3A_582 = arith.addi %add3A_170, %add3A_581 : i32
        %get3A_583 = arith.index_cast %add3A_582 : i32 to index
        %get3A_584 = arith.constant 64 : index
        %get3A_585 = tpu.vector_load %arg13[%get3A_583, %get3A_584] {strides = array<i32>} : memref<128x128xf32, #tpu.memory_space<vmem>>, vector<16xf32>,
        %mul3A_586 = arith.mulf %get3A_580, %get3A_585 : vector<16xf32>
        %mul3A_587 = arith.mulf %mul3A_586, %get3A_41 : vector<16xf32>
        %add3A_588 = arith.addf %add3A_575, %mul3A_587 : vector<16xf32>
        %add3A_589 = arith.constant 3 : i32
        %add3A_590 = arith.addi %add3A_170, %add3A_589 : i32
        %get3A_591 = arith.index_cast %add3A_590 : i32 to index
        %get3A_592 = arith.constant 80 : index
        %get3A_593 = tpu.vector_load %arg11[%get3A_591, %get3A_592] {strides = array<i32>} : memref<128x128xf32, #tpu.memory_space<vmem>>, vector<16xf32>,
        %add3A_594 = arith.constant 3 : i32
        %add3A_595 = arith.addi %add3A_170, %add3A_594 : i32
        %get3A_596 = arith.index_cast %add3A_595 : i32 to index
        %get3A_597 = arith.constant 80 : index
        %get3A_598 = tpu.vector_load %arg13[%get3A_596, %get3A_597] {strides = array<i32>} : memref<128x128xf32, #tpu.memory_space<vmem>>, vector<16xf32>,
        %mul3A_599 = arith.mulf %get3A_593, %get3A_598 : vector<16xf32>
        %mul3A_600 = arith.mulf %mul3A_599, %get3A_43 : vector<16xf32>
        %add3A_601 = arith.addf %add3A_588, %mul3A_600 : vector<16xf32>
        %add3A_602 = arith.constant 3 : i32
        %add3A_603 = arith.addi %add3A_170, %add3A_602 : i32
        %get3A_604 = arith.index_cast %add3A_603 : i32 to index
        %get3A_605 = arith.constant 96 : index
        %get3A_606 = tpu.vector_load %arg11[%get3A_604, %get3A_605] {strides = array<i32>} : memref<128x128xf32, #tpu.memory_space<vmem>>, vector<16xf32>,
        %add3A_607 = arith.constant 3 : i32
        %add3A_608 = arith.addi %add3A_170, %add3A_607 : i32
        %get3A_609 = arith.index_cast %add3A_608 : i32 to index
        %get3A_610 = arith.constant 96 : index
        %get3A_611 = tpu.vector_load %arg13[%get3A_609, %get3A_610] {strides = array<i32>} : memref<128x128xf32, #tpu.memory_space<vmem>>, vector<16xf32>,
        %mul3A_612 = arith.mulf %get3A_606, %get3A_611 : vector<16xf32>
        %mul3A_613 = arith.mulf %mul3A_612, %get3A_45 : vector<16xf32>
        %add3A_614 = arith.addf %add3A_601, %mul3A_613 : vector<16xf32>
        %add3A_615 = arith.constant 3 : i32
        %add3A_616 = arith.addi %add3A_170, %add3A_615 : i32
        %get3A_617 = arith.index_cast %add3A_616 : i32 to index
        %get3A_618 = arith.constant 112 : index
        %get3A_619 = tpu.vector_load %arg11[%get3A_617, %get3A_618] {strides = array<i32>} : memref<128x128xf32, #tpu.memory_space<vmem>>, vector<16xf32>,
        %add3A_620 = arith.constant 3 : i32
        %add3A_621 = arith.addi %add3A_170, %add3A_620 : i32
        %get3A_622 = arith.index_cast %add3A_621 : i32 to index
        %get3A_623 = arith.constant 112 : index
        %get3A_624 = tpu.vector_load %arg13[%get3A_622, %get3A_623] {strides = array<i32>} : memref<128x128xf32, #tpu.memory_space<vmem>>, vector<16xf32>,
        %mul3A_625 = arith.mulf %get3A_619, %get3A_624 : vector<16xf32>
        %mul3A_626 = arith.mulf %mul3A_625, %get3A_47 : vector<16xf32>
        %add3A_627 = arith.addf %add3A_614, %mul3A_626 : vector<16xf32>
        %reduce_sum3A_628 = arith.constant true
        %reduce_sum3A_629 = vector.broadcast %reduce_sum3A_628 : i1 to vector<16xi1>
        %reduce_sum3A_630 = tpu.scan <sum>, %add3A_627 masked %reduce_sum3A_629 : vector<16xf32>, vector<16xi1> -> vector<16xf32>
        %reduce_sum3A_631 = vector.extract %reduce_sum3A_630[15] : f32 from vector<16xf32>
        %mul3A_632 = arith.constant 4 : i32
        %mul3A_633 = arith.muli %scan3A_164, %mul3A_632 : i32
        %add3A_634 = arith.constant 3 : i32
        %add3A_635 = arith.addi %mul3A_633, %add3A_634 : i32
        %eq3A_636 = vector.broadcast %add3A_635 : i32 to vector<16xi32>
        %eq3A_637 = arith.cmpi eq, %iota3A, %eq3A_636 : vector<16xi32>
        %broadcast_in_dim3A_638 = vector.broadcast %reduce_sum3A_631 : f32 to vector<16xf32>
        %select_n3A_639 = arith.select %eq3A_637, %broadcast_in_dim3A_638, %select_n3A_521 : vector<16xi1>, vector<16xf32>
        scf.yield %select_n3A_639 : vector<16xf32>
      }
      %scan3A_150 = arith.constant 4 : i32
      %add3A_151 = arith.addf %scan3A_149, %get3A_49 : vector<16xf32>
      %neg3A = arith.constant 0.000000e+00 : f32
      %neg3A_152 = vector.broadcast %neg3A : f32 to vector<16xf32>
      %neg3A_153 = arith.subf %neg3A_152, %add3A_151 : vector<16xf32>
      %exp3A = math.exp %neg3A_153 : vector<16xf32>
      %add3A_154 = arith.constant 1.000000e+00 : f32
      %add3A_155 = vector.broadcast %add3A_154 : f32 to vector<16xf32>
      %add3A_156 = arith.addf %add3A_155, %exp3A : vector<16xf32>
      %div3A = arith.constant 1.000000e+00 : f32
      %div3A_157 = vector.broadcast %div3A : f32 to vector<16xf32>
      %div3A_158 = arith.divf %div3A_157, %add3A_156 : vector<16xf32>
      %mul3A_159 = arith.constant 16 : i32
      %mul3A_160 = arith.muli %add3A_143, %mul3A_159 : i32
      %add3A_161 = arith.constant 0 : i32
      %add3A_162 = arith.addi %add3A_161, %mul3A_160 : i32
      %swap3A = arith.index_cast %add3A_162 : i32 to index
      %swap3A_163 = tpu.vector_load %arg15[%swap3A] {strides = array<i32>} : memref<512xf32, #tpu.memory_space<vmem>>, vector<16xf32>,
      tpu.vector_store %arg15[%swap3A], %div3A_158 {strides = array<i32>} : memref<512xf32, #tpu.memory_space<vmem>>, vector<16xf32>,
    }
    %scan3A_73 = arith.constant 8 : i32
    %dma_start3A_74 = arith.constant 256 : i32
    %dma_start3A_75 = tpu.memref_slice %arg9[%dma_start3A_74] : memref<512xi32, #tpu.memory_space<vmem>> -> memref<128xi32, #tpu.memory_space<vmem>>
    %dma_start3A_76 = arith.constant 0 : i32
    %dma_start3A_77 = arith.constant 0 : i32
    %dma_start3A_78 = tpu.memref_slice %arg4[%dma_start3A_76, %dma_start3A_77] : memref<1000000x128xf32, #tpu.memory_space<hbm>> -> memref<1000000x128xf32, #tpu.memory_space<hbm>>
    tpu.enqueue_indirect_dma source(%dma_start3A_78 : memref<1000000x128xf32, #tpu.memory_space<hbm>>) target(%arg11 : memref<128x128xf32, #tpu.memory_space<vmem>>) offsets(%dma_start3A_75 : memref<128xi32, #tpu.memory_space<vmem>>) semaphore(%arg18 : memref<!tpu.dma_semaphore, #tpu.memory_space<semaphore_mem>>)
    %dma_start3A_79 = arith.constant 256 : i32
    %dma_start3A_80 = tpu.memref_slice %arg10[%dma_start3A_79] : memref<512xi32, #tpu.memory_space<vmem>> -> memref<128xi32, #tpu.memory_space<vmem>>
    %dma_start3A_81 = arith.constant 0 : i32
    %dma_start3A_82 = arith.constant 0 : i32
    %dma_start3A_83 = tpu.memref_slice %arg5[%dma_start3A_81, %dma_start3A_82] : memref<100000x128xf32, #tpu.memory_space<hbm>> -> memref<100000x128xf32, #tpu.memory_space<hbm>>
    tpu.enqueue_indirect_dma source(%dma_start3A_83 : memref<100000x128xf32, #tpu.memory_space<hbm>>) target(%arg13 : memref<128x128xf32, #tpu.memory_space<vmem>>) offsets(%dma_start3A_80 : memref<128xi32, #tpu.memory_space<vmem>>) semaphore(%arg20 : memref<!tpu.dma_semaphore, #tpu.memory_space<semaphore_mem>>)
    %dma_wait3A_84 = arith.constant 128 : i32
    %dma_wait3A_85 = tpu.memref_slice %arg9[%dma_wait3A_84] : memref<512xi32, #tpu.memory_space<vmem>> -> memref<128xi32, #tpu.memory_space<vmem>>
    %dma_wait3A_86 = arith.constant 0 : i32
    %dma_wait3A_87 = arith.constant 0 : i32
    %dma_wait3A_88 = tpu.memref_slice %arg4[%dma_wait3A_86, %dma_wait3A_87] : memref<1000000x128xf32, #tpu.memory_space<hbm>> -> memref<1000000x128xf32, #tpu.memory_space<hbm>>
    tpu.wait_indirect_dma semaphore(%arg19 : memref<!tpu.dma_semaphore, #tpu.memory_space<semaphore_mem>>) src(%dma_wait3A_88 : memref<1000000x128xf32, #tpu.memory_space<hbm>>) dst(%arg12 : memref<128x128xf32, #tpu.memory_space<vmem>>)
    %dma_wait3A_89 = arith.constant 128 : i32
    %dma_wait3A_90 = tpu.memref_slice %arg10[%dma_wait3A_89] : memref<512xi32, #tpu.memory_space<vmem>> -> memref<128xi32, #tpu.memory_space<vmem>>
    %dma_wait3A_91 = arith.constant 0 : i32
    %dma_wait3A_92 = arith.constant 0 : i32
    %dma_wait3A_93 = tpu.memref_slice %arg5[%dma_wait3A_91, %dma_wait3A_92] : memref<100000x128xf32, #tpu.memory_space<hbm>> -> memref<100000x128xf32, #tpu.memory_space<hbm>>
    tpu.wait_indirect_dma semaphore(%arg21 : memref<!tpu.dma_semaphore, #tpu.memory_space<semaphore_mem>>) src(%dma_wait3A_93 : memref<100000x128xf32, #tpu.memory_space<hbm>>) dst(%arg14 : memref<128x128xf32, #tpu.memory_space<vmem>>)
    %scan3A_94 = arith.constant 0 : i32
    %scan3A_95 = arith.constant 8 : i32
    %scan3A_96 = arith.addi %scan3A_94, %scan3A_95 : i32
    %scan3A_97 = arith.constant 1 : i32
    scf.for %scan3A_139 = %scan3A_94 to %scan3A_96 step %scan3A_97  : i32 {
      %mul3A_140 = arith.constant 1 : i32
      %mul3A_141 = arith.muli %scan3A_139, %mul3A_140 : i32
      %add3A_142 = arith.constant 0 : i32
      %add3A_143 = arith.addi %add3A_142, %mul3A_141 : i32
      %iota3A = tpu.iota {dimensions = array<i32: 0>} : vector<16xi32>
      %broadcast_in_dim3A = arith.constant 0.000000e+00 : f32
      %broadcast_in_dim3A_144 = vector.broadcast %broadcast_in_dim3A : f32 to vector<16xf32>
      %scan3A_145 = arith.constant 0 : i32
      %scan3A_146 = arith.constant 4 : i32
      %scan3A_147 = arith.addi %scan3A_145, %scan3A_146 : i32
      %scan3A_148 = arith.constant 1 : i32
      %scan3A_149 = scf.for %scan3A_164 = %scan3A_145 to %scan3A_147 step %scan3A_148 iter_args(%scan3A_165 = %broadcast_in_dim3A_144) -> (vector<16xf32>)  : i32 {
        %mul3A_166 = arith.constant 16 : i32
        %mul3A_167 = arith.muli %add3A_143, %mul3A_166 : i32
        %mul3A_168 = arith.constant 4 : i32
        %mul3A_169 = arith.muli %scan3A_164, %mul3A_168 : i32
        %add3A_170 = arith.addi %mul3A_167, %mul3A_169 : i32
        %broadcast_in_dim3A_171 = arith.constant 0.000000e+00 : f32
        %broadcast_in_dim3A_172 = vector.broadcast %broadcast_in_dim3A_171 : f32 to vector<16xf32>
        %add3A_173 = arith.constant 0 : i32
        %add3A_174 = arith.addi %add3A_170, %add3A_173 : i32
        %get3A_175 = arith.index_cast %add3A_174 : i32 to index
        %get3A_176 = arith.constant 0 : index
        %get3A_177 = tpu.vector_load %arg12[%get3A_175, %get3A_176] {strides = array<i32>} : memref<128x128xf32, #tpu.memory_space<vmem>>, vector<16xf32>,
        %add3A_178 = arith.constant 0 : i32
        %add3A_179 = arith.addi %add3A_170, %add3A_178 : i32
        %get3A_180 = arith.index_cast %add3A_179 : i32 to index
        %get3A_181 = arith.constant 0 : index
        %get3A_182 = tpu.vector_load %arg14[%get3A_180, %get3A_181] {strides = array<i32>} : memref<128x128xf32, #tpu.memory_space<vmem>>, vector<16xf32>,
        %mul3A_183 = arith.mulf %get3A_177, %get3A_182 : vector<16xf32>
        %mul3A_184 = arith.mulf %mul3A_183, %get3A_33 : vector<16xf32>
        %add3A_185 = arith.addf %broadcast_in_dim3A_172, %mul3A_184 : vector<16xf32>
        %add3A_186 = arith.constant 0 : i32
        %add3A_187 = arith.addi %add3A_170, %add3A_186 : i32
        %get3A_188 = arith.index_cast %add3A_187 : i32 to index
        %get3A_189 = arith.constant 16 : index
        %get3A_190 = tpu.vector_load %arg12[%get3A_188, %get3A_189] {strides = array<i32>} : memref<128x128xf32, #tpu.memory_space<vmem>>, vector<16xf32>,
        %add3A_191 = arith.constant 0 : i32
        %add3A_192 = arith.addi %add3A_170, %add3A_191 : i32
        %get3A_193 = arith.index_cast %add3A_192 : i32 to index
        %get3A_194 = arith.constant 16 : index
        %get3A_195 = tpu.vector_load %arg14[%get3A_193, %get3A_194] {strides = array<i32>} : memref<128x128xf32, #tpu.memory_space<vmem>>, vector<16xf32>,
        %mul3A_196 = arith.mulf %get3A_190, %get3A_195 : vector<16xf32>
        %mul3A_197 = arith.mulf %mul3A_196, %get3A_35 : vector<16xf32>
        %add3A_198 = arith.addf %add3A_185, %mul3A_197 : vector<16xf32>
        %add3A_199 = arith.constant 0 : i32
        %add3A_200 = arith.addi %add3A_170, %add3A_199 : i32
        %get3A_201 = arith.index_cast %add3A_200 : i32 to index
        %get3A_202 = arith.constant 32 : index
        %get3A_203 = tpu.vector_load %arg12[%get3A_201, %get3A_202] {strides = array<i32>} : memref<128x128xf32, #tpu.memory_space<vmem>>, vector<16xf32>,
        %add3A_204 = arith.constant 0 : i32
        %add3A_205 = arith.addi %add3A_170, %add3A_204 : i32
        %get3A_206 = arith.index_cast %add3A_205 : i32 to index
        %get3A_207 = arith.constant 32 : index
        %get3A_208 = tpu.vector_load %arg14[%get3A_206, %get3A_207] {strides = array<i32>} : memref<128x128xf32, #tpu.memory_space<vmem>>, vector<16xf32>,
        %mul3A_209 = arith.mulf %get3A_203, %get3A_208 : vector<16xf32>
        %mul3A_210 = arith.mulf %mul3A_209, %get3A_37 : vector<16xf32>
        %add3A_211 = arith.addf %add3A_198, %mul3A_210 : vector<16xf32>
        %add3A_212 = arith.constant 0 : i32
        %add3A_213 = arith.addi %add3A_170, %add3A_212 : i32
        %get3A_214 = arith.index_cast %add3A_213 : i32 to index
        %get3A_215 = arith.constant 48 : index
        %get3A_216 = tpu.vector_load %arg12[%get3A_214, %get3A_215] {strides = array<i32>} : memref<128x128xf32, #tpu.memory_space<vmem>>, vector<16xf32>,
        %add3A_217 = arith.constant 0 : i32
        %add3A_218 = arith.addi %add3A_170, %add3A_217 : i32
        %get3A_219 = arith.index_cast %add3A_218 : i32 to index
        %get3A_220 = arith.constant 48 : index
        %get3A_221 = tpu.vector_load %arg14[%get3A_219, %get3A_220] {strides = array<i32>} : memref<128x128xf32, #tpu.memory_space<vmem>>, vector<16xf32>,
        %mul3A_222 = arith.mulf %get3A_216, %get3A_221 : vector<16xf32>
        %mul3A_223 = arith.mulf %mul3A_222, %get3A_39 : vector<16xf32>
        %add3A_224 = arith.addf %add3A_211, %mul3A_223 : vector<16xf32>
        %add3A_225 = arith.constant 0 : i32
        %add3A_226 = arith.addi %add3A_170, %add3A_225 : i32
        %get3A_227 = arith.index_cast %add3A_226 : i32 to index
        %get3A_228 = arith.constant 64 : index
        %get3A_229 = tpu.vector_load %arg12[%get3A_227, %get3A_228] {strides = array<i32>} : memref<128x128xf32, #tpu.memory_space<vmem>>, vector<16xf32>,
        %add3A_230 = arith.constant 0 : i32
        %add3A_231 = arith.addi %add3A_170, %add3A_230 : i32
        %get3A_232 = arith.index_cast %add3A_231 : i32 to index
        %get3A_233 = arith.constant 64 : index
        %get3A_234 = tpu.vector_load %arg14[%get3A_232, %get3A_233] {strides = array<i32>} : memref<128x128xf32, #tpu.memory_space<vmem>>, vector<16xf32>,
        %mul3A_235 = arith.mulf %get3A_229, %get3A_234 : vector<16xf32>
        %mul3A_236 = arith.mulf %mul3A_235, %get3A_41 : vector<16xf32>
        %add3A_237 = arith.addf %add3A_224, %mul3A_236 : vector<16xf32>
        %add3A_238 = arith.constant 0 : i32
        %add3A_239 = arith.addi %add3A_170, %add3A_238 : i32
        %get3A_240 = arith.index_cast %add3A_239 : i32 to index
        %get3A_241 = arith.constant 80 : index
        %get3A_242 = tpu.vector_load %arg12[%get3A_240, %get3A_241] {strides = array<i32>} : memref<128x128xf32, #tpu.memory_space<vmem>>, vector<16xf32>,
        %add3A_243 = arith.constant 0 : i32
        %add3A_244 = arith.addi %add3A_170, %add3A_243 : i32
        %get3A_245 = arith.index_cast %add3A_244 : i32 to index
        %get3A_246 = arith.constant 80 : index
        %get3A_247 = tpu.vector_load %arg14[%get3A_245, %get3A_246] {strides = array<i32>} : memref<128x128xf32, #tpu.memory_space<vmem>>, vector<16xf32>,
        %mul3A_248 = arith.mulf %get3A_242, %get3A_247 : vector<16xf32>
        %mul3A_249 = arith.mulf %mul3A_248, %get3A_43 : vector<16xf32>
        %add3A_250 = arith.addf %add3A_237, %mul3A_249 : vector<16xf32>
        %add3A_251 = arith.constant 0 : i32
        %add3A_252 = arith.addi %add3A_170, %add3A_251 : i32
        %get3A_253 = arith.index_cast %add3A_252 : i32 to index
        %get3A_254 = arith.constant 96 : index
        %get3A_255 = tpu.vector_load %arg12[%get3A_253, %get3A_254] {strides = array<i32>} : memref<128x128xf32, #tpu.memory_space<vmem>>, vector<16xf32>,
        %add3A_256 = arith.constant 0 : i32
        %add3A_257 = arith.addi %add3A_170, %add3A_256 : i32
        %get3A_258 = arith.index_cast %add3A_257 : i32 to index
        %get3A_259 = arith.constant 96 : index
        %get3A_260 = tpu.vector_load %arg14[%get3A_258, %get3A_259] {strides = array<i32>} : memref<128x128xf32, #tpu.memory_space<vmem>>, vector<16xf32>,
        %mul3A_261 = arith.mulf %get3A_255, %get3A_260 : vector<16xf32>
        %mul3A_262 = arith.mulf %mul3A_261, %get3A_45 : vector<16xf32>
        %add3A_263 = arith.addf %add3A_250, %mul3A_262 : vector<16xf32>
        %add3A_264 = arith.constant 0 : i32
        %add3A_265 = arith.addi %add3A_170, %add3A_264 : i32
        %get3A_266 = arith.index_cast %add3A_265 : i32 to index
        %get3A_267 = arith.constant 112 : index
        %get3A_268 = tpu.vector_load %arg12[%get3A_266, %get3A_267] {strides = array<i32>} : memref<128x128xf32, #tpu.memory_space<vmem>>, vector<16xf32>,
        %add3A_269 = arith.constant 0 : i32
        %add3A_270 = arith.addi %add3A_170, %add3A_269 : i32
        %get3A_271 = arith.index_cast %add3A_270 : i32 to index
        %get3A_272 = arith.constant 112 : index
        %get3A_273 = tpu.vector_load %arg14[%get3A_271, %get3A_272] {strides = array<i32>} : memref<128x128xf32, #tpu.memory_space<vmem>>, vector<16xf32>,
        %mul3A_274 = arith.mulf %get3A_268, %get3A_273 : vector<16xf32>
        %mul3A_275 = arith.mulf %mul3A_274, %get3A_47 : vector<16xf32>
        %add3A_276 = arith.addf %add3A_263, %mul3A_275 : vector<16xf32>
        %reduce_sum3A = arith.constant true
        %reduce_sum3A_277 = vector.broadcast %reduce_sum3A : i1 to vector<16xi1>
        %reduce_sum3A_278 = tpu.scan <sum>, %add3A_276 masked %reduce_sum3A_277 : vector<16xf32>, vector<16xi1> -> vector<16xf32>
        %reduce_sum3A_279 = vector.extract %reduce_sum3A_278[15] : f32 from vector<16xf32>
        %mul3A_280 = arith.constant 4 : i32
        %mul3A_281 = arith.muli %scan3A_164, %mul3A_280 : i32
        %add3A_282 = arith.constant 0 : i32
        %add3A_283 = arith.addi %mul3A_281, %add3A_282 : i32
        %eq3A = vector.broadcast %add3A_283 : i32 to vector<16xi32>
        %eq3A_284 = arith.cmpi eq, %iota3A, %eq3A : vector<16xi32>
        %broadcast_in_dim3A_285 = vector.broadcast %reduce_sum3A_279 : f32 to vector<16xf32>
        %select_n3A = arith.select %eq3A_284, %broadcast_in_dim3A_285, %scan3A_165 : vector<16xi1>, vector<16xf32>
        %broadcast_in_dim3A_286 = arith.constant 0.000000e+00 : f32
        %broadcast_in_dim3A_287 = vector.broadcast %broadcast_in_dim3A_286 : f32 to vector<16xf32>
        %add3A_288 = arith.constant 1 : i32
        %add3A_289 = arith.addi %add3A_170, %add3A_288 : i32
        %get3A_290 = arith.index_cast %add3A_289 : i32 to index
        %get3A_291 = arith.constant 0 : index
        %get3A_292 = tpu.vector_load %arg12[%get3A_290, %get3A_291] {strides = array<i32>} : memref<128x128xf32, #tpu.memory_space<vmem>>, vector<16xf32>,
        %add3A_293 = arith.constant 1 : i32
        %add3A_294 = arith.addi %add3A_170, %add3A_293 : i32
        %get3A_295 = arith.index_cast %add3A_294 : i32 to index
        %get3A_296 = arith.constant 0 : index
        %get3A_297 = tpu.vector_load %arg14[%get3A_295, %get3A_296] {strides = array<i32>} : memref<128x128xf32, #tpu.memory_space<vmem>>, vector<16xf32>,
        %mul3A_298 = arith.mulf %get3A_292, %get3A_297 : vector<16xf32>
        %mul3A_299 = arith.mulf %mul3A_298, %get3A_33 : vector<16xf32>
        %add3A_300 = arith.addf %broadcast_in_dim3A_287, %mul3A_299 : vector<16xf32>
        %add3A_301 = arith.constant 1 : i32
        %add3A_302 = arith.addi %add3A_170, %add3A_301 : i32
        %get3A_303 = arith.index_cast %add3A_302 : i32 to index
        %get3A_304 = arith.constant 16 : index
        %get3A_305 = tpu.vector_load %arg12[%get3A_303, %get3A_304] {strides = array<i32>} : memref<128x128xf32, #tpu.memory_space<vmem>>, vector<16xf32>,
        %add3A_306 = arith.constant 1 : i32
        %add3A_307 = arith.addi %add3A_170, %add3A_306 : i32
        %get3A_308 = arith.index_cast %add3A_307 : i32 to index
        %get3A_309 = arith.constant 16 : index
        %get3A_310 = tpu.vector_load %arg14[%get3A_308, %get3A_309] {strides = array<i32>} : memref<128x128xf32, #tpu.memory_space<vmem>>, vector<16xf32>,
        %mul3A_311 = arith.mulf %get3A_305, %get3A_310 : vector<16xf32>
        %mul3A_312 = arith.mulf %mul3A_311, %get3A_35 : vector<16xf32>
        %add3A_313 = arith.addf %add3A_300, %mul3A_312 : vector<16xf32>
        %add3A_314 = arith.constant 1 : i32
        %add3A_315 = arith.addi %add3A_170, %add3A_314 : i32
        %get3A_316 = arith.index_cast %add3A_315 : i32 to index
        %get3A_317 = arith.constant 32 : index
        %get3A_318 = tpu.vector_load %arg12[%get3A_316, %get3A_317] {strides = array<i32>} : memref<128x128xf32, #tpu.memory_space<vmem>>, vector<16xf32>,
        %add3A_319 = arith.constant 1 : i32
        %add3A_320 = arith.addi %add3A_170, %add3A_319 : i32
        %get3A_321 = arith.index_cast %add3A_320 : i32 to index
        %get3A_322 = arith.constant 32 : index
        %get3A_323 = tpu.vector_load %arg14[%get3A_321, %get3A_322] {strides = array<i32>} : memref<128x128xf32, #tpu.memory_space<vmem>>, vector<16xf32>,
        %mul3A_324 = arith.mulf %get3A_318, %get3A_323 : vector<16xf32>
        %mul3A_325 = arith.mulf %mul3A_324, %get3A_37 : vector<16xf32>
        %add3A_326 = arith.addf %add3A_313, %mul3A_325 : vector<16xf32>
        %add3A_327 = arith.constant 1 : i32
        %add3A_328 = arith.addi %add3A_170, %add3A_327 : i32
        %get3A_329 = arith.index_cast %add3A_328 : i32 to index
        %get3A_330 = arith.constant 48 : index
        %get3A_331 = tpu.vector_load %arg12[%get3A_329, %get3A_330] {strides = array<i32>} : memref<128x128xf32, #tpu.memory_space<vmem>>, vector<16xf32>,
        %add3A_332 = arith.constant 1 : i32
        %add3A_333 = arith.addi %add3A_170, %add3A_332 : i32
        %get3A_334 = arith.index_cast %add3A_333 : i32 to index
        %get3A_335 = arith.constant 48 : index
        %get3A_336 = tpu.vector_load %arg14[%get3A_334, %get3A_335] {strides = array<i32>} : memref<128x128xf32, #tpu.memory_space<vmem>>, vector<16xf32>,
        %mul3A_337 = arith.mulf %get3A_331, %get3A_336 : vector<16xf32>
        %mul3A_338 = arith.mulf %mul3A_337, %get3A_39 : vector<16xf32>
        %add3A_339 = arith.addf %add3A_326, %mul3A_338 : vector<16xf32>
        %add3A_340 = arith.constant 1 : i32
        %add3A_341 = arith.addi %add3A_170, %add3A_340 : i32
        %get3A_342 = arith.index_cast %add3A_341 : i32 to index
        %get3A_343 = arith.constant 64 : index
        %get3A_344 = tpu.vector_load %arg12[%get3A_342, %get3A_343] {strides = array<i32>} : memref<128x128xf32, #tpu.memory_space<vmem>>, vector<16xf32>,
        %add3A_345 = arith.constant 1 : i32
        %add3A_346 = arith.addi %add3A_170, %add3A_345 : i32
        %get3A_347 = arith.index_cast %add3A_346 : i32 to index
        %get3A_348 = arith.constant 64 : index
        %get3A_349 = tpu.vector_load %arg14[%get3A_347, %get3A_348] {strides = array<i32>} : memref<128x128xf32, #tpu.memory_space<vmem>>, vector<16xf32>,
        %mul3A_350 = arith.mulf %get3A_344, %get3A_349 : vector<16xf32>
        %mul3A_351 = arith.mulf %mul3A_350, %get3A_41 : vector<16xf32>
        %add3A_352 = arith.addf %add3A_339, %mul3A_351 : vector<16xf32>
        %add3A_353 = arith.constant 1 : i32
        %add3A_354 = arith.addi %add3A_170, %add3A_353 : i32
        %get3A_355 = arith.index_cast %add3A_354 : i32 to index
        %get3A_356 = arith.constant 80 : index
        %get3A_357 = tpu.vector_load %arg12[%get3A_355, %get3A_356] {strides = array<i32>} : memref<128x128xf32, #tpu.memory_space<vmem>>, vector<16xf32>,
        %add3A_358 = arith.constant 1 : i32
        %add3A_359 = arith.addi %add3A_170, %add3A_358 : i32
        %get3A_360 = arith.index_cast %add3A_359 : i32 to index
        %get3A_361 = arith.constant 80 : index
        %get3A_362 = tpu.vector_load %arg14[%get3A_360, %get3A_361] {strides = array<i32>} : memref<128x128xf32, #tpu.memory_space<vmem>>, vector<16xf32>,
        %mul3A_363 = arith.mulf %get3A_357, %get3A_362 : vector<16xf32>
        %mul3A_364 = arith.mulf %mul3A_363, %get3A_43 : vector<16xf32>
        %add3A_365 = arith.addf %add3A_352, %mul3A_364 : vector<16xf32>
        %add3A_366 = arith.constant 1 : i32
        %add3A_367 = arith.addi %add3A_170, %add3A_366 : i32
        %get3A_368 = arith.index_cast %add3A_367 : i32 to index
        %get3A_369 = arith.constant 96 : index
        %get3A_370 = tpu.vector_load %arg12[%get3A_368, %get3A_369] {strides = array<i32>} : memref<128x128xf32, #tpu.memory_space<vmem>>, vector<16xf32>,
        %add3A_371 = arith.constant 1 : i32
        %add3A_372 = arith.addi %add3A_170, %add3A_371 : i32
        %get3A_373 = arith.index_cast %add3A_372 : i32 to index
        %get3A_374 = arith.constant 96 : index
        %get3A_375 = tpu.vector_load %arg14[%get3A_373, %get3A_374] {strides = array<i32>} : memref<128x128xf32, #tpu.memory_space<vmem>>, vector<16xf32>,
        %mul3A_376 = arith.mulf %get3A_370, %get3A_375 : vector<16xf32>
        %mul3A_377 = arith.mulf %mul3A_376, %get3A_45 : vector<16xf32>
        %add3A_378 = arith.addf %add3A_365, %mul3A_377 : vector<16xf32>
        %add3A_379 = arith.constant 1 : i32
        %add3A_380 = arith.addi %add3A_170, %add3A_379 : i32
        %get3A_381 = arith.index_cast %add3A_380 : i32 to index
        %get3A_382 = arith.constant 112 : index
        %get3A_383 = tpu.vector_load %arg12[%get3A_381, %get3A_382] {strides = array<i32>} : memref<128x128xf32, #tpu.memory_space<vmem>>, vector<16xf32>,
        %add3A_384 = arith.constant 1 : i32
        %add3A_385 = arith.addi %add3A_170, %add3A_384 : i32
        %get3A_386 = arith.index_cast %add3A_385 : i32 to index
        %get3A_387 = arith.constant 112 : index
        %get3A_388 = tpu.vector_load %arg14[%get3A_386, %get3A_387] {strides = array<i32>} : memref<128x128xf32, #tpu.memory_space<vmem>>, vector<16xf32>,
        %mul3A_389 = arith.mulf %get3A_383, %get3A_388 : vector<16xf32>
        %mul3A_390 = arith.mulf %mul3A_389, %get3A_47 : vector<16xf32>
        %add3A_391 = arith.addf %add3A_378, %mul3A_390 : vector<16xf32>
        %reduce_sum3A_392 = arith.constant true
        %reduce_sum3A_393 = vector.broadcast %reduce_sum3A_392 : i1 to vector<16xi1>
        %reduce_sum3A_394 = tpu.scan <sum>, %add3A_391 masked %reduce_sum3A_393 : vector<16xf32>, vector<16xi1> -> vector<16xf32>
        %reduce_sum3A_395 = vector.extract %reduce_sum3A_394[15] : f32 from vector<16xf32>
        %mul3A_396 = arith.constant 4 : i32
        %mul3A_397 = arith.muli %scan3A_164, %mul3A_396 : i32
        %add3A_398 = arith.constant 1 : i32
        %add3A_399 = arith.addi %mul3A_397, %add3A_398 : i32
        %eq3A_400 = vector.broadcast %add3A_399 : i32 to vector<16xi32>
        %eq3A_401 = arith.cmpi eq, %iota3A, %eq3A_400 : vector<16xi32>
        %broadcast_in_dim3A_402 = vector.broadcast %reduce_sum3A_395 : f32 to vector<16xf32>
        %select_n3A_403 = arith.select %eq3A_401, %broadcast_in_dim3A_402, %select_n3A : vector<16xi1>, vector<16xf32>
        %broadcast_in_dim3A_404 = arith.constant 0.000000e+00 : f32
        %broadcast_in_dim3A_405 = vector.broadcast %broadcast_in_dim3A_404 : f32 to vector<16xf32>
        %add3A_406 = arith.constant 2 : i32
        %add3A_407 = arith.addi %add3A_170, %add3A_406 : i32
        %get3A_408 = arith.index_cast %add3A_407 : i32 to index
        %get3A_409 = arith.constant 0 : index
        %get3A_410 = tpu.vector_load %arg12[%get3A_408, %get3A_409] {strides = array<i32>} : memref<128x128xf32, #tpu.memory_space<vmem>>, vector<16xf32>,
        %add3A_411 = arith.constant 2 : i32
        %add3A_412 = arith.addi %add3A_170, %add3A_411 : i32
        %get3A_413 = arith.index_cast %add3A_412 : i32 to index
        %get3A_414 = arith.constant 0 : index
        %get3A_415 = tpu.vector_load %arg14[%get3A_413, %get3A_414] {strides = array<i32>} : memref<128x128xf32, #tpu.memory_space<vmem>>, vector<16xf32>,
        %mul3A_416 = arith.mulf %get3A_410, %get3A_415 : vector<16xf32>
        %mul3A_417 = arith.mulf %mul3A_416, %get3A_33 : vector<16xf32>
        %add3A_418 = arith.addf %broadcast_in_dim3A_405, %mul3A_417 : vector<16xf32>
        %add3A_419 = arith.constant 2 : i32
        %add3A_420 = arith.addi %add3A_170, %add3A_419 : i32
        %get3A_421 = arith.index_cast %add3A_420 : i32 to index
        %get3A_422 = arith.constant 16 : index
        %get3A_423 = tpu.vector_load %arg12[%get3A_421, %get3A_422] {strides = array<i32>} : memref<128x128xf32, #tpu.memory_space<vmem>>, vector<16xf32>,
        %add3A_424 = arith.constant 2 : i32
        %add3A_425 = arith.addi %add3A_170, %add3A_424 : i32
        %get3A_426 = arith.index_cast %add3A_425 : i32 to index
        %get3A_427 = arith.constant 16 : index
        %get3A_428 = tpu.vector_load %arg14[%get3A_426, %get3A_427] {strides = array<i32>} : memref<128x128xf32, #tpu.memory_space<vmem>>, vector<16xf32>,
        %mul3A_429 = arith.mulf %get3A_423, %get3A_428 : vector<16xf32>
        %mul3A_430 = arith.mulf %mul3A_429, %get3A_35 : vector<16xf32>
        %add3A_431 = arith.addf %add3A_418, %mul3A_430 : vector<16xf32>
        %add3A_432 = arith.constant 2 : i32
        %add3A_433 = arith.addi %add3A_170, %add3A_432 : i32
        %get3A_434 = arith.index_cast %add3A_433 : i32 to index
        %get3A_435 = arith.constant 32 : index
        %get3A_436 = tpu.vector_load %arg12[%get3A_434, %get3A_435] {strides = array<i32>} : memref<128x128xf32, #tpu.memory_space<vmem>>, vector<16xf32>,
        %add3A_437 = arith.constant 2 : i32
        %add3A_438 = arith.addi %add3A_170, %add3A_437 : i32
        %get3A_439 = arith.index_cast %add3A_438 : i32 to index
        %get3A_440 = arith.constant 32 : index
        %get3A_441 = tpu.vector_load %arg14[%get3A_439, %get3A_440] {strides = array<i32>} : memref<128x128xf32, #tpu.memory_space<vmem>>, vector<16xf32>,
        %mul3A_442 = arith.mulf %get3A_436, %get3A_441 : vector<16xf32>
        %mul3A_443 = arith.mulf %mul3A_442, %get3A_37 : vector<16xf32>
        %add3A_444 = arith.addf %add3A_431, %mul3A_443 : vector<16xf32>
        %add3A_445 = arith.constant 2 : i32
        %add3A_446 = arith.addi %add3A_170, %add3A_445 : i32
        %get3A_447 = arith.index_cast %add3A_446 : i32 to index
        %get3A_448 = arith.constant 48 : index
        %get3A_449 = tpu.vector_load %arg12[%get3A_447, %get3A_448] {strides = array<i32>} : memref<128x128xf32, #tpu.memory_space<vmem>>, vector<16xf32>,
        %add3A_450 = arith.constant 2 : i32
        %add3A_451 = arith.addi %add3A_170, %add3A_450 : i32
        %get3A_452 = arith.index_cast %add3A_451 : i32 to index
        %get3A_453 = arith.constant 48 : index
        %get3A_454 = tpu.vector_load %arg14[%get3A_452, %get3A_453] {strides = array<i32>} : memref<128x128xf32, #tpu.memory_space<vmem>>, vector<16xf32>,
        %mul3A_455 = arith.mulf %get3A_449, %get3A_454 : vector<16xf32>
        %mul3A_456 = arith.mulf %mul3A_455, %get3A_39 : vector<16xf32>
        %add3A_457 = arith.addf %add3A_444, %mul3A_456 : vector<16xf32>
        %add3A_458 = arith.constant 2 : i32
        %add3A_459 = arith.addi %add3A_170, %add3A_458 : i32
        %get3A_460 = arith.index_cast %add3A_459 : i32 to index
        %get3A_461 = arith.constant 64 : index
        %get3A_462 = tpu.vector_load %arg12[%get3A_460, %get3A_461] {strides = array<i32>} : memref<128x128xf32, #tpu.memory_space<vmem>>, vector<16xf32>,
        %add3A_463 = arith.constant 2 : i32
        %add3A_464 = arith.addi %add3A_170, %add3A_463 : i32
        %get3A_465 = arith.index_cast %add3A_464 : i32 to index
        %get3A_466 = arith.constant 64 : index
        %get3A_467 = tpu.vector_load %arg14[%get3A_465, %get3A_466] {strides = array<i32>} : memref<128x128xf32, #tpu.memory_space<vmem>>, vector<16xf32>,
        %mul3A_468 = arith.mulf %get3A_462, %get3A_467 : vector<16xf32>
        %mul3A_469 = arith.mulf %mul3A_468, %get3A_41 : vector<16xf32>
        %add3A_470 = arith.addf %add3A_457, %mul3A_469 : vector<16xf32>
        %add3A_471 = arith.constant 2 : i32
        %add3A_472 = arith.addi %add3A_170, %add3A_471 : i32
        %get3A_473 = arith.index_cast %add3A_472 : i32 to index
        %get3A_474 = arith.constant 80 : index
        %get3A_475 = tpu.vector_load %arg12[%get3A_473, %get3A_474] {strides = array<i32>} : memref<128x128xf32, #tpu.memory_space<vmem>>, vector<16xf32>,
        %add3A_476 = arith.constant 2 : i32
        %add3A_477 = arith.addi %add3A_170, %add3A_476 : i32
        %get3A_478 = arith.index_cast %add3A_477 : i32 to index
        %get3A_479 = arith.constant 80 : index
        %get3A_480 = tpu.vector_load %arg14[%get3A_478, %get3A_479] {strides = array<i32>} : memref<128x128xf32, #tpu.memory_space<vmem>>, vector<16xf32>,
        %mul3A_481 = arith.mulf %get3A_475, %get3A_480 : vector<16xf32>
        %mul3A_482 = arith.mulf %mul3A_481, %get3A_43 : vector<16xf32>
        %add3A_483 = arith.addf %add3A_470, %mul3A_482 : vector<16xf32>
        %add3A_484 = arith.constant 2 : i32
        %add3A_485 = arith.addi %add3A_170, %add3A_484 : i32
        %get3A_486 = arith.index_cast %add3A_485 : i32 to index
        %get3A_487 = arith.constant 96 : index
        %get3A_488 = tpu.vector_load %arg12[%get3A_486, %get3A_487] {strides = array<i32>} : memref<128x128xf32, #tpu.memory_space<vmem>>, vector<16xf32>,
        %add3A_489 = arith.constant 2 : i32
        %add3A_490 = arith.addi %add3A_170, %add3A_489 : i32
        %get3A_491 = arith.index_cast %add3A_490 : i32 to index
        %get3A_492 = arith.constant 96 : index
        %get3A_493 = tpu.vector_load %arg14[%get3A_491, %get3A_492] {strides = array<i32>} : memref<128x128xf32, #tpu.memory_space<vmem>>, vector<16xf32>,
        %mul3A_494 = arith.mulf %get3A_488, %get3A_493 : vector<16xf32>
        %mul3A_495 = arith.mulf %mul3A_494, %get3A_45 : vector<16xf32>
        %add3A_496 = arith.addf %add3A_483, %mul3A_495 : vector<16xf32>
        %add3A_497 = arith.constant 2 : i32
        %add3A_498 = arith.addi %add3A_170, %add3A_497 : i32
        %get3A_499 = arith.index_cast %add3A_498 : i32 to index
        %get3A_500 = arith.constant 112 : index
        %get3A_501 = tpu.vector_load %arg12[%get3A_499, %get3A_500] {strides = array<i32>} : memref<128x128xf32, #tpu.memory_space<vmem>>, vector<16xf32>,
        %add3A_502 = arith.constant 2 : i32
        %add3A_503 = arith.addi %add3A_170, %add3A_502 : i32
        %get3A_504 = arith.index_cast %add3A_503 : i32 to index
        %get3A_505 = arith.constant 112 : index
        %get3A_506 = tpu.vector_load %arg14[%get3A_504, %get3A_505] {strides = array<i32>} : memref<128x128xf32, #tpu.memory_space<vmem>>, vector<16xf32>,
        %mul3A_507 = arith.mulf %get3A_501, %get3A_506 : vector<16xf32>
        %mul3A_508 = arith.mulf %mul3A_507, %get3A_47 : vector<16xf32>
        %add3A_509 = arith.addf %add3A_496, %mul3A_508 : vector<16xf32>
        %reduce_sum3A_510 = arith.constant true
        %reduce_sum3A_511 = vector.broadcast %reduce_sum3A_510 : i1 to vector<16xi1>
        %reduce_sum3A_512 = tpu.scan <sum>, %add3A_509 masked %reduce_sum3A_511 : vector<16xf32>, vector<16xi1> -> vector<16xf32>
        %reduce_sum3A_513 = vector.extract %reduce_sum3A_512[15] : f32 from vector<16xf32>
        %mul3A_514 = arith.constant 4 : i32
        %mul3A_515 = arith.muli %scan3A_164, %mul3A_514 : i32
        %add3A_516 = arith.constant 2 : i32
        %add3A_517 = arith.addi %mul3A_515, %add3A_516 : i32
        %eq3A_518 = vector.broadcast %add3A_517 : i32 to vector<16xi32>
        %eq3A_519 = arith.cmpi eq, %iota3A, %eq3A_518 : vector<16xi32>
        %broadcast_in_dim3A_520 = vector.broadcast %reduce_sum3A_513 : f32 to vector<16xf32>
        %select_n3A_521 = arith.select %eq3A_519, %broadcast_in_dim3A_520, %select_n3A_403 : vector<16xi1>, vector<16xf32>
        %broadcast_in_dim3A_522 = arith.constant 0.000000e+00 : f32
        %broadcast_in_dim3A_523 = vector.broadcast %broadcast_in_dim3A_522 : f32 to vector<16xf32>
        %add3A_524 = arith.constant 3 : i32
        %add3A_525 = arith.addi %add3A_170, %add3A_524 : i32
        %get3A_526 = arith.index_cast %add3A_525 : i32 to index
        %get3A_527 = arith.constant 0 : index
        %get3A_528 = tpu.vector_load %arg12[%get3A_526, %get3A_527] {strides = array<i32>} : memref<128x128xf32, #tpu.memory_space<vmem>>, vector<16xf32>,
        %add3A_529 = arith.constant 3 : i32
        %add3A_530 = arith.addi %add3A_170, %add3A_529 : i32
        %get3A_531 = arith.index_cast %add3A_530 : i32 to index
        %get3A_532 = arith.constant 0 : index
        %get3A_533 = tpu.vector_load %arg14[%get3A_531, %get3A_532] {strides = array<i32>} : memref<128x128xf32, #tpu.memory_space<vmem>>, vector<16xf32>,
        %mul3A_534 = arith.mulf %get3A_528, %get3A_533 : vector<16xf32>
        %mul3A_535 = arith.mulf %mul3A_534, %get3A_33 : vector<16xf32>
        %add3A_536 = arith.addf %broadcast_in_dim3A_523, %mul3A_535 : vector<16xf32>
        %add3A_537 = arith.constant 3 : i32
        %add3A_538 = arith.addi %add3A_170, %add3A_537 : i32
        %get3A_539 = arith.index_cast %add3A_538 : i32 to index
        %get3A_540 = arith.constant 16 : index
        %get3A_541 = tpu.vector_load %arg12[%get3A_539, %get3A_540] {strides = array<i32>} : memref<128x128xf32, #tpu.memory_space<vmem>>, vector<16xf32>,
        %add3A_542 = arith.constant 3 : i32
        %add3A_543 = arith.addi %add3A_170, %add3A_542 : i32
        %get3A_544 = arith.index_cast %add3A_543 : i32 to index
        %get3A_545 = arith.constant 16 : index
        %get3A_546 = tpu.vector_load %arg14[%get3A_544, %get3A_545] {strides = array<i32>} : memref<128x128xf32, #tpu.memory_space<vmem>>, vector<16xf32>,
        %mul3A_547 = arith.mulf %get3A_541, %get3A_546 : vector<16xf32>
        %mul3A_548 = arith.mulf %mul3A_547, %get3A_35 : vector<16xf32>
        %add3A_549 = arith.addf %add3A_536, %mul3A_548 : vector<16xf32>
        %add3A_550 = arith.constant 3 : i32
        %add3A_551 = arith.addi %add3A_170, %add3A_550 : i32
        %get3A_552 = arith.index_cast %add3A_551 : i32 to index
        %get3A_553 = arith.constant 32 : index
        %get3A_554 = tpu.vector_load %arg12[%get3A_552, %get3A_553] {strides = array<i32>} : memref<128x128xf32, #tpu.memory_space<vmem>>, vector<16xf32>,
        %add3A_555 = arith.constant 3 : i32
        %add3A_556 = arith.addi %add3A_170, %add3A_555 : i32
        %get3A_557 = arith.index_cast %add3A_556 : i32 to index
        %get3A_558 = arith.constant 32 : index
        %get3A_559 = tpu.vector_load %arg14[%get3A_557, %get3A_558] {strides = array<i32>} : memref<128x128xf32, #tpu.memory_space<vmem>>, vector<16xf32>,
        %mul3A_560 = arith.mulf %get3A_554, %get3A_559 : vector<16xf32>
        %mul3A_561 = arith.mulf %mul3A_560, %get3A_37 : vector<16xf32>
        %add3A_562 = arith.addf %add3A_549, %mul3A_561 : vector<16xf32>
        %add3A_563 = arith.constant 3 : i32
        %add3A_564 = arith.addi %add3A_170, %add3A_563 : i32
        %get3A_565 = arith.index_cast %add3A_564 : i32 to index
        %get3A_566 = arith.constant 48 : index
        %get3A_567 = tpu.vector_load %arg12[%get3A_565, %get3A_566] {strides = array<i32>} : memref<128x128xf32, #tpu.memory_space<vmem>>, vector<16xf32>,
        %add3A_568 = arith.constant 3 : i32
        %add3A_569 = arith.addi %add3A_170, %add3A_568 : i32
        %get3A_570 = arith.index_cast %add3A_569 : i32 to index
        %get3A_571 = arith.constant 48 : index
        %get3A_572 = tpu.vector_load %arg14[%get3A_570, %get3A_571] {strides = array<i32>} : memref<128x128xf32, #tpu.memory_space<vmem>>, vector<16xf32>,
        %mul3A_573 = arith.mulf %get3A_567, %get3A_572 : vector<16xf32>
        %mul3A_574 = arith.mulf %mul3A_573, %get3A_39 : vector<16xf32>
        %add3A_575 = arith.addf %add3A_562, %mul3A_574 : vector<16xf32>
        %add3A_576 = arith.constant 3 : i32
        %add3A_577 = arith.addi %add3A_170, %add3A_576 : i32
        %get3A_578 = arith.index_cast %add3A_577 : i32 to index
        %get3A_579 = arith.constant 64 : index
        %get3A_580 = tpu.vector_load %arg12[%get3A_578, %get3A_579] {strides = array<i32>} : memref<128x128xf32, #tpu.memory_space<vmem>>, vector<16xf32>,
        %add3A_581 = arith.constant 3 : i32
        %add3A_582 = arith.addi %add3A_170, %add3A_581 : i32
        %get3A_583 = arith.index_cast %add3A_582 : i32 to index
        %get3A_584 = arith.constant 64 : index
        %get3A_585 = tpu.vector_load %arg14[%get3A_583, %get3A_584] {strides = array<i32>} : memref<128x128xf32, #tpu.memory_space<vmem>>, vector<16xf32>,
        %mul3A_586 = arith.mulf %get3A_580, %get3A_585 : vector<16xf32>
        %mul3A_587 = arith.mulf %mul3A_586, %get3A_41 : vector<16xf32>
        %add3A_588 = arith.addf %add3A_575, %mul3A_587 : vector<16xf32>
        %add3A_589 = arith.constant 3 : i32
        %add3A_590 = arith.addi %add3A_170, %add3A_589 : i32
        %get3A_591 = arith.index_cast %add3A_590 : i32 to index
        %get3A_592 = arith.constant 80 : index
        %get3A_593 = tpu.vector_load %arg12[%get3A_591, %get3A_592] {strides = array<i32>} : memref<128x128xf32, #tpu.memory_space<vmem>>, vector<16xf32>,
        %add3A_594 = arith.constant 3 : i32
        %add3A_595 = arith.addi %add3A_170, %add3A_594 : i32
        %get3A_596 = arith.index_cast %add3A_595 : i32 to index
        %get3A_597 = arith.constant 80 : index
        %get3A_598 = tpu.vector_load %arg14[%get3A_596, %get3A_597] {strides = array<i32>} : memref<128x128xf32, #tpu.memory_space<vmem>>, vector<16xf32>,
        %mul3A_599 = arith.mulf %get3A_593, %get3A_598 : vector<16xf32>
        %mul3A_600 = arith.mulf %mul3A_599, %get3A_43 : vector<16xf32>
        %add3A_601 = arith.addf %add3A_588, %mul3A_600 : vector<16xf32>
        %add3A_602 = arith.constant 3 : i32
        %add3A_603 = arith.addi %add3A_170, %add3A_602 : i32
        %get3A_604 = arith.index_cast %add3A_603 : i32 to index
        %get3A_605 = arith.constant 96 : index
        %get3A_606 = tpu.vector_load %arg12[%get3A_604, %get3A_605] {strides = array<i32>} : memref<128x128xf32, #tpu.memory_space<vmem>>, vector<16xf32>,
        %add3A_607 = arith.constant 3 : i32
        %add3A_608 = arith.addi %add3A_170, %add3A_607 : i32
        %get3A_609 = arith.index_cast %add3A_608 : i32 to index
        %get3A_610 = arith.constant 96 : index
        %get3A_611 = tpu.vector_load %arg14[%get3A_609, %get3A_610] {strides = array<i32>} : memref<128x128xf32, #tpu.memory_space<vmem>>, vector<16xf32>,
        %mul3A_612 = arith.mulf %get3A_606, %get3A_611 : vector<16xf32>
        %mul3A_613 = arith.mulf %mul3A_612, %get3A_45 : vector<16xf32>
        %add3A_614 = arith.addf %add3A_601, %mul3A_613 : vector<16xf32>
        %add3A_615 = arith.constant 3 : i32
        %add3A_616 = arith.addi %add3A_170, %add3A_615 : i32
        %get3A_617 = arith.index_cast %add3A_616 : i32 to index
        %get3A_618 = arith.constant 112 : index
        %get3A_619 = tpu.vector_load %arg12[%get3A_617, %get3A_618] {strides = array<i32>} : memref<128x128xf32, #tpu.memory_space<vmem>>, vector<16xf32>,
        %add3A_620 = arith.constant 3 : i32
        %add3A_621 = arith.addi %add3A_170, %add3A_620 : i32
        %get3A_622 = arith.index_cast %add3A_621 : i32 to index
        %get3A_623 = arith.constant 112 : index
        %get3A_624 = tpu.vector_load %arg14[%get3A_622, %get3A_623] {strides = array<i32>} : memref<128x128xf32, #tpu.memory_space<vmem>>, vector<16xf32>,
        %mul3A_625 = arith.mulf %get3A_619, %get3A_624 : vector<16xf32>
        %mul3A_626 = arith.mulf %mul3A_625, %get3A_47 : vector<16xf32>
        %add3A_627 = arith.addf %add3A_614, %mul3A_626 : vector<16xf32>
        %reduce_sum3A_628 = arith.constant true
        %reduce_sum3A_629 = vector.broadcast %reduce_sum3A_628 : i1 to vector<16xi1>
        %reduce_sum3A_630 = tpu.scan <sum>, %add3A_627 masked %reduce_sum3A_629 : vector<16xf32>, vector<16xi1> -> vector<16xf32>
        %reduce_sum3A_631 = vector.extract %reduce_sum3A_630[15] : f32 from vector<16xf32>
        %mul3A_632 = arith.constant 4 : i32
        %mul3A_633 = arith.muli %scan3A_164, %mul3A_632 : i32
        %add3A_634 = arith.constant 3 : i32
        %add3A_635 = arith.addi %mul3A_633, %add3A_634 : i32
        %eq3A_636 = vector.broadcast %add3A_635 : i32 to vector<16xi32>
        %eq3A_637 = arith.cmpi eq, %iota3A, %eq3A_636 : vector<16xi32>
        %broadcast_in_dim3A_638 = vector.broadcast %reduce_sum3A_631 : f32 to vector<16xf32>
        %select_n3A_639 = arith.select %eq3A_637, %broadcast_in_dim3A_638, %select_n3A_521 : vector<16xi1>, vector<16xf32>
        scf.yield %select_n3A_639 : vector<16xf32>
      }
      %scan3A_150 = arith.constant 4 : i32
      %add3A_151 = arith.addf %scan3A_149, %get3A_49 : vector<16xf32>
      %neg3A = arith.constant 0.000000e+00 : f32
      %neg3A_152 = vector.broadcast %neg3A : f32 to vector<16xf32>
      %neg3A_153 = arith.subf %neg3A_152, %add3A_151 : vector<16xf32>
      %exp3A = math.exp %neg3A_153 : vector<16xf32>
      %add3A_154 = arith.constant 1.000000e+00 : f32
      %add3A_155 = vector.broadcast %add3A_154 : f32 to vector<16xf32>
      %add3A_156 = arith.addf %add3A_155, %exp3A : vector<16xf32>
      %div3A = arith.constant 1.000000e+00 : f32
      %div3A_157 = vector.broadcast %div3A : f32 to vector<16xf32>
      %div3A_158 = arith.divf %div3A_157, %add3A_156 : vector<16xf32>
      %mul3A_159 = arith.constant 16 : i32
      %mul3A_160 = arith.muli %add3A_143, %mul3A_159 : i32
      %add3A_161 = arith.constant 128 : i32
      %add3A_162 = arith.addi %add3A_161, %mul3A_160 : i32
      %swap3A = arith.index_cast %add3A_162 : i32 to index
      %swap3A_163 = tpu.vector_load %arg15[%swap3A] {strides = array<i32>} : memref<512xf32, #tpu.memory_space<vmem>>, vector<16xf32>,
      tpu.vector_store %arg15[%swap3A], %div3A_158 {strides = array<i32>} : memref<512xf32, #tpu.memory_space<vmem>>, vector<16xf32>,
    }
    %scan3A_98 = arith.constant 8 : i32
    %dma_start3A_99 = arith.constant 384 : i32
    %dma_start3A_100 = tpu.memref_slice %arg9[%dma_start3A_99] : memref<512xi32, #tpu.memory_space<vmem>> -> memref<128xi32, #tpu.memory_space<vmem>>
    %dma_start3A_101 = arith.constant 0 : i32
    %dma_start3A_102 = arith.constant 0 : i32
    %dma_start3A_103 = tpu.memref_slice %arg4[%dma_start3A_101, %dma_start3A_102] : memref<1000000x128xf32, #tpu.memory_space<hbm>> -> memref<1000000x128xf32, #tpu.memory_space<hbm>>
    tpu.enqueue_indirect_dma source(%dma_start3A_103 : memref<1000000x128xf32, #tpu.memory_space<hbm>>) target(%arg12 : memref<128x128xf32, #tpu.memory_space<vmem>>) offsets(%dma_start3A_100 : memref<128xi32, #tpu.memory_space<vmem>>) semaphore(%arg19 : memref<!tpu.dma_semaphore, #tpu.memory_space<semaphore_mem>>)
    %dma_start3A_104 = arith.constant 384 : i32
    %dma_start3A_105 = tpu.memref_slice %arg10[%dma_start3A_104] : memref<512xi32, #tpu.memory_space<vmem>> -> memref<128xi32, #tpu.memory_space<vmem>>
    %dma_start3A_106 = arith.constant 0 : i32
    %dma_start3A_107 = arith.constant 0 : i32
    %dma_start3A_108 = tpu.memref_slice %arg5[%dma_start3A_106, %dma_start3A_107] : memref<100000x128xf32, #tpu.memory_space<hbm>> -> memref<100000x128xf32, #tpu.memory_space<hbm>>
    tpu.enqueue_indirect_dma source(%dma_start3A_108 : memref<100000x128xf32, #tpu.memory_space<hbm>>) target(%arg14 : memref<128x128xf32, #tpu.memory_space<vmem>>) offsets(%dma_start3A_105 : memref<128xi32, #tpu.memory_space<vmem>>) semaphore(%arg21 : memref<!tpu.dma_semaphore, #tpu.memory_space<semaphore_mem>>)
    %dma_wait3A_109 = arith.constant 256 : i32
    %dma_wait3A_110 = tpu.memref_slice %arg9[%dma_wait3A_109] : memref<512xi32, #tpu.memory_space<vmem>> -> memref<128xi32, #tpu.memory_space<vmem>>
    %dma_wait3A_111 = arith.constant 0 : i32
    %dma_wait3A_112 = arith.constant 0 : i32
    %dma_wait3A_113 = tpu.memref_slice %arg4[%dma_wait3A_111, %dma_wait3A_112] : memref<1000000x128xf32, #tpu.memory_space<hbm>> -> memref<1000000x128xf32, #tpu.memory_space<hbm>>
    tpu.wait_indirect_dma semaphore(%arg18 : memref<!tpu.dma_semaphore, #tpu.memory_space<semaphore_mem>>) src(%dma_wait3A_113 : memref<1000000x128xf32, #tpu.memory_space<hbm>>) dst(%arg11 : memref<128x128xf32, #tpu.memory_space<vmem>>)
    %dma_wait3A_114 = arith.constant 256 : i32
    %dma_wait3A_115 = tpu.memref_slice %arg10[%dma_wait3A_114] : memref<512xi32, #tpu.memory_space<vmem>> -> memref<128xi32, #tpu.memory_space<vmem>>
    %dma_wait3A_116 = arith.constant 0 : i32
    %dma_wait3A_117 = arith.constant 0 : i32
    %dma_wait3A_118 = tpu.memref_slice %arg5[%dma_wait3A_116, %dma_wait3A_117] : memref<100000x128xf32, #tpu.memory_space<hbm>> -> memref<100000x128xf32, #tpu.memory_space<hbm>>
    tpu.wait_indirect_dma semaphore(%arg20 : memref<!tpu.dma_semaphore, #tpu.memory_space<semaphore_mem>>) src(%dma_wait3A_118 : memref<100000x128xf32, #tpu.memory_space<hbm>>) dst(%arg13 : memref<128x128xf32, #tpu.memory_space<vmem>>)
    %scan3A_119 = arith.constant 0 : i32
    %scan3A_120 = arith.constant 8 : i32
    %scan3A_121 = arith.addi %scan3A_119, %scan3A_120 : i32
    %scan3A_122 = arith.constant 1 : i32
    scf.for %scan3A_139 = %scan3A_119 to %scan3A_121 step %scan3A_122  : i32 {
      %mul3A_140 = arith.constant 1 : i32
      %mul3A_141 = arith.muli %scan3A_139, %mul3A_140 : i32
      %add3A_142 = arith.constant 0 : i32
      %add3A_143 = arith.addi %add3A_142, %mul3A_141 : i32
      %iota3A = tpu.iota {dimensions = array<i32: 0>} : vector<16xi32>
      %broadcast_in_dim3A = arith.constant 0.000000e+00 : f32
      %broadcast_in_dim3A_144 = vector.broadcast %broadcast_in_dim3A : f32 to vector<16xf32>
      %scan3A_145 = arith.constant 0 : i32
      %scan3A_146 = arith.constant 4 : i32
      %scan3A_147 = arith.addi %scan3A_145, %scan3A_146 : i32
      %scan3A_148 = arith.constant 1 : i32
      %scan3A_149 = scf.for %scan3A_164 = %scan3A_145 to %scan3A_147 step %scan3A_148 iter_args(%scan3A_165 = %broadcast_in_dim3A_144) -> (vector<16xf32>)  : i32 {
        %mul3A_166 = arith.constant 16 : i32
        %mul3A_167 = arith.muli %add3A_143, %mul3A_166 : i32
        %mul3A_168 = arith.constant 4 : i32
        %mul3A_169 = arith.muli %scan3A_164, %mul3A_168 : i32
        %add3A_170 = arith.addi %mul3A_167, %mul3A_169 : i32
        %broadcast_in_dim3A_171 = arith.constant 0.000000e+00 : f32
        %broadcast_in_dim3A_172 = vector.broadcast %broadcast_in_dim3A_171 : f32 to vector<16xf32>
        %add3A_173 = arith.constant 0 : i32
        %add3A_174 = arith.addi %add3A_170, %add3A_173 : i32
        %get3A_175 = arith.index_cast %add3A_174 : i32 to index
        %get3A_176 = arith.constant 0 : index
        %get3A_177 = tpu.vector_load %arg11[%get3A_175, %get3A_176] {strides = array<i32>} : memref<128x128xf32, #tpu.memory_space<vmem>>, vector<16xf32>,
        %add3A_178 = arith.constant 0 : i32
        %add3A_179 = arith.addi %add3A_170, %add3A_178 : i32
        %get3A_180 = arith.index_cast %add3A_179 : i32 to index
        %get3A_181 = arith.constant 0 : index
        %get3A_182 = tpu.vector_load %arg13[%get3A_180, %get3A_181] {strides = array<i32>} : memref<128x128xf32, #tpu.memory_space<vmem>>, vector<16xf32>,
        %mul3A_183 = arith.mulf %get3A_177, %get3A_182 : vector<16xf32>
        %mul3A_184 = arith.mulf %mul3A_183, %get3A_33 : vector<16xf32>
        %add3A_185 = arith.addf %broadcast_in_dim3A_172, %mul3A_184 : vector<16xf32>
        %add3A_186 = arith.constant 0 : i32
        %add3A_187 = arith.addi %add3A_170, %add3A_186 : i32
        %get3A_188 = arith.index_cast %add3A_187 : i32 to index
        %get3A_189 = arith.constant 16 : index
        %get3A_190 = tpu.vector_load %arg11[%get3A_188, %get3A_189] {strides = array<i32>} : memref<128x128xf32, #tpu.memory_space<vmem>>, vector<16xf32>,
        %add3A_191 = arith.constant 0 : i32
        %add3A_192 = arith.addi %add3A_170, %add3A_191 : i32
        %get3A_193 = arith.index_cast %add3A_192 : i32 to index
        %get3A_194 = arith.constant 16 : index
        %get3A_195 = tpu.vector_load %arg13[%get3A_193, %get3A_194] {strides = array<i32>} : memref<128x128xf32, #tpu.memory_space<vmem>>, vector<16xf32>,
        %mul3A_196 = arith.mulf %get3A_190, %get3A_195 : vector<16xf32>
        %mul3A_197 = arith.mulf %mul3A_196, %get3A_35 : vector<16xf32>
        %add3A_198 = arith.addf %add3A_185, %mul3A_197 : vector<16xf32>
        %add3A_199 = arith.constant 0 : i32
        %add3A_200 = arith.addi %add3A_170, %add3A_199 : i32
        %get3A_201 = arith.index_cast %add3A_200 : i32 to index
        %get3A_202 = arith.constant 32 : index
        %get3A_203 = tpu.vector_load %arg11[%get3A_201, %get3A_202] {strides = array<i32>} : memref<128x128xf32, #tpu.memory_space<vmem>>, vector<16xf32>,
        %add3A_204 = arith.constant 0 : i32
        %add3A_205 = arith.addi %add3A_170, %add3A_204 : i32
        %get3A_206 = arith.index_cast %add3A_205 : i32 to index
        %get3A_207 = arith.constant 32 : index
        %get3A_208 = tpu.vector_load %arg13[%get3A_206, %get3A_207] {strides = array<i32>} : memref<128x128xf32, #tpu.memory_space<vmem>>, vector<16xf32>,
        %mul3A_209 = arith.mulf %get3A_203, %get3A_208 : vector<16xf32>
        %mul3A_210 = arith.mulf %mul3A_209, %get3A_37 : vector<16xf32>
        %add3A_211 = arith.addf %add3A_198, %mul3A_210 : vector<16xf32>
        %add3A_212 = arith.constant 0 : i32
        %add3A_213 = arith.addi %add3A_170, %add3A_212 : i32
        %get3A_214 = arith.index_cast %add3A_213 : i32 to index
        %get3A_215 = arith.constant 48 : index
        %get3A_216 = tpu.vector_load %arg11[%get3A_214, %get3A_215] {strides = array<i32>} : memref<128x128xf32, #tpu.memory_space<vmem>>, vector<16xf32>,
        %add3A_217 = arith.constant 0 : i32
        %add3A_218 = arith.addi %add3A_170, %add3A_217 : i32
        %get3A_219 = arith.index_cast %add3A_218 : i32 to index
        %get3A_220 = arith.constant 48 : index
        %get3A_221 = tpu.vector_load %arg13[%get3A_219, %get3A_220] {strides = array<i32>} : memref<128x128xf32, #tpu.memory_space<vmem>>, vector<16xf32>,
        %mul3A_222 = arith.mulf %get3A_216, %get3A_221 : vector<16xf32>
        %mul3A_223 = arith.mulf %mul3A_222, %get3A_39 : vector<16xf32>
        %add3A_224 = arith.addf %add3A_211, %mul3A_223 : vector<16xf32>
        %add3A_225 = arith.constant 0 : i32
        %add3A_226 = arith.addi %add3A_170, %add3A_225 : i32
        %get3A_227 = arith.index_cast %add3A_226 : i32 to index
        %get3A_228 = arith.constant 64 : index
        %get3A_229 = tpu.vector_load %arg11[%get3A_227, %get3A_228] {strides = array<i32>} : memref<128x128xf32, #tpu.memory_space<vmem>>, vector<16xf32>,
        %add3A_230 = arith.constant 0 : i32
        %add3A_231 = arith.addi %add3A_170, %add3A_230 : i32
        %get3A_232 = arith.index_cast %add3A_231 : i32 to index
        %get3A_233 = arith.constant 64 : index
        %get3A_234 = tpu.vector_load %arg13[%get3A_232, %get3A_233] {strides = array<i32>} : memref<128x128xf32, #tpu.memory_space<vmem>>, vector<16xf32>,
        %mul3A_235 = arith.mulf %get3A_229, %get3A_234 : vector<16xf32>
        %mul3A_236 = arith.mulf %mul3A_235, %get3A_41 : vector<16xf32>
        %add3A_237 = arith.addf %add3A_224, %mul3A_236 : vector<16xf32>
        %add3A_238 = arith.constant 0 : i32
        %add3A_239 = arith.addi %add3A_170, %add3A_238 : i32
        %get3A_240 = arith.index_cast %add3A_239 : i32 to index
        %get3A_241 = arith.constant 80 : index
        %get3A_242 = tpu.vector_load %arg11[%get3A_240, %get3A_241] {strides = array<i32>} : memref<128x128xf32, #tpu.memory_space<vmem>>, vector<16xf32>,
        %add3A_243 = arith.constant 0 : i32
        %add3A_244 = arith.addi %add3A_170, %add3A_243 : i32
        %get3A_245 = arith.index_cast %add3A_244 : i32 to index
        %get3A_246 = arith.constant 80 : index
        %get3A_247 = tpu.vector_load %arg13[%get3A_245, %get3A_246] {strides = array<i32>} : memref<128x128xf32, #tpu.memory_space<vmem>>, vector<16xf32>,
        %mul3A_248 = arith.mulf %get3A_242, %get3A_247 : vector<16xf32>
        %mul3A_249 = arith.mulf %mul3A_248, %get3A_43 : vector<16xf32>
        %add3A_250 = arith.addf %add3A_237, %mul3A_249 : vector<16xf32>
        %add3A_251 = arith.constant 0 : i32
        %add3A_252 = arith.addi %add3A_170, %add3A_251 : i32
        %get3A_253 = arith.index_cast %add3A_252 : i32 to index
        %get3A_254 = arith.constant 96 : index
        %get3A_255 = tpu.vector_load %arg11[%get3A_253, %get3A_254] {strides = array<i32>} : memref<128x128xf32, #tpu.memory_space<vmem>>, vector<16xf32>,
        %add3A_256 = arith.constant 0 : i32
        %add3A_257 = arith.addi %add3A_170, %add3A_256 : i32
        %get3A_258 = arith.index_cast %add3A_257 : i32 to index
        %get3A_259 = arith.constant 96 : index
        %get3A_260 = tpu.vector_load %arg13[%get3A_258, %get3A_259] {strides = array<i32>} : memref<128x128xf32, #tpu.memory_space<vmem>>, vector<16xf32>,
        %mul3A_261 = arith.mulf %get3A_255, %get3A_260 : vector<16xf32>
        %mul3A_262 = arith.mulf %mul3A_261, %get3A_45 : vector<16xf32>
        %add3A_263 = arith.addf %add3A_250, %mul3A_262 : vector<16xf32>
        %add3A_264 = arith.constant 0 : i32
        %add3A_265 = arith.addi %add3A_170, %add3A_264 : i32
        %get3A_266 = arith.index_cast %add3A_265 : i32 to index
        %get3A_267 = arith.constant 112 : index
        %get3A_268 = tpu.vector_load %arg11[%get3A_266, %get3A_267] {strides = array<i32>} : memref<128x128xf32, #tpu.memory_space<vmem>>, vector<16xf32>,
        %add3A_269 = arith.constant 0 : i32
        %add3A_270 = arith.addi %add3A_170, %add3A_269 : i32
        %get3A_271 = arith.index_cast %add3A_270 : i32 to index
        %get3A_272 = arith.constant 112 : index
        %get3A_273 = tpu.vector_load %arg13[%get3A_271, %get3A_272] {strides = array<i32>} : memref<128x128xf32, #tpu.memory_space<vmem>>, vector<16xf32>,
        %mul3A_274 = arith.mulf %get3A_268, %get3A_273 : vector<16xf32>
        %mul3A_275 = arith.mulf %mul3A_274, %get3A_47 : vector<16xf32>
        %add3A_276 = arith.addf %add3A_263, %mul3A_275 : vector<16xf32>
        %reduce_sum3A = arith.constant true
        %reduce_sum3A_277 = vector.broadcast %reduce_sum3A : i1 to vector<16xi1>
        %reduce_sum3A_278 = tpu.scan <sum>, %add3A_276 masked %reduce_sum3A_277 : vector<16xf32>, vector<16xi1> -> vector<16xf32>
        %reduce_sum3A_279 = vector.extract %reduce_sum3A_278[15] : f32 from vector<16xf32>
        %mul3A_280 = arith.constant 4 : i32
        %mul3A_281 = arith.muli %scan3A_164, %mul3A_280 : i32
        %add3A_282 = arith.constant 0 : i32
        %add3A_283 = arith.addi %mul3A_281, %add3A_282 : i32
        %eq3A = vector.broadcast %add3A_283 : i32 to vector<16xi32>
        %eq3A_284 = arith.cmpi eq, %iota3A, %eq3A : vector<16xi32>
        %broadcast_in_dim3A_285 = vector.broadcast %reduce_sum3A_279 : f32 to vector<16xf32>
        %select_n3A = arith.select %eq3A_284, %broadcast_in_dim3A_285, %scan3A_165 : vector<16xi1>, vector<16xf32>
        %broadcast_in_dim3A_286 = arith.constant 0.000000e+00 : f32
        %broadcast_in_dim3A_287 = vector.broadcast %broadcast_in_dim3A_286 : f32 to vector<16xf32>
        %add3A_288 = arith.constant 1 : i32
        %add3A_289 = arith.addi %add3A_170, %add3A_288 : i32
        %get3A_290 = arith.index_cast %add3A_289 : i32 to index
        %get3A_291 = arith.constant 0 : index
        %get3A_292 = tpu.vector_load %arg11[%get3A_290, %get3A_291] {strides = array<i32>} : memref<128x128xf32, #tpu.memory_space<vmem>>, vector<16xf32>,
        %add3A_293 = arith.constant 1 : i32
        %add3A_294 = arith.addi %add3A_170, %add3A_293 : i32
        %get3A_295 = arith.index_cast %add3A_294 : i32 to index
        %get3A_296 = arith.constant 0 : index
        %get3A_297 = tpu.vector_load %arg13[%get3A_295, %get3A_296] {strides = array<i32>} : memref<128x128xf32, #tpu.memory_space<vmem>>, vector<16xf32>,
        %mul3A_298 = arith.mulf %get3A_292, %get3A_297 : vector<16xf32>
        %mul3A_299 = arith.mulf %mul3A_298, %get3A_33 : vector<16xf32>
        %add3A_300 = arith.addf %broadcast_in_dim3A_287, %mul3A_299 : vector<16xf32>
        %add3A_301 = arith.constant 1 : i32
        %add3A_302 = arith.addi %add3A_170, %add3A_301 : i32
        %get3A_303 = arith.index_cast %add3A_302 : i32 to index
        %get3A_304 = arith.constant 16 : index
        %get3A_305 = tpu.vector_load %arg11[%get3A_303, %get3A_304] {strides = array<i32>} : memref<128x128xf32, #tpu.memory_space<vmem>>, vector<16xf32>,
        %add3A_306 = arith.constant 1 : i32
        %add3A_307 = arith.addi %add3A_170, %add3A_306 : i32
        %get3A_308 = arith.index_cast %add3A_307 : i32 to index
        %get3A_309 = arith.constant 16 : index
        %get3A_310 = tpu.vector_load %arg13[%get3A_308, %get3A_309] {strides = array<i32>} : memref<128x128xf32, #tpu.memory_space<vmem>>, vector<16xf32>,
        %mul3A_311 = arith.mulf %get3A_305, %get3A_310 : vector<16xf32>
        %mul3A_312 = arith.mulf %mul3A_311, %get3A_35 : vector<16xf32>
        %add3A_313 = arith.addf %add3A_300, %mul3A_312 : vector<16xf32>
        %add3A_314 = arith.constant 1 : i32
        %add3A_315 = arith.addi %add3A_170, %add3A_314 : i32
        %get3A_316 = arith.index_cast %add3A_315 : i32 to index
        %get3A_317 = arith.constant 32 : index
        %get3A_318 = tpu.vector_load %arg11[%get3A_316, %get3A_317] {strides = array<i32>} : memref<128x128xf32, #tpu.memory_space<vmem>>, vector<16xf32>,
        %add3A_319 = arith.constant 1 : i32
        %add3A_320 = arith.addi %add3A_170, %add3A_319 : i32
        %get3A_321 = arith.index_cast %add3A_320 : i32 to index
        %get3A_322 = arith.constant 32 : index
        %get3A_323 = tpu.vector_load %arg13[%get3A_321, %get3A_322] {strides = array<i32>} : memref<128x128xf32, #tpu.memory_space<vmem>>, vector<16xf32>,
        %mul3A_324 = arith.mulf %get3A_318, %get3A_323 : vector<16xf32>
        %mul3A_325 = arith.mulf %mul3A_324, %get3A_37 : vector<16xf32>
        %add3A_326 = arith.addf %add3A_313, %mul3A_325 : vector<16xf32>
        %add3A_327 = arith.constant 1 : i32
        %add3A_328 = arith.addi %add3A_170, %add3A_327 : i32
        %get3A_329 = arith.index_cast %add3A_328 : i32 to index
        %get3A_330 = arith.constant 48 : index
        %get3A_331 = tpu.vector_load %arg11[%get3A_329, %get3A_330] {strides = array<i32>} : memref<128x128xf32, #tpu.memory_space<vmem>>, vector<16xf32>,
        %add3A_332 = arith.constant 1 : i32
        %add3A_333 = arith.addi %add3A_170, %add3A_332 : i32
        %get3A_334 = arith.index_cast %add3A_333 : i32 to index
        %get3A_335 = arith.constant 48 : index
        %get3A_336 = tpu.vector_load %arg13[%get3A_334, %get3A_335] {strides = array<i32>} : memref<128x128xf32, #tpu.memory_space<vmem>>, vector<16xf32>,
        %mul3A_337 = arith.mulf %get3A_331, %get3A_336 : vector<16xf32>
        %mul3A_338 = arith.mulf %mul3A_337, %get3A_39 : vector<16xf32>
        %add3A_339 = arith.addf %add3A_326, %mul3A_338 : vector<16xf32>
        %add3A_340 = arith.constant 1 : i32
        %add3A_341 = arith.addi %add3A_170, %add3A_340 : i32
        %get3A_342 = arith.index_cast %add3A_341 : i32 to index
        %get3A_343 = arith.constant 64 : index
        %get3A_344 = tpu.vector_load %arg11[%get3A_342, %get3A_343] {strides = array<i32>} : memref<128x128xf32, #tpu.memory_space<vmem>>, vector<16xf32>,
        %add3A_345 = arith.constant 1 : i32
        %add3A_346 = arith.addi %add3A_170, %add3A_345 : i32
        %get3A_347 = arith.index_cast %add3A_346 : i32 to index
        %get3A_348 = arith.constant 64 : index
        %get3A_349 = tpu.vector_load %arg13[%get3A_347, %get3A_348] {strides = array<i32>} : memref<128x128xf32, #tpu.memory_space<vmem>>, vector<16xf32>,
        %mul3A_350 = arith.mulf %get3A_344, %get3A_349 : vector<16xf32>
        %mul3A_351 = arith.mulf %mul3A_350, %get3A_41 : vector<16xf32>
        %add3A_352 = arith.addf %add3A_339, %mul3A_351 : vector<16xf32>
        %add3A_353 = arith.constant 1 : i32
        %add3A_354 = arith.addi %add3A_170, %add3A_353 : i32
        %get3A_355 = arith.index_cast %add3A_354 : i32 to index
        %get3A_356 = arith.constant 80 : index
        %get3A_357 = tpu.vector_load %arg11[%get3A_355, %get3A_356] {strides = array<i32>} : memref<128x128xf32, #tpu.memory_space<vmem>>, vector<16xf32>,
        %add3A_358 = arith.constant 1 : i32
        %add3A_359 = arith.addi %add3A_170, %add3A_358 : i32
        %get3A_360 = arith.index_cast %add3A_359 : i32 to index
        %get3A_361 = arith.constant 80 : index
        %get3A_362 = tpu.vector_load %arg13[%get3A_360, %get3A_361] {strides = array<i32>} : memref<128x128xf32, #tpu.memory_space<vmem>>, vector<16xf32>,
        %mul3A_363 = arith.mulf %get3A_357, %get3A_362 : vector<16xf32>
        %mul3A_364 = arith.mulf %mul3A_363, %get3A_43 : vector<16xf32>
        %add3A_365 = arith.addf %add3A_352, %mul3A_364 : vector<16xf32>
        %add3A_366 = arith.constant 1 : i32
        %add3A_367 = arith.addi %add3A_170, %add3A_366 : i32
        %get3A_368 = arith.index_cast %add3A_367 : i32 to index
        %get3A_369 = arith.constant 96 : index
        %get3A_370 = tpu.vector_load %arg11[%get3A_368, %get3A_369] {strides = array<i32>} : memref<128x128xf32, #tpu.memory_space<vmem>>, vector<16xf32>,
        %add3A_371 = arith.constant 1 : i32
        %add3A_372 = arith.addi %add3A_170, %add3A_371 : i32
        %get3A_373 = arith.index_cast %add3A_372 : i32 to index
        %get3A_374 = arith.constant 96 : index
        %get3A_375 = tpu.vector_load %arg13[%get3A_373, %get3A_374] {strides = array<i32>} : memref<128x128xf32, #tpu.memory_space<vmem>>, vector<16xf32>,
        %mul3A_376 = arith.mulf %get3A_370, %get3A_375 : vector<16xf32>
        %mul3A_377 = arith.mulf %mul3A_376, %get3A_45 : vector<16xf32>
        %add3A_378 = arith.addf %add3A_365, %mul3A_377 : vector<16xf32>
        %add3A_379 = arith.constant 1 : i32
        %add3A_380 = arith.addi %add3A_170, %add3A_379 : i32
        %get3A_381 = arith.index_cast %add3A_380 : i32 to index
        %get3A_382 = arith.constant 112 : index
        %get3A_383 = tpu.vector_load %arg11[%get3A_381, %get3A_382] {strides = array<i32>} : memref<128x128xf32, #tpu.memory_space<vmem>>, vector<16xf32>,
        %add3A_384 = arith.constant 1 : i32
        %add3A_385 = arith.addi %add3A_170, %add3A_384 : i32
        %get3A_386 = arith.index_cast %add3A_385 : i32 to index
        %get3A_387 = arith.constant 112 : index
        %get3A_388 = tpu.vector_load %arg13[%get3A_386, %get3A_387] {strides = array<i32>} : memref<128x128xf32, #tpu.memory_space<vmem>>, vector<16xf32>,
        %mul3A_389 = arith.mulf %get3A_383, %get3A_388 : vector<16xf32>
        %mul3A_390 = arith.mulf %mul3A_389, %get3A_47 : vector<16xf32>
        %add3A_391 = arith.addf %add3A_378, %mul3A_390 : vector<16xf32>
        %reduce_sum3A_392 = arith.constant true
        %reduce_sum3A_393 = vector.broadcast %reduce_sum3A_392 : i1 to vector<16xi1>
        %reduce_sum3A_394 = tpu.scan <sum>, %add3A_391 masked %reduce_sum3A_393 : vector<16xf32>, vector<16xi1> -> vector<16xf32>
        %reduce_sum3A_395 = vector.extract %reduce_sum3A_394[15] : f32 from vector<16xf32>
        %mul3A_396 = arith.constant 4 : i32
        %mul3A_397 = arith.muli %scan3A_164, %mul3A_396 : i32
        %add3A_398 = arith.constant 1 : i32
        %add3A_399 = arith.addi %mul3A_397, %add3A_398 : i32
        %eq3A_400 = vector.broadcast %add3A_399 : i32 to vector<16xi32>
        %eq3A_401 = arith.cmpi eq, %iota3A, %eq3A_400 : vector<16xi32>
        %broadcast_in_dim3A_402 = vector.broadcast %reduce_sum3A_395 : f32 to vector<16xf32>
        %select_n3A_403 = arith.select %eq3A_401, %broadcast_in_dim3A_402, %select_n3A : vector<16xi1>, vector<16xf32>
        %broadcast_in_dim3A_404 = arith.constant 0.000000e+00 : f32
        %broadcast_in_dim3A_405 = vector.broadcast %broadcast_in_dim3A_404 : f32 to vector<16xf32>
        %add3A_406 = arith.constant 2 : i32
        %add3A_407 = arith.addi %add3A_170, %add3A_406 : i32
        %get3A_408 = arith.index_cast %add3A_407 : i32 to index
        %get3A_409 = arith.constant 0 : index
        %get3A_410 = tpu.vector_load %arg11[%get3A_408, %get3A_409] {strides = array<i32>} : memref<128x128xf32, #tpu.memory_space<vmem>>, vector<16xf32>,
        %add3A_411 = arith.constant 2 : i32
        %add3A_412 = arith.addi %add3A_170, %add3A_411 : i32
        %get3A_413 = arith.index_cast %add3A_412 : i32 to index
        %get3A_414 = arith.constant 0 : index
        %get3A_415 = tpu.vector_load %arg13[%get3A_413, %get3A_414] {strides = array<i32>} : memref<128x128xf32, #tpu.memory_space<vmem>>, vector<16xf32>,
        %mul3A_416 = arith.mulf %get3A_410, %get3A_415 : vector<16xf32>
        %mul3A_417 = arith.mulf %mul3A_416, %get3A_33 : vector<16xf32>
        %add3A_418 = arith.addf %broadcast_in_dim3A_405, %mul3A_417 : vector<16xf32>
        %add3A_419 = arith.constant 2 : i32
        %add3A_420 = arith.addi %add3A_170, %add3A_419 : i32
        %get3A_421 = arith.index_cast %add3A_420 : i32 to index
        %get3A_422 = arith.constant 16 : index
        %get3A_423 = tpu.vector_load %arg11[%get3A_421, %get3A_422] {strides = array<i32>} : memref<128x128xf32, #tpu.memory_space<vmem>>, vector<16xf32>,
        %add3A_424 = arith.constant 2 : i32
        %add3A_425 = arith.addi %add3A_170, %add3A_424 : i32
        %get3A_426 = arith.index_cast %add3A_425 : i32 to index
        %get3A_427 = arith.constant 16 : index
        %get3A_428 = tpu.vector_load %arg13[%get3A_426, %get3A_427] {strides = array<i32>} : memref<128x128xf32, #tpu.memory_space<vmem>>, vector<16xf32>,
        %mul3A_429 = arith.mulf %get3A_423, %get3A_428 : vector<16xf32>
        %mul3A_430 = arith.mulf %mul3A_429, %get3A_35 : vector<16xf32>
        %add3A_431 = arith.addf %add3A_418, %mul3A_430 : vector<16xf32>
        %add3A_432 = arith.constant 2 : i32
        %add3A_433 = arith.addi %add3A_170, %add3A_432 : i32
        %get3A_434 = arith.index_cast %add3A_433 : i32 to index
        %get3A_435 = arith.constant 32 : index
        %get3A_436 = tpu.vector_load %arg11[%get3A_434, %get3A_435] {strides = array<i32>} : memref<128x128xf32, #tpu.memory_space<vmem>>, vector<16xf32>,
        %add3A_437 = arith.constant 2 : i32
        %add3A_438 = arith.addi %add3A_170, %add3A_437 : i32
        %get3A_439 = arith.index_cast %add3A_438 : i32 to index
        %get3A_440 = arith.constant 32 : index
        %get3A_441 = tpu.vector_load %arg13[%get3A_439, %get3A_440] {strides = array<i32>} : memref<128x128xf32, #tpu.memory_space<vmem>>, vector<16xf32>,
        %mul3A_442 = arith.mulf %get3A_436, %get3A_441 : vector<16xf32>
        %mul3A_443 = arith.mulf %mul3A_442, %get3A_37 : vector<16xf32>
        %add3A_444 = arith.addf %add3A_431, %mul3A_443 : vector<16xf32>
        %add3A_445 = arith.constant 2 : i32
        %add3A_446 = arith.addi %add3A_170, %add3A_445 : i32
        %get3A_447 = arith.index_cast %add3A_446 : i32 to index
        %get3A_448 = arith.constant 48 : index
        %get3A_449 = tpu.vector_load %arg11[%get3A_447, %get3A_448] {strides = array<i32>} : memref<128x128xf32, #tpu.memory_space<vmem>>, vector<16xf32>,
        %add3A_450 = arith.constant 2 : i32
        %add3A_451 = arith.addi %add3A_170, %add3A_450 : i32
        %get3A_452 = arith.index_cast %add3A_451 : i32 to index
        %get3A_453 = arith.constant 48 : index
        %get3A_454 = tpu.vector_load %arg13[%get3A_452, %get3A_453] {strides = array<i32>} : memref<128x128xf32, #tpu.memory_space<vmem>>, vector<16xf32>,
        %mul3A_455 = arith.mulf %get3A_449, %get3A_454 : vector<16xf32>
        %mul3A_456 = arith.mulf %mul3A_455, %get3A_39 : vector<16xf32>
        %add3A_457 = arith.addf %add3A_444, %mul3A_456 : vector<16xf32>
        %add3A_458 = arith.constant 2 : i32
        %add3A_459 = arith.addi %add3A_170, %add3A_458 : i32
        %get3A_460 = arith.index_cast %add3A_459 : i32 to index
        %get3A_461 = arith.constant 64 : index
        %get3A_462 = tpu.vector_load %arg11[%get3A_460, %get3A_461] {strides = array<i32>} : memref<128x128xf32, #tpu.memory_space<vmem>>, vector<16xf32>,
        %add3A_463 = arith.constant 2 : i32
        %add3A_464 = arith.addi %add3A_170, %add3A_463 : i32
        %get3A_465 = arith.index_cast %add3A_464 : i32 to index
        %get3A_466 = arith.constant 64 : index
        %get3A_467 = tpu.vector_load %arg13[%get3A_465, %get3A_466] {strides = array<i32>} : memref<128x128xf32, #tpu.memory_space<vmem>>, vector<16xf32>,
        %mul3A_468 = arith.mulf %get3A_462, %get3A_467 : vector<16xf32>
        %mul3A_469 = arith.mulf %mul3A_468, %get3A_41 : vector<16xf32>
        %add3A_470 = arith.addf %add3A_457, %mul3A_469 : vector<16xf32>
        %add3A_471 = arith.constant 2 : i32
        %add3A_472 = arith.addi %add3A_170, %add3A_471 : i32
        %get3A_473 = arith.index_cast %add3A_472 : i32 to index
        %get3A_474 = arith.constant 80 : index
        %get3A_475 = tpu.vector_load %arg11[%get3A_473, %get3A_474] {strides = array<i32>} : memref<128x128xf32, #tpu.memory_space<vmem>>, vector<16xf32>,
        %add3A_476 = arith.constant 2 : i32
        %add3A_477 = arith.addi %add3A_170, %add3A_476 : i32
        %get3A_478 = arith.index_cast %add3A_477 : i32 to index
        %get3A_479 = arith.constant 80 : index
        %get3A_480 = tpu.vector_load %arg13[%get3A_478, %get3A_479] {strides = array<i32>} : memref<128x128xf32, #tpu.memory_space<vmem>>, vector<16xf32>,
        %mul3A_481 = arith.mulf %get3A_475, %get3A_480 : vector<16xf32>
        %mul3A_482 = arith.mulf %mul3A_481, %get3A_43 : vector<16xf32>
        %add3A_483 = arith.addf %add3A_470, %mul3A_482 : vector<16xf32>
        %add3A_484 = arith.constant 2 : i32
        %add3A_485 = arith.addi %add3A_170, %add3A_484 : i32
        %get3A_486 = arith.index_cast %add3A_485 : i32 to index
        %get3A_487 = arith.constant 96 : index
        %get3A_488 = tpu.vector_load %arg11[%get3A_486, %get3A_487] {strides = array<i32>} : memref<128x128xf32, #tpu.memory_space<vmem>>, vector<16xf32>,
        %add3A_489 = arith.constant 2 : i32
        %add3A_490 = arith.addi %add3A_170, %add3A_489 : i32
        %get3A_491 = arith.index_cast %add3A_490 : i32 to index
        %get3A_492 = arith.constant 96 : index
        %get3A_493 = tpu.vector_load %arg13[%get3A_491, %get3A_492] {strides = array<i32>} : memref<128x128xf32, #tpu.memory_space<vmem>>, vector<16xf32>,
        %mul3A_494 = arith.mulf %get3A_488, %get3A_493 : vector<16xf32>
        %mul3A_495 = arith.mulf %mul3A_494, %get3A_45 : vector<16xf32>
        %add3A_496 = arith.addf %add3A_483, %mul3A_495 : vector<16xf32>
        %add3A_497 = arith.constant 2 : i32
        %add3A_498 = arith.addi %add3A_170, %add3A_497 : i32
        %get3A_499 = arith.index_cast %add3A_498 : i32 to index
        %get3A_500 = arith.constant 112 : index
        %get3A_501 = tpu.vector_load %arg11[%get3A_499, %get3A_500] {strides = array<i32>} : memref<128x128xf32, #tpu.memory_space<vmem>>, vector<16xf32>,
        %add3A_502 = arith.constant 2 : i32
        %add3A_503 = arith.addi %add3A_170, %add3A_502 : i32
        %get3A_504 = arith.index_cast %add3A_503 : i32 to index
        %get3A_505 = arith.constant 112 : index
        %get3A_506 = tpu.vector_load %arg13[%get3A_504, %get3A_505] {strides = array<i32>} : memref<128x128xf32, #tpu.memory_space<vmem>>, vector<16xf32>,
        %mul3A_507 = arith.mulf %get3A_501, %get3A_506 : vector<16xf32>
        %mul3A_508 = arith.mulf %mul3A_507, %get3A_47 : vector<16xf32>
        %add3A_509 = arith.addf %add3A_496, %mul3A_508 : vector<16xf32>
        %reduce_sum3A_510 = arith.constant true
        %reduce_sum3A_511 = vector.broadcast %reduce_sum3A_510 : i1 to vector<16xi1>
        %reduce_sum3A_512 = tpu.scan <sum>, %add3A_509 masked %reduce_sum3A_511 : vector<16xf32>, vector<16xi1> -> vector<16xf32>
        %reduce_sum3A_513 = vector.extract %reduce_sum3A_512[15] : f32 from vector<16xf32>
        %mul3A_514 = arith.constant 4 : i32
        %mul3A_515 = arith.muli %scan3A_164, %mul3A_514 : i32
        %add3A_516 = arith.constant 2 : i32
        %add3A_517 = arith.addi %mul3A_515, %add3A_516 : i32
        %eq3A_518 = vector.broadcast %add3A_517 : i32 to vector<16xi32>
        %eq3A_519 = arith.cmpi eq, %iota3A, %eq3A_518 : vector<16xi32>
        %broadcast_in_dim3A_520 = vector.broadcast %reduce_sum3A_513 : f32 to vector<16xf32>
        %select_n3A_521 = arith.select %eq3A_519, %broadcast_in_dim3A_520, %select_n3A_403 : vector<16xi1>, vector<16xf32>
        %broadcast_in_dim3A_522 = arith.constant 0.000000e+00 : f32
        %broadcast_in_dim3A_523 = vector.broadcast %broadcast_in_dim3A_522 : f32 to vector<16xf32>
        %add3A_524 = arith.constant 3 : i32
        %add3A_525 = arith.addi %add3A_170, %add3A_524 : i32
        %get3A_526 = arith.index_cast %add3A_525 : i32 to index
        %get3A_527 = arith.constant 0 : index
        %get3A_528 = tpu.vector_load %arg11[%get3A_526, %get3A_527] {strides = array<i32>} : memref<128x128xf32, #tpu.memory_space<vmem>>, vector<16xf32>,
        %add3A_529 = arith.constant 3 : i32
        %add3A_530 = arith.addi %add3A_170, %add3A_529 : i32
        %get3A_531 = arith.index_cast %add3A_530 : i32 to index
        %get3A_532 = arith.constant 0 : index
        %get3A_533 = tpu.vector_load %arg13[%get3A_531, %get3A_532] {strides = array<i32>} : memref<128x128xf32, #tpu.memory_space<vmem>>, vector<16xf32>,
        %mul3A_534 = arith.mulf %get3A_528, %get3A_533 : vector<16xf32>
        %mul3A_535 = arith.mulf %mul3A_534, %get3A_33 : vector<16xf32>
        %add3A_536 = arith.addf %broadcast_in_dim3A_523, %mul3A_535 : vector<16xf32>
        %add3A_537 = arith.constant 3 : i32
        %add3A_538 = arith.addi %add3A_170, %add3A_537 : i32
        %get3A_539 = arith.index_cast %add3A_538 : i32 to index
        %get3A_540 = arith.constant 16 : index
        %get3A_541 = tpu.vector_load %arg11[%get3A_539, %get3A_540] {strides = array<i32>} : memref<128x128xf32, #tpu.memory_space<vmem>>, vector<16xf32>,
        %add3A_542 = arith.constant 3 : i32
        %add3A_543 = arith.addi %add3A_170, %add3A_542 : i32
        %get3A_544 = arith.index_cast %add3A_543 : i32 to index
        %get3A_545 = arith.constant 16 : index
        %get3A_546 = tpu.vector_load %arg13[%get3A_544, %get3A_545] {strides = array<i32>} : memref<128x128xf32, #tpu.memory_space<vmem>>, vector<16xf32>,
        %mul3A_547 = arith.mulf %get3A_541, %get3A_546 : vector<16xf32>
        %mul3A_548 = arith.mulf %mul3A_547, %get3A_35 : vector<16xf32>
        %add3A_549 = arith.addf %add3A_536, %mul3A_548 : vector<16xf32>
        %add3A_550 = arith.constant 3 : i32
        %add3A_551 = arith.addi %add3A_170, %add3A_550 : i32
        %get3A_552 = arith.index_cast %add3A_551 : i32 to index
        %get3A_553 = arith.constant 32 : index
        %get3A_554 = tpu.vector_load %arg11[%get3A_552, %get3A_553] {strides = array<i32>} : memref<128x128xf32, #tpu.memory_space<vmem>>, vector<16xf32>,
        %add3A_555 = arith.constant 3 : i32
        %add3A_556 = arith.addi %add3A_170, %add3A_555 : i32
        %get3A_557 = arith.index_cast %add3A_556 : i32 to index
        %get3A_558 = arith.constant 32 : index
        %get3A_559 = tpu.vector_load %arg13[%get3A_557, %get3A_558] {strides = array<i32>} : memref<128x128xf32, #tpu.memory_space<vmem>>, vector<16xf32>,
        %mul3A_560 = arith.mulf %get3A_554, %get3A_559 : vector<16xf32>
        %mul3A_561 = arith.mulf %mul3A_560, %get3A_37 : vector<16xf32>
        %add3A_562 = arith.addf %add3A_549, %mul3A_561 : vector<16xf32>
        %add3A_563 = arith.constant 3 : i32
        %add3A_564 = arith.addi %add3A_170, %add3A_563 : i32
        %get3A_565 = arith.index_cast %add3A_564 : i32 to index
        %get3A_566 = arith.constant 48 : index
        %get3A_567 = tpu.vector_load %arg11[%get3A_565, %get3A_566] {strides = array<i32>} : memref<128x128xf32, #tpu.memory_space<vmem>>, vector<16xf32>,
        %add3A_568 = arith.constant 3 : i32
        %add3A_569 = arith.addi %add3A_170, %add3A_568 : i32
        %get3A_570 = arith.index_cast %add3A_569 : i32 to index
        %get3A_571 = arith.constant 48 : index
        %get3A_572 = tpu.vector_load %arg13[%get3A_570, %get3A_571] {strides = array<i32>} : memref<128x128xf32, #tpu.memory_space<vmem>>, vector<16xf32>,
        %mul3A_573 = arith.mulf %get3A_567, %get3A_572 : vector<16xf32>
        %mul3A_574 = arith.mulf %mul3A_573, %get3A_39 : vector<16xf32>
        %add3A_575 = arith.addf %add3A_562, %mul3A_574 : vector<16xf32>
        %add3A_576 = arith.constant 3 : i32
        %add3A_577 = arith.addi %add3A_170, %add3A_576 : i32
        %get3A_578 = arith.index_cast %add3A_577 : i32 to index
        %get3A_579 = arith.constant 64 : index
        %get3A_580 = tpu.vector_load %arg11[%get3A_578, %get3A_579] {strides = array<i32>} : memref<128x128xf32, #tpu.memory_space<vmem>>, vector<16xf32>,
        %add3A_581 = arith.constant 3 : i32
        %add3A_582 = arith.addi %add3A_170, %add3A_581 : i32
        %get3A_583 = arith.index_cast %add3A_582 : i32 to index
        %get3A_584 = arith.constant 64 : index
        %get3A_585 = tpu.vector_load %arg13[%get3A_583, %get3A_584] {strides = array<i32>} : memref<128x128xf32, #tpu.memory_space<vmem>>, vector<16xf32>,
        %mul3A_586 = arith.mulf %get3A_580, %get3A_585 : vector<16xf32>
        %mul3A_587 = arith.mulf %mul3A_586, %get3A_41 : vector<16xf32>
        %add3A_588 = arith.addf %add3A_575, %mul3A_587 : vector<16xf32>
        %add3A_589 = arith.constant 3 : i32
        %add3A_590 = arith.addi %add3A_170, %add3A_589 : i32
        %get3A_591 = arith.index_cast %add3A_590 : i32 to index
        %get3A_592 = arith.constant 80 : index
        %get3A_593 = tpu.vector_load %arg11[%get3A_591, %get3A_592] {strides = array<i32>} : memref<128x128xf32, #tpu.memory_space<vmem>>, vector<16xf32>,
        %add3A_594 = arith.constant 3 : i32
        %add3A_595 = arith.addi %add3A_170, %add3A_594 : i32
        %get3A_596 = arith.index_cast %add3A_595 : i32 to index
        %get3A_597 = arith.constant 80 : index
        %get3A_598 = tpu.vector_load %arg13[%get3A_596, %get3A_597] {strides = array<i32>} : memref<128x128xf32, #tpu.memory_space<vmem>>, vector<16xf32>,
        %mul3A_599 = arith.mulf %get3A_593, %get3A_598 : vector<16xf32>
        %mul3A_600 = arith.mulf %mul3A_599, %get3A_43 : vector<16xf32>
        %add3A_601 = arith.addf %add3A_588, %mul3A_600 : vector<16xf32>
        %add3A_602 = arith.constant 3 : i32
        %add3A_603 = arith.addi %add3A_170, %add3A_602 : i32
        %get3A_604 = arith.index_cast %add3A_603 : i32 to index
        %get3A_605 = arith.constant 96 : index
        %get3A_606 = tpu.vector_load %arg11[%get3A_604, %get3A_605] {strides = array<i32>} : memref<128x128xf32, #tpu.memory_space<vmem>>, vector<16xf32>,
        %add3A_607 = arith.constant 3 : i32
        %add3A_608 = arith.addi %add3A_170, %add3A_607 : i32
        %get3A_609 = arith.index_cast %add3A_608 : i32 to index
        %get3A_610 = arith.constant 96 : index
        %get3A_611 = tpu.vector_load %arg13[%get3A_609, %get3A_610] {strides = array<i32>} : memref<128x128xf32, #tpu.memory_space<vmem>>, vector<16xf32>,
        %mul3A_612 = arith.mulf %get3A_606, %get3A_611 : vector<16xf32>
        %mul3A_613 = arith.mulf %mul3A_612, %get3A_45 : vector<16xf32>
        %add3A_614 = arith.addf %add3A_601, %mul3A_613 : vector<16xf32>
        %add3A_615 = arith.constant 3 : i32
        %add3A_616 = arith.addi %add3A_170, %add3A_615 : i32
        %get3A_617 = arith.index_cast %add3A_616 : i32 to index
        %get3A_618 = arith.constant 112 : index
        %get3A_619 = tpu.vector_load %arg11[%get3A_617, %get3A_618] {strides = array<i32>} : memref<128x128xf32, #tpu.memory_space<vmem>>, vector<16xf32>,
        %add3A_620 = arith.constant 3 : i32
        %add3A_621 = arith.addi %add3A_170, %add3A_620 : i32
        %get3A_622 = arith.index_cast %add3A_621 : i32 to index
        %get3A_623 = arith.constant 112 : index
        %get3A_624 = tpu.vector_load %arg13[%get3A_622, %get3A_623] {strides = array<i32>} : memref<128x128xf32, #tpu.memory_space<vmem>>, vector<16xf32>,
        %mul3A_625 = arith.mulf %get3A_619, %get3A_624 : vector<16xf32>
        %mul3A_626 = arith.mulf %mul3A_625, %get3A_47 : vector<16xf32>
        %add3A_627 = arith.addf %add3A_614, %mul3A_626 : vector<16xf32>
        %reduce_sum3A_628 = arith.constant true
        %reduce_sum3A_629 = vector.broadcast %reduce_sum3A_628 : i1 to vector<16xi1>
        %reduce_sum3A_630 = tpu.scan <sum>, %add3A_627 masked %reduce_sum3A_629 : vector<16xf32>, vector<16xi1> -> vector<16xf32>
        %reduce_sum3A_631 = vector.extract %reduce_sum3A_630[15] : f32 from vector<16xf32>
        %mul3A_632 = arith.constant 4 : i32
        %mul3A_633 = arith.muli %scan3A_164, %mul3A_632 : i32
        %add3A_634 = arith.constant 3 : i32
        %add3A_635 = arith.addi %mul3A_633, %add3A_634 : i32
        %eq3A_636 = vector.broadcast %add3A_635 : i32 to vector<16xi32>
        %eq3A_637 = arith.cmpi eq, %iota3A, %eq3A_636 : vector<16xi32>
        %broadcast_in_dim3A_638 = vector.broadcast %reduce_sum3A_631 : f32 to vector<16xf32>
        %select_n3A_639 = arith.select %eq3A_637, %broadcast_in_dim3A_638, %select_n3A_521 : vector<16xi1>, vector<16xf32>
        scf.yield %select_n3A_639 : vector<16xf32>
      }
      %scan3A_150 = arith.constant 4 : i32
      %add3A_151 = arith.addf %scan3A_149, %get3A_49 : vector<16xf32>
      %neg3A = arith.constant 0.000000e+00 : f32
      %neg3A_152 = vector.broadcast %neg3A : f32 to vector<16xf32>
      %neg3A_153 = arith.subf %neg3A_152, %add3A_151 : vector<16xf32>
      %exp3A = math.exp %neg3A_153 : vector<16xf32>
      %add3A_154 = arith.constant 1.000000e+00 : f32
      %add3A_155 = vector.broadcast %add3A_154 : f32 to vector<16xf32>
      %add3A_156 = arith.addf %add3A_155, %exp3A : vector<16xf32>
      %div3A = arith.constant 1.000000e+00 : f32
      %div3A_157 = vector.broadcast %div3A : f32 to vector<16xf32>
      %div3A_158 = arith.divf %div3A_157, %add3A_156 : vector<16xf32>
      %mul3A_159 = arith.constant 16 : i32
      %mul3A_160 = arith.muli %add3A_143, %mul3A_159 : i32
      %add3A_161 = arith.constant 256 : i32
      %add3A_162 = arith.addi %add3A_161, %mul3A_160 : i32
      %swap3A = arith.index_cast %add3A_162 : i32 to index
      %swap3A_163 = tpu.vector_load %arg15[%swap3A] {strides = array<i32>} : memref<512xf32, #tpu.memory_space<vmem>>, vector<16xf32>,
      tpu.vector_store %arg15[%swap3A], %div3A_158 {strides = array<i32>} : memref<512xf32, #tpu.memory_space<vmem>>, vector<16xf32>,
    }
    %scan3A_123 = arith.constant 8 : i32
    %dma_wait3A_124 = arith.constant 384 : i32
    %dma_wait3A_125 = tpu.memref_slice %arg9[%dma_wait3A_124] : memref<512xi32, #tpu.memory_space<vmem>> -> memref<128xi32, #tpu.memory_space<vmem>>
    %dma_wait3A_126 = arith.constant 0 : i32
    %dma_wait3A_127 = arith.constant 0 : i32
    %dma_wait3A_128 = tpu.memref_slice %arg4[%dma_wait3A_126, %dma_wait3A_127] : memref<1000000x128xf32, #tpu.memory_space<hbm>> -> memref<1000000x128xf32, #tpu.memory_space<hbm>>
    tpu.wait_indirect_dma semaphore(%arg19 : memref<!tpu.dma_semaphore, #tpu.memory_space<semaphore_mem>>) src(%dma_wait3A_128 : memref<1000000x128xf32, #tpu.memory_space<hbm>>) dst(%arg12 : memref<128x128xf32, #tpu.memory_space<vmem>>)
    %dma_wait3A_129 = arith.constant 384 : i32
    %dma_wait3A_130 = tpu.memref_slice %arg10[%dma_wait3A_129] : memref<512xi32, #tpu.memory_space<vmem>> -> memref<128xi32, #tpu.memory_space<vmem>>
    %dma_wait3A_131 = arith.constant 0 : i32
    %dma_wait3A_132 = arith.constant 0 : i32
    %dma_wait3A_133 = tpu.memref_slice %arg5[%dma_wait3A_131, %dma_wait3A_132] : memref<100000x128xf32, #tpu.memory_space<hbm>> -> memref<100000x128xf32, #tpu.memory_space<hbm>>
    tpu.wait_indirect_dma semaphore(%arg21 : memref<!tpu.dma_semaphore, #tpu.memory_space<semaphore_mem>>) src(%dma_wait3A_133 : memref<100000x128xf32, #tpu.memory_space<hbm>>) dst(%arg14 : memref<128x128xf32, #tpu.memory_space<vmem>>)
    %scan3A_134 = arith.constant 0 : i32
    %scan3A_135 = arith.constant 8 : i32
    %scan3A_136 = arith.addi %scan3A_134, %scan3A_135 : i32
    %scan3A_137 = arith.constant 1 : i32
    scf.for %scan3A_139 = %scan3A_134 to %scan3A_136 step %scan3A_137  : i32 {
      %mul3A_140 = arith.constant 1 : i32
      %mul3A_141 = arith.muli %scan3A_139, %mul3A_140 : i32
      %add3A_142 = arith.constant 0 : i32
      %add3A_143 = arith.addi %add3A_142, %mul3A_141 : i32
      %iota3A = tpu.iota {dimensions = array<i32: 0>} : vector<16xi32>
      %broadcast_in_dim3A = arith.constant 0.000000e+00 : f32
      %broadcast_in_dim3A_144 = vector.broadcast %broadcast_in_dim3A : f32 to vector<16xf32>
      %scan3A_145 = arith.constant 0 : i32
      %scan3A_146 = arith.constant 4 : i32
      %scan3A_147 = arith.addi %scan3A_145, %scan3A_146 : i32
      %scan3A_148 = arith.constant 1 : i32
      %scan3A_149 = scf.for %scan3A_164 = %scan3A_145 to %scan3A_147 step %scan3A_148 iter_args(%scan3A_165 = %broadcast_in_dim3A_144) -> (vector<16xf32>)  : i32 {
        %mul3A_166 = arith.constant 16 : i32
        %mul3A_167 = arith.muli %add3A_143, %mul3A_166 : i32
        %mul3A_168 = arith.constant 4 : i32
        %mul3A_169 = arith.muli %scan3A_164, %mul3A_168 : i32
        %add3A_170 = arith.addi %mul3A_167, %mul3A_169 : i32
        %broadcast_in_dim3A_171 = arith.constant 0.000000e+00 : f32
        %broadcast_in_dim3A_172 = vector.broadcast %broadcast_in_dim3A_171 : f32 to vector<16xf32>
        %add3A_173 = arith.constant 0 : i32
        %add3A_174 = arith.addi %add3A_170, %add3A_173 : i32
        %get3A_175 = arith.index_cast %add3A_174 : i32 to index
        %get3A_176 = arith.constant 0 : index
        %get3A_177 = tpu.vector_load %arg12[%get3A_175, %get3A_176] {strides = array<i32>} : memref<128x128xf32, #tpu.memory_space<vmem>>, vector<16xf32>,
        %add3A_178 = arith.constant 0 : i32
        %add3A_179 = arith.addi %add3A_170, %add3A_178 : i32
        %get3A_180 = arith.index_cast %add3A_179 : i32 to index
        %get3A_181 = arith.constant 0 : index
        %get3A_182 = tpu.vector_load %arg14[%get3A_180, %get3A_181] {strides = array<i32>} : memref<128x128xf32, #tpu.memory_space<vmem>>, vector<16xf32>,
        %mul3A_183 = arith.mulf %get3A_177, %get3A_182 : vector<16xf32>
        %mul3A_184 = arith.mulf %mul3A_183, %get3A_33 : vector<16xf32>
        %add3A_185 = arith.addf %broadcast_in_dim3A_172, %mul3A_184 : vector<16xf32>
        %add3A_186 = arith.constant 0 : i32
        %add3A_187 = arith.addi %add3A_170, %add3A_186 : i32
        %get3A_188 = arith.index_cast %add3A_187 : i32 to index
        %get3A_189 = arith.constant 16 : index
        %get3A_190 = tpu.vector_load %arg12[%get3A_188, %get3A_189] {strides = array<i32>} : memref<128x128xf32, #tpu.memory_space<vmem>>, vector<16xf32>,
        %add3A_191 = arith.constant 0 : i32
        %add3A_192 = arith.addi %add3A_170, %add3A_191 : i32
        %get3A_193 = arith.index_cast %add3A_192 : i32 to index
        %get3A_194 = arith.constant 16 : index
        %get3A_195 = tpu.vector_load %arg14[%get3A_193, %get3A_194] {strides = array<i32>} : memref<128x128xf32, #tpu.memory_space<vmem>>, vector<16xf32>,
        %mul3A_196 = arith.mulf %get3A_190, %get3A_195 : vector<16xf32>
        %mul3A_197 = arith.mulf %mul3A_196, %get3A_35 : vector<16xf32>
        %add3A_198 = arith.addf %add3A_185, %mul3A_197 : vector<16xf32>
        %add3A_199 = arith.constant 0 : i32
        %add3A_200 = arith.addi %add3A_170, %add3A_199 : i32
        %get3A_201 = arith.index_cast %add3A_200 : i32 to index
        %get3A_202 = arith.constant 32 : index
        %get3A_203 = tpu.vector_load %arg12[%get3A_201, %get3A_202] {strides = array<i32>} : memref<128x128xf32, #tpu.memory_space<vmem>>, vector<16xf32>,
        %add3A_204 = arith.constant 0 : i32
        %add3A_205 = arith.addi %add3A_170, %add3A_204 : i32
        %get3A_206 = arith.index_cast %add3A_205 : i32 to index
        %get3A_207 = arith.constant 32 : index
        %get3A_208 = tpu.vector_load %arg14[%get3A_206, %get3A_207] {strides = array<i32>} : memref<128x128xf32, #tpu.memory_space<vmem>>, vector<16xf32>,
        %mul3A_209 = arith.mulf %get3A_203, %get3A_208 : vector<16xf32>
        %mul3A_210 = arith.mulf %mul3A_209, %get3A_37 : vector<16xf32>
        %add3A_211 = arith.addf %add3A_198, %mul3A_210 : vector<16xf32>
        %add3A_212 = arith.constant 0 : i32
        %add3A_213 = arith.addi %add3A_170, %add3A_212 : i32
        %get3A_214 = arith.index_cast %add3A_213 : i32 to index
        %get3A_215 = arith.constant 48 : index
        %get3A_216 = tpu.vector_load %arg12[%get3A_214, %get3A_215] {strides = array<i32>} : memref<128x128xf32, #tpu.memory_space<vmem>>, vector<16xf32>,
        %add3A_217 = arith.constant 0 : i32
        %add3A_218 = arith.addi %add3A_170, %add3A_217 : i32
        %get3A_219 = arith.index_cast %add3A_218 : i32 to index
        %get3A_220 = arith.constant 48 : index
        %get3A_221 = tpu.vector_load %arg14[%get3A_219, %get3A_220] {strides = array<i32>} : memref<128x128xf32, #tpu.memory_space<vmem>>, vector<16xf32>,
        %mul3A_222 = arith.mulf %get3A_216, %get3A_221 : vector<16xf32>
        %mul3A_223 = arith.mulf %mul3A_222, %get3A_39 : vector<16xf32>
        %add3A_224 = arith.addf %add3A_211, %mul3A_223 : vector<16xf32>
        %add3A_225 = arith.constant 0 : i32
        %add3A_226 = arith.addi %add3A_170, %add3A_225 : i32
        %get3A_227 = arith.index_cast %add3A_226 : i32 to index
        %get3A_228 = arith.constant 64 : index
        %get3A_229 = tpu.vector_load %arg12[%get3A_227, %get3A_228] {strides = array<i32>} : memref<128x128xf32, #tpu.memory_space<vmem>>, vector<16xf32>,
        %add3A_230 = arith.constant 0 : i32
        %add3A_231 = arith.addi %add3A_170, %add3A_230 : i32
        %get3A_232 = arith.index_cast %add3A_231 : i32 to index
        %get3A_233 = arith.constant 64 : index
        %get3A_234 = tpu.vector_load %arg14[%get3A_232, %get3A_233] {strides = array<i32>} : memref<128x128xf32, #tpu.memory_space<vmem>>, vector<16xf32>,
        %mul3A_235 = arith.mulf %get3A_229, %get3A_234 : vector<16xf32>
        %mul3A_236 = arith.mulf %mul3A_235, %get3A_41 : vector<16xf32>
        %add3A_237 = arith.addf %add3A_224, %mul3A_236 : vector<16xf32>
        %add3A_238 = arith.constant 0 : i32
        %add3A_239 = arith.addi %add3A_170, %add3A_238 : i32
        %get3A_240 = arith.index_cast %add3A_239 : i32 to index
        %get3A_241 = arith.constant 80 : index
        %get3A_242 = tpu.vector_load %arg12[%get3A_240, %get3A_241] {strides = array<i32>} : memref<128x128xf32, #tpu.memory_space<vmem>>, vector<16xf32>,
        %add3A_243 = arith.constant 0 : i32
        %add3A_244 = arith.addi %add3A_170, %add3A_243 : i32
        %get3A_245 = arith.index_cast %add3A_244 : i32 to index
        %get3A_246 = arith.constant 80 : index
        %get3A_247 = tpu.vector_load %arg14[%get3A_245, %get3A_246] {strides = array<i32>} : memref<128x128xf32, #tpu.memory_space<vmem>>, vector<16xf32>,
        %mul3A_248 = arith.mulf %get3A_242, %get3A_247 : vector<16xf32>
        %mul3A_249 = arith.mulf %mul3A_248, %get3A_43 : vector<16xf32>
        %add3A_250 = arith.addf %add3A_237, %mul3A_249 : vector<16xf32>
        %add3A_251 = arith.constant 0 : i32
        %add3A_252 = arith.addi %add3A_170, %add3A_251 : i32
        %get3A_253 = arith.index_cast %add3A_252 : i32 to index
        %get3A_254 = arith.constant 96 : index
        %get3A_255 = tpu.vector_load %arg12[%get3A_253, %get3A_254] {strides = array<i32>} : memref<128x128xf32, #tpu.memory_space<vmem>>, vector<16xf32>,
        %add3A_256 = arith.constant 0 : i32
        %add3A_257 = arith.addi %add3A_170, %add3A_256 : i32
        %get3A_258 = arith.index_cast %add3A_257 : i32 to index
        %get3A_259 = arith.constant 96 : index
        %get3A_260 = tpu.vector_load %arg14[%get3A_258, %get3A_259] {strides = array<i32>} : memref<128x128xf32, #tpu.memory_space<vmem>>, vector<16xf32>,
        %mul3A_261 = arith.mulf %get3A_255, %get3A_260 : vector<16xf32>
        %mul3A_262 = arith.mulf %mul3A_261, %get3A_45 : vector<16xf32>
        %add3A_263 = arith.addf %add3A_250, %mul3A_262 : vector<16xf32>
        %add3A_264 = arith.constant 0 : i32
        %add3A_265 = arith.addi %add3A_170, %add3A_264 : i32
        %get3A_266 = arith.index_cast %add3A_265 : i32 to index
        %get3A_267 = arith.constant 112 : index
        %get3A_268 = tpu.vector_load %arg12[%get3A_266, %get3A_267] {strides = array<i32>} : memref<128x128xf32, #tpu.memory_space<vmem>>, vector<16xf32>,
        %add3A_269 = arith.constant 0 : i32
        %add3A_270 = arith.addi %add3A_170, %add3A_269 : i32
        %get3A_271 = arith.index_cast %add3A_270 : i32 to index
        %get3A_272 = arith.constant 112 : index
        %get3A_273 = tpu.vector_load %arg14[%get3A_271, %get3A_272] {strides = array<i32>} : memref<128x128xf32, #tpu.memory_space<vmem>>, vector<16xf32>,
        %mul3A_274 = arith.mulf %get3A_268, %get3A_273 : vector<16xf32>
        %mul3A_275 = arith.mulf %mul3A_274, %get3A_47 : vector<16xf32>
        %add3A_276 = arith.addf %add3A_263, %mul3A_275 : vector<16xf32>
        %reduce_sum3A = arith.constant true
        %reduce_sum3A_277 = vector.broadcast %reduce_sum3A : i1 to vector<16xi1>
        %reduce_sum3A_278 = tpu.scan <sum>, %add3A_276 masked %reduce_sum3A_277 : vector<16xf32>, vector<16xi1> -> vector<16xf32>
        %reduce_sum3A_279 = vector.extract %reduce_sum3A_278[15] : f32 from vector<16xf32>
        %mul3A_280 = arith.constant 4 : i32
        %mul3A_281 = arith.muli %scan3A_164, %mul3A_280 : i32
        %add3A_282 = arith.constant 0 : i32
        %add3A_283 = arith.addi %mul3A_281, %add3A_282 : i32
        %eq3A = vector.broadcast %add3A_283 : i32 to vector<16xi32>
        %eq3A_284 = arith.cmpi eq, %iota3A, %eq3A : vector<16xi32>
        %broadcast_in_dim3A_285 = vector.broadcast %reduce_sum3A_279 : f32 to vector<16xf32>
        %select_n3A = arith.select %eq3A_284, %broadcast_in_dim3A_285, %scan3A_165 : vector<16xi1>, vector<16xf32>
        %broadcast_in_dim3A_286 = arith.constant 0.000000e+00 : f32
        %broadcast_in_dim3A_287 = vector.broadcast %broadcast_in_dim3A_286 : f32 to vector<16xf32>
        %add3A_288 = arith.constant 1 : i32
        %add3A_289 = arith.addi %add3A_170, %add3A_288 : i32
        %get3A_290 = arith.index_cast %add3A_289 : i32 to index
        %get3A_291 = arith.constant 0 : index
        %get3A_292 = tpu.vector_load %arg12[%get3A_290, %get3A_291] {strides = array<i32>} : memref<128x128xf32, #tpu.memory_space<vmem>>, vector<16xf32>,
        %add3A_293 = arith.constant 1 : i32
        %add3A_294 = arith.addi %add3A_170, %add3A_293 : i32
        %get3A_295 = arith.index_cast %add3A_294 : i32 to index
        %get3A_296 = arith.constant 0 : index
        %get3A_297 = tpu.vector_load %arg14[%get3A_295, %get3A_296] {strides = array<i32>} : memref<128x128xf32, #tpu.memory_space<vmem>>, vector<16xf32>,
        %mul3A_298 = arith.mulf %get3A_292, %get3A_297 : vector<16xf32>
        %mul3A_299 = arith.mulf %mul3A_298, %get3A_33 : vector<16xf32>
        %add3A_300 = arith.addf %broadcast_in_dim3A_287, %mul3A_299 : vector<16xf32>
        %add3A_301 = arith.constant 1 : i32
        %add3A_302 = arith.addi %add3A_170, %add3A_301 : i32
        %get3A_303 = arith.index_cast %add3A_302 : i32 to index
        %get3A_304 = arith.constant 16 : index
        %get3A_305 = tpu.vector_load %arg12[%get3A_303, %get3A_304] {strides = array<i32>} : memref<128x128xf32, #tpu.memory_space<vmem>>, vector<16xf32>,
        %add3A_306 = arith.constant 1 : i32
        %add3A_307 = arith.addi %add3A_170, %add3A_306 : i32
        %get3A_308 = arith.index_cast %add3A_307 : i32 to index
        %get3A_309 = arith.constant 16 : index
        %get3A_310 = tpu.vector_load %arg14[%get3A_308, %get3A_309] {strides = array<i32>} : memref<128x128xf32, #tpu.memory_space<vmem>>, vector<16xf32>,
        %mul3A_311 = arith.mulf %get3A_305, %get3A_310 : vector<16xf32>
        %mul3A_312 = arith.mulf %mul3A_311, %get3A_35 : vector<16xf32>
        %add3A_313 = arith.addf %add3A_300, %mul3A_312 : vector<16xf32>
        %add3A_314 = arith.constant 1 : i32
        %add3A_315 = arith.addi %add3A_170, %add3A_314 : i32
        %get3A_316 = arith.index_cast %add3A_315 : i32 to index
        %get3A_317 = arith.constant 32 : index
        %get3A_318 = tpu.vector_load %arg12[%get3A_316, %get3A_317] {strides = array<i32>} : memref<128x128xf32, #tpu.memory_space<vmem>>, vector<16xf32>,
        %add3A_319 = arith.constant 1 : i32
        %add3A_320 = arith.addi %add3A_170, %add3A_319 : i32
        %get3A_321 = arith.index_cast %add3A_320 : i32 to index
        %get3A_322 = arith.constant 32 : index
        %get3A_323 = tpu.vector_load %arg14[%get3A_321, %get3A_322] {strides = array<i32>} : memref<128x128xf32, #tpu.memory_space<vmem>>, vector<16xf32>,
        %mul3A_324 = arith.mulf %get3A_318, %get3A_323 : vector<16xf32>
        %mul3A_325 = arith.mulf %mul3A_324, %get3A_37 : vector<16xf32>
        %add3A_326 = arith.addf %add3A_313, %mul3A_325 : vector<16xf32>
        %add3A_327 = arith.constant 1 : i32
        %add3A_328 = arith.addi %add3A_170, %add3A_327 : i32
        %get3A_329 = arith.index_cast %add3A_328 : i32 to index
        %get3A_330 = arith.constant 48 : index
        %get3A_331 = tpu.vector_load %arg12[%get3A_329, %get3A_330] {strides = array<i32>} : memref<128x128xf32, #tpu.memory_space<vmem>>, vector<16xf32>,
        %add3A_332 = arith.constant 1 : i32
        %add3A_333 = arith.addi %add3A_170, %add3A_332 : i32
        %get3A_334 = arith.index_cast %add3A_333 : i32 to index
        %get3A_335 = arith.constant 48 : index
        %get3A_336 = tpu.vector_load %arg14[%get3A_334, %get3A_335] {strides = array<i32>} : memref<128x128xf32, #tpu.memory_space<vmem>>, vector<16xf32>,
        %mul3A_337 = arith.mulf %get3A_331, %get3A_336 : vector<16xf32>
        %mul3A_338 = arith.mulf %mul3A_337, %get3A_39 : vector<16xf32>
        %add3A_339 = arith.addf %add3A_326, %mul3A_338 : vector<16xf32>
        %add3A_340 = arith.constant 1 : i32
        %add3A_341 = arith.addi %add3A_170, %add3A_340 : i32
        %get3A_342 = arith.index_cast %add3A_341 : i32 to index
        %get3A_343 = arith.constant 64 : index
        %get3A_344 = tpu.vector_load %arg12[%get3A_342, %get3A_343] {strides = array<i32>} : memref<128x128xf32, #tpu.memory_space<vmem>>, vector<16xf32>,
        %add3A_345 = arith.constant 1 : i32
        %add3A_346 = arith.addi %add3A_170, %add3A_345 : i32
        %get3A_347 = arith.index_cast %add3A_346 : i32 to index
        %get3A_348 = arith.constant 64 : index
        %get3A_349 = tpu.vector_load %arg14[%get3A_347, %get3A_348] {strides = array<i32>} : memref<128x128xf32, #tpu.memory_space<vmem>>, vector<16xf32>,
        %mul3A_350 = arith.mulf %get3A_344, %get3A_349 : vector<16xf32>
        %mul3A_351 = arith.mulf %mul3A_350, %get3A_41 : vector<16xf32>
        %add3A_352 = arith.addf %add3A_339, %mul3A_351 : vector<16xf32>
        %add3A_353 = arith.constant 1 : i32
        %add3A_354 = arith.addi %add3A_170, %add3A_353 : i32
        %get3A_355 = arith.index_cast %add3A_354 : i32 to index
        %get3A_356 = arith.constant 80 : index
        %get3A_357 = tpu.vector_load %arg12[%get3A_355, %get3A_356] {strides = array<i32>} : memref<128x128xf32, #tpu.memory_space<vmem>>, vector<16xf32>,
        %add3A_358 = arith.constant 1 : i32
        %add3A_359 = arith.addi %add3A_170, %add3A_358 : i32
        %get3A_360 = arith.index_cast %add3A_359 : i32 to index
        %get3A_361 = arith.constant 80 : index
        %get3A_362 = tpu.vector_load %arg14[%get3A_360, %get3A_361] {strides = array<i32>} : memref<128x128xf32, #tpu.memory_space<vmem>>, vector<16xf32>,
        %mul3A_363 = arith.mulf %get3A_357, %get3A_362 : vector<16xf32>
        %mul3A_364 = arith.mulf %mul3A_363, %get3A_43 : vector<16xf32>
        %add3A_365 = arith.addf %add3A_352, %mul3A_364 : vector<16xf32>
        %add3A_366 = arith.constant 1 : i32
        %add3A_367 = arith.addi %add3A_170, %add3A_366 : i32
        %get3A_368 = arith.index_cast %add3A_367 : i32 to index
        %get3A_369 = arith.constant 96 : index
        %get3A_370 = tpu.vector_load %arg12[%get3A_368, %get3A_369] {strides = array<i32>} : memref<128x128xf32, #tpu.memory_space<vmem>>, vector<16xf32>,
        %add3A_371 = arith.constant 1 : i32
        %add3A_372 = arith.addi %add3A_170, %add3A_371 : i32
        %get3A_373 = arith.index_cast %add3A_372 : i32 to index
        %get3A_374 = arith.constant 96 : index
        %get3A_375 = tpu.vector_load %arg14[%get3A_373, %get3A_374] {strides = array<i32>} : memref<128x128xf32, #tpu.memory_space<vmem>>, vector<16xf32>,
        %mul3A_376 = arith.mulf %get3A_370, %get3A_375 : vector<16xf32>
        %mul3A_377 = arith.mulf %mul3A_376, %get3A_45 : vector<16xf32>
        %add3A_378 = arith.addf %add3A_365, %mul3A_377 : vector<16xf32>
        %add3A_379 = arith.constant 1 : i32
        %add3A_380 = arith.addi %add3A_170, %add3A_379 : i32
        %get3A_381 = arith.index_cast %add3A_380 : i32 to index
        %get3A_382 = arith.constant 112 : index
        %get3A_383 = tpu.vector_load %arg12[%get3A_381, %get3A_382] {strides = array<i32>} : memref<128x128xf32, #tpu.memory_space<vmem>>, vector<16xf32>,
        %add3A_384 = arith.constant 1 : i32
        %add3A_385 = arith.addi %add3A_170, %add3A_384 : i32
        %get3A_386 = arith.index_cast %add3A_385 : i32 to index
        %get3A_387 = arith.constant 112 : index
        %get3A_388 = tpu.vector_load %arg14[%get3A_386, %get3A_387] {strides = array<i32>} : memref<128x128xf32, #tpu.memory_space<vmem>>, vector<16xf32>,
        %mul3A_389 = arith.mulf %get3A_383, %get3A_388 : vector<16xf32>
        %mul3A_390 = arith.mulf %mul3A_389, %get3A_47 : vector<16xf32>
        %add3A_391 = arith.addf %add3A_378, %mul3A_390 : vector<16xf32>
        %reduce_sum3A_392 = arith.constant true
        %reduce_sum3A_393 = vector.broadcast %reduce_sum3A_392 : i1 to vector<16xi1>
        %reduce_sum3A_394 = tpu.scan <sum>, %add3A_391 masked %reduce_sum3A_393 : vector<16xf32>, vector<16xi1> -> vector<16xf32>
        %reduce_sum3A_395 = vector.extract %reduce_sum3A_394[15] : f32 from vector<16xf32>
        %mul3A_396 = arith.constant 4 : i32
        %mul3A_397 = arith.muli %scan3A_164, %mul3A_396 : i32
        %add3A_398 = arith.constant 1 : i32
        %add3A_399 = arith.addi %mul3A_397, %add3A_398 : i32
        %eq3A_400 = vector.broadcast %add3A_399 : i32 to vector<16xi32>
        %eq3A_401 = arith.cmpi eq, %iota3A, %eq3A_400 : vector<16xi32>
        %broadcast_in_dim3A_402 = vector.broadcast %reduce_sum3A_395 : f32 to vector<16xf32>
        %select_n3A_403 = arith.select %eq3A_401, %broadcast_in_dim3A_402, %select_n3A : vector<16xi1>, vector<16xf32>
        %broadcast_in_dim3A_404 = arith.constant 0.000000e+00 : f32
        %broadcast_in_dim3A_405 = vector.broadcast %broadcast_in_dim3A_404 : f32 to vector<16xf32>
        %add3A_406 = arith.constant 2 : i32
        %add3A_407 = arith.addi %add3A_170, %add3A_406 : i32
        %get3A_408 = arith.index_cast %add3A_407 : i32 to index
        %get3A_409 = arith.constant 0 : index
        %get3A_410 = tpu.vector_load %arg12[%get3A_408, %get3A_409] {strides = array<i32>} : memref<128x128xf32, #tpu.memory_space<vmem>>, vector<16xf32>,
        %add3A_411 = arith.constant 2 : i32
        %add3A_412 = arith.addi %add3A_170, %add3A_411 : i32
        %get3A_413 = arith.index_cast %add3A_412 : i32 to index
        %get3A_414 = arith.constant 0 : index
        %get3A_415 = tpu.vector_load %arg14[%get3A_413, %get3A_414] {strides = array<i32>} : memref<128x128xf32, #tpu.memory_space<vmem>>, vector<16xf32>,
        %mul3A_416 = arith.mulf %get3A_410, %get3A_415 : vector<16xf32>
        %mul3A_417 = arith.mulf %mul3A_416, %get3A_33 : vector<16xf32>
        %add3A_418 = arith.addf %broadcast_in_dim3A_405, %mul3A_417 : vector<16xf32>
        %add3A_419 = arith.constant 2 : i32
        %add3A_420 = arith.addi %add3A_170, %add3A_419 : i32
        %get3A_421 = arith.index_cast %add3A_420 : i32 to index
        %get3A_422 = arith.constant 16 : index
        %get3A_423 = tpu.vector_load %arg12[%get3A_421, %get3A_422] {strides = array<i32>} : memref<128x128xf32, #tpu.memory_space<vmem>>, vector<16xf32>,
        %add3A_424 = arith.constant 2 : i32
        %add3A_425 = arith.addi %add3A_170, %add3A_424 : i32
        %get3A_426 = arith.index_cast %add3A_425 : i32 to index
        %get3A_427 = arith.constant 16 : index
        %get3A_428 = tpu.vector_load %arg14[%get3A_426, %get3A_427] {strides = array<i32>} : memref<128x128xf32, #tpu.memory_space<vmem>>, vector<16xf32>,
        %mul3A_429 = arith.mulf %get3A_423, %get3A_428 : vector<16xf32>
        %mul3A_430 = arith.mulf %mul3A_429, %get3A_35 : vector<16xf32>
        %add3A_431 = arith.addf %add3A_418, %mul3A_430 : vector<16xf32>
        %add3A_432 = arith.constant 2 : i32
        %add3A_433 = arith.addi %add3A_170, %add3A_432 : i32
        %get3A_434 = arith.index_cast %add3A_433 : i32 to index
        %get3A_435 = arith.constant 32 : index
        %get3A_436 = tpu.vector_load %arg12[%get3A_434, %get3A_435] {strides = array<i32>} : memref<128x128xf32, #tpu.memory_space<vmem>>, vector<16xf32>,
        %add3A_437 = arith.constant 2 : i32
        %add3A_438 = arith.addi %add3A_170, %add3A_437 : i32
        %get3A_439 = arith.index_cast %add3A_438 : i32 to index
        %get3A_440 = arith.constant 32 : index
        %get3A_441 = tpu.vector_load %arg14[%get3A_439, %get3A_440] {strides = array<i32>} : memref<128x128xf32, #tpu.memory_space<vmem>>, vector<16xf32>,
        %mul3A_442 = arith.mulf %get3A_436, %get3A_441 : vector<16xf32>
        %mul3A_443 = arith.mulf %mul3A_442, %get3A_37 : vector<16xf32>
        %add3A_444 = arith.addf %add3A_431, %mul3A_443 : vector<16xf32>
        %add3A_445 = arith.constant 2 : i32
        %add3A_446 = arith.addi %add3A_170, %add3A_445 : i32
        %get3A_447 = arith.index_cast %add3A_446 : i32 to index
        %get3A_448 = arith.constant 48 : index
        %get3A_449 = tpu.vector_load %arg12[%get3A_447, %get3A_448] {strides = array<i32>} : memref<128x128xf32, #tpu.memory_space<vmem>>, vector<16xf32>,
        %add3A_450 = arith.constant 2 : i32
        %add3A_451 = arith.addi %add3A_170, %add3A_450 : i32
        %get3A_452 = arith.index_cast %add3A_451 : i32 to index
        %get3A_453 = arith.constant 48 : index
        %get3A_454 = tpu.vector_load %arg14[%get3A_452, %get3A_453] {strides = array<i32>} : memref<128x128xf32, #tpu.memory_space<vmem>>, vector<16xf32>,
        %mul3A_455 = arith.mulf %get3A_449, %get3A_454 : vector<16xf32>
        %mul3A_456 = arith.mulf %mul3A_455, %get3A_39 : vector<16xf32>
        %add3A_457 = arith.addf %add3A_444, %mul3A_456 : vector<16xf32>
        %add3A_458 = arith.constant 2 : i32
        %add3A_459 = arith.addi %add3A_170, %add3A_458 : i32
        %get3A_460 = arith.index_cast %add3A_459 : i32 to index
        %get3A_461 = arith.constant 64 : index
        %get3A_462 = tpu.vector_load %arg12[%get3A_460, %get3A_461] {strides = array<i32>} : memref<128x128xf32, #tpu.memory_space<vmem>>, vector<16xf32>,
        %add3A_463 = arith.constant 2 : i32
        %add3A_464 = arith.addi %add3A_170, %add3A_463 : i32
        %get3A_465 = arith.index_cast %add3A_464 : i32 to index
        %get3A_466 = arith.constant 64 : index
        %get3A_467 = tpu.vector_load %arg14[%get3A_465, %get3A_466] {strides = array<i32>} : memref<128x128xf32, #tpu.memory_space<vmem>>, vector<16xf32>,
        %mul3A_468 = arith.mulf %get3A_462, %get3A_467 : vector<16xf32>
        %mul3A_469 = arith.mulf %mul3A_468, %get3A_41 : vector<16xf32>
        %add3A_470 = arith.addf %add3A_457, %mul3A_469 : vector<16xf32>
        %add3A_471 = arith.constant 2 : i32
        %add3A_472 = arith.addi %add3A_170, %add3A_471 : i32
        %get3A_473 = arith.index_cast %add3A_472 : i32 to index
        %get3A_474 = arith.constant 80 : index
        %get3A_475 = tpu.vector_load %arg12[%get3A_473, %get3A_474] {strides = array<i32>} : memref<128x128xf32, #tpu.memory_space<vmem>>, vector<16xf32>,
        %add3A_476 = arith.constant 2 : i32
        %add3A_477 = arith.addi %add3A_170, %add3A_476 : i32
        %get3A_478 = arith.index_cast %add3A_477 : i32 to index
        %get3A_479 = arith.constant 80 : index
        %get3A_480 = tpu.vector_load %arg14[%get3A_478, %get3A_479] {strides = array<i32>} : memref<128x128xf32, #tpu.memory_space<vmem>>, vector<16xf32>,
        %mul3A_481 = arith.mulf %get3A_475, %get3A_480 : vector<16xf32>
        %mul3A_482 = arith.mulf %mul3A_481, %get3A_43 : vector<16xf32>
        %add3A_483 = arith.addf %add3A_470, %mul3A_482 : vector<16xf32>
        %add3A_484 = arith.constant 2 : i32
        %add3A_485 = arith.addi %add3A_170, %add3A_484 : i32
        %get3A_486 = arith.index_cast %add3A_485 : i32 to index
        %get3A_487 = arith.constant 96 : index
        %get3A_488 = tpu.vector_load %arg12[%get3A_486, %get3A_487] {strides = array<i32>} : memref<128x128xf32, #tpu.memory_space<vmem>>, vector<16xf32>,
        %add3A_489 = arith.constant 2 : i32
        %add3A_490 = arith.addi %add3A_170, %add3A_489 : i32
        %get3A_491 = arith.index_cast %add3A_490 : i32 to index
        %get3A_492 = arith.constant 96 : index
        %get3A_493 = tpu.vector_load %arg14[%get3A_491, %get3A_492] {strides = array<i32>} : memref<128x128xf32, #tpu.memory_space<vmem>>, vector<16xf32>,
        %mul3A_494 = arith.mulf %get3A_488, %get3A_493 : vector<16xf32>
        %mul3A_495 = arith.mulf %mul3A_494, %get3A_45 : vector<16xf32>
        %add3A_496 = arith.addf %add3A_483, %mul3A_495 : vector<16xf32>
        %add3A_497 = arith.constant 2 : i32
        %add3A_498 = arith.addi %add3A_170, %add3A_497 : i32
        %get3A_499 = arith.index_cast %add3A_498 : i32 to index
        %get3A_500 = arith.constant 112 : index
        %get3A_501 = tpu.vector_load %arg12[%get3A_499, %get3A_500] {strides = array<i32>} : memref<128x128xf32, #tpu.memory_space<vmem>>, vector<16xf32>,
        %add3A_502 = arith.constant 2 : i32
        %add3A_503 = arith.addi %add3A_170, %add3A_502 : i32
        %get3A_504 = arith.index_cast %add3A_503 : i32 to index
        %get3A_505 = arith.constant 112 : index
        %get3A_506 = tpu.vector_load %arg14[%get3A_504, %get3A_505] {strides = array<i32>} : memref<128x128xf32, #tpu.memory_space<vmem>>, vector<16xf32>,
        %mul3A_507 = arith.mulf %get3A_501, %get3A_506 : vector<16xf32>
        %mul3A_508 = arith.mulf %mul3A_507, %get3A_47 : vector<16xf32>
        %add3A_509 = arith.addf %add3A_496, %mul3A_508 : vector<16xf32>
        %reduce_sum3A_510 = arith.constant true
        %reduce_sum3A_511 = vector.broadcast %reduce_sum3A_510 : i1 to vector<16xi1>
        %reduce_sum3A_512 = tpu.scan <sum>, %add3A_509 masked %reduce_sum3A_511 : vector<16xf32>, vector<16xi1> -> vector<16xf32>
        %reduce_sum3A_513 = vector.extract %reduce_sum3A_512[15] : f32 from vector<16xf32>
        %mul3A_514 = arith.constant 4 : i32
        %mul3A_515 = arith.muli %scan3A_164, %mul3A_514 : i32
        %add3A_516 = arith.constant 2 : i32
        %add3A_517 = arith.addi %mul3A_515, %add3A_516 : i32
        %eq3A_518 = vector.broadcast %add3A_517 : i32 to vector<16xi32>
        %eq3A_519 = arith.cmpi eq, %iota3A, %eq3A_518 : vector<16xi32>
        %broadcast_in_dim3A_520 = vector.broadcast %reduce_sum3A_513 : f32 to vector<16xf32>
        %select_n3A_521 = arith.select %eq3A_519, %broadcast_in_dim3A_520, %select_n3A_403 : vector<16xi1>, vector<16xf32>
        %broadcast_in_dim3A_522 = arith.constant 0.000000e+00 : f32
        %broadcast_in_dim3A_523 = vector.broadcast %broadcast_in_dim3A_522 : f32 to vector<16xf32>
        %add3A_524 = arith.constant 3 : i32
        %add3A_525 = arith.addi %add3A_170, %add3A_524 : i32
        %get3A_526 = arith.index_cast %add3A_525 : i32 to index
        %get3A_527 = arith.constant 0 : index
        %get3A_528 = tpu.vector_load %arg12[%get3A_526, %get3A_527] {strides = array<i32>} : memref<128x128xf32, #tpu.memory_space<vmem>>, vector<16xf32>,
        %add3A_529 = arith.constant 3 : i32
        %add3A_530 = arith.addi %add3A_170, %add3A_529 : i32
        %get3A_531 = arith.index_cast %add3A_530 : i32 to index
        %get3A_532 = arith.constant 0 : index
        %get3A_533 = tpu.vector_load %arg14[%get3A_531, %get3A_532] {strides = array<i32>} : memref<128x128xf32, #tpu.memory_space<vmem>>, vector<16xf32>,
        %mul3A_534 = arith.mulf %get3A_528, %get3A_533 : vector<16xf32>
        %mul3A_535 = arith.mulf %mul3A_534, %get3A_33 : vector<16xf32>
        %add3A_536 = arith.addf %broadcast_in_dim3A_523, %mul3A_535 : vector<16xf32>
        %add3A_537 = arith.constant 3 : i32
        %add3A_538 = arith.addi %add3A_170, %add3A_537 : i32
        %get3A_539 = arith.index_cast %add3A_538 : i32 to index
        %get3A_540 = arith.constant 16 : index
        %get3A_541 = tpu.vector_load %arg12[%get3A_539, %get3A_540] {strides = array<i32>} : memref<128x128xf32, #tpu.memory_space<vmem>>, vector<16xf32>,
        %add3A_542 = arith.constant 3 : i32
        %add3A_543 = arith.addi %add3A_170, %add3A_542 : i32
        %get3A_544 = arith.index_cast %add3A_543 : i32 to index
        %get3A_545 = arith.constant 16 : index
        %get3A_546 = tpu.vector_load %arg14[%get3A_544, %get3A_545] {strides = array<i32>} : memref<128x128xf32, #tpu.memory_space<vmem>>, vector<16xf32>,
        %mul3A_547 = arith.mulf %get3A_541, %get3A_546 : vector<16xf32>
        %mul3A_548 = arith.mulf %mul3A_547, %get3A_35 : vector<16xf32>
        %add3A_549 = arith.addf %add3A_536, %mul3A_548 : vector<16xf32>
        %add3A_550 = arith.constant 3 : i32
        %add3A_551 = arith.addi %add3A_170, %add3A_550 : i32
        %get3A_552 = arith.index_cast %add3A_551 : i32 to index
        %get3A_553 = arith.constant 32 : index
        %get3A_554 = tpu.vector_load %arg12[%get3A_552, %get3A_553] {strides = array<i32>} : memref<128x128xf32, #tpu.memory_space<vmem>>, vector<16xf32>,
        %add3A_555 = arith.constant 3 : i32
        %add3A_556 = arith.addi %add3A_170, %add3A_555 : i32
        %get3A_557 = arith.index_cast %add3A_556 : i32 to index
        %get3A_558 = arith.constant 32 : index
        %get3A_559 = tpu.vector_load %arg14[%get3A_557, %get3A_558] {strides = array<i32>} : memref<128x128xf32, #tpu.memory_space<vmem>>, vector<16xf32>,
        %mul3A_560 = arith.mulf %get3A_554, %get3A_559 : vector<16xf32>
        %mul3A_561 = arith.mulf %mul3A_560, %get3A_37 : vector<16xf32>
        %add3A_562 = arith.addf %add3A_549, %mul3A_561 : vector<16xf32>
        %add3A_563 = arith.constant 3 : i32
        %add3A_564 = arith.addi %add3A_170, %add3A_563 : i32
        %get3A_565 = arith.index_cast %add3A_564 : i32 to index
        %get3A_566 = arith.constant 48 : index
        %get3A_567 = tpu.vector_load %arg12[%get3A_565, %get3A_566] {strides = array<i32>} : memref<128x128xf32, #tpu.memory_space<vmem>>, vector<16xf32>,
        %add3A_568 = arith.constant 3 : i32
        %add3A_569 = arith.addi %add3A_170, %add3A_568 : i32
        %get3A_570 = arith.index_cast %add3A_569 : i32 to index
        %get3A_571 = arith.constant 48 : index
        %get3A_572 = tpu.vector_load %arg14[%get3A_570, %get3A_571] {strides = array<i32>} : memref<128x128xf32, #tpu.memory_space<vmem>>, vector<16xf32>,
        %mul3A_573 = arith.mulf %get3A_567, %get3A_572 : vector<16xf32>
        %mul3A_574 = arith.mulf %mul3A_573, %get3A_39 : vector<16xf32>
        %add3A_575 = arith.addf %add3A_562, %mul3A_574 : vector<16xf32>
        %add3A_576 = arith.constant 3 : i32
        %add3A_577 = arith.addi %add3A_170, %add3A_576 : i32
        %get3A_578 = arith.index_cast %add3A_577 : i32 to index
        %get3A_579 = arith.constant 64 : index
        %get3A_580 = tpu.vector_load %arg12[%get3A_578, %get3A_579] {strides = array<i32>} : memref<128x128xf32, #tpu.memory_space<vmem>>, vector<16xf32>,
        %add3A_581 = arith.constant 3 : i32
        %add3A_582 = arith.addi %add3A_170, %add3A_581 : i32
        %get3A_583 = arith.index_cast %add3A_582 : i32 to index
        %get3A_584 = arith.constant 64 : index
        %get3A_585 = tpu.vector_load %arg14[%get3A_583, %get3A_584] {strides = array<i32>} : memref<128x128xf32, #tpu.memory_space<vmem>>, vector<16xf32>,
        %mul3A_586 = arith.mulf %get3A_580, %get3A_585 : vector<16xf32>
        %mul3A_587 = arith.mulf %mul3A_586, %get3A_41 : vector<16xf32>
        %add3A_588 = arith.addf %add3A_575, %mul3A_587 : vector<16xf32>
        %add3A_589 = arith.constant 3 : i32
        %add3A_590 = arith.addi %add3A_170, %add3A_589 : i32
        %get3A_591 = arith.index_cast %add3A_590 : i32 to index
        %get3A_592 = arith.constant 80 : index
        %get3A_593 = tpu.vector_load %arg12[%get3A_591, %get3A_592] {strides = array<i32>} : memref<128x128xf32, #tpu.memory_space<vmem>>, vector<16xf32>,
        %add3A_594 = arith.constant 3 : i32
        %add3A_595 = arith.addi %add3A_170, %add3A_594 : i32
        %get3A_596 = arith.index_cast %add3A_595 : i32 to index
        %get3A_597 = arith.constant 80 : index
        %get3A_598 = tpu.vector_load %arg14[%get3A_596, %get3A_597] {strides = array<i32>} : memref<128x128xf32, #tpu.memory_space<vmem>>, vector<16xf32>,
        %mul3A_599 = arith.mulf %get3A_593, %get3A_598 : vector<16xf32>
        %mul3A_600 = arith.mulf %mul3A_599, %get3A_43 : vector<16xf32>
        %add3A_601 = arith.addf %add3A_588, %mul3A_600 : vector<16xf32>
        %add3A_602 = arith.constant 3 : i32
        %add3A_603 = arith.addi %add3A_170, %add3A_602 : i32
        %get3A_604 = arith.index_cast %add3A_603 : i32 to index
        %get3A_605 = arith.constant 96 : index
        %get3A_606 = tpu.vector_load %arg12[%get3A_604, %get3A_605] {strides = array<i32>} : memref<128x128xf32, #tpu.memory_space<vmem>>, vector<16xf32>,
        %add3A_607 = arith.constant 3 : i32
        %add3A_608 = arith.addi %add3A_170, %add3A_607 : i32
        %get3A_609 = arith.index_cast %add3A_608 : i32 to index
        %get3A_610 = arith.constant 96 : index
        %get3A_611 = tpu.vector_load %arg14[%get3A_609, %get3A_610] {strides = array<i32>} : memref<128x128xf32, #tpu.memory_space<vmem>>, vector<16xf32>,
        %mul3A_612 = arith.mulf %get3A_606, %get3A_611 : vector<16xf32>
        %mul3A_613 = arith.mulf %mul3A_612, %get3A_45 : vector<16xf32>
        %add3A_614 = arith.addf %add3A_601, %mul3A_613 : vector<16xf32>
        %add3A_615 = arith.constant 3 : i32
        %add3A_616 = arith.addi %add3A_170, %add3A_615 : i32
        %get3A_617 = arith.index_cast %add3A_616 : i32 to index
        %get3A_618 = arith.constant 112 : index
        %get3A_619 = tpu.vector_load %arg12[%get3A_617, %get3A_618] {strides = array<i32>} : memref<128x128xf32, #tpu.memory_space<vmem>>, vector<16xf32>,
        %add3A_620 = arith.constant 3 : i32
        %add3A_621 = arith.addi %add3A_170, %add3A_620 : i32
        %get3A_622 = arith.index_cast %add3A_621 : i32 to index
        %get3A_623 = arith.constant 112 : index
        %get3A_624 = tpu.vector_load %arg14[%get3A_622, %get3A_623] {strides = array<i32>} : memref<128x128xf32, #tpu.memory_space<vmem>>, vector<16xf32>,
        %mul3A_625 = arith.mulf %get3A_619, %get3A_624 : vector<16xf32>
        %mul3A_626 = arith.mulf %mul3A_625, %get3A_47 : vector<16xf32>
        %add3A_627 = arith.addf %add3A_614, %mul3A_626 : vector<16xf32>
        %reduce_sum3A_628 = arith.constant true
        %reduce_sum3A_629 = vector.broadcast %reduce_sum3A_628 : i1 to vector<16xi1>
        %reduce_sum3A_630 = tpu.scan <sum>, %add3A_627 masked %reduce_sum3A_629 : vector<16xf32>, vector<16xi1> -> vector<16xf32>
        %reduce_sum3A_631 = vector.extract %reduce_sum3A_630[15] : f32 from vector<16xf32>
        %mul3A_632 = arith.constant 4 : i32
        %mul3A_633 = arith.muli %scan3A_164, %mul3A_632 : i32
        %add3A_634 = arith.constant 3 : i32
        %add3A_635 = arith.addi %mul3A_633, %add3A_634 : i32
        %eq3A_636 = vector.broadcast %add3A_635 : i32 to vector<16xi32>
        %eq3A_637 = arith.cmpi eq, %iota3A, %eq3A_636 : vector<16xi32>
        %broadcast_in_dim3A_638 = vector.broadcast %reduce_sum3A_631 : f32 to vector<16xf32>
        %select_n3A_639 = arith.select %eq3A_637, %broadcast_in_dim3A_638, %select_n3A_521 : vector<16xi1>, vector<16xf32>
        scf.yield %select_n3A_639 : vector<16xf32>
      }
      %scan3A_150 = arith.constant 4 : i32
      %add3A_151 = arith.addf %scan3A_149, %get3A_49 : vector<16xf32>
      %neg3A = arith.constant 0.000000e+00 : f32
      %neg3A_152 = vector.broadcast %neg3A : f32 to vector<16xf32>
      %neg3A_153 = arith.subf %neg3A_152, %add3A_151 : vector<16xf32>
      %exp3A = math.exp %neg3A_153 : vector<16xf32>
      %add3A_154 = arith.constant 1.000000e+00 : f32
      %add3A_155 = vector.broadcast %add3A_154 : f32 to vector<16xf32>
      %add3A_156 = arith.addf %add3A_155, %exp3A : vector<16xf32>
      %div3A = arith.constant 1.000000e+00 : f32
      %div3A_157 = vector.broadcast %div3A : f32 to vector<16xf32>
      %div3A_158 = arith.divf %div3A_157, %add3A_156 : vector<16xf32>
      %mul3A_159 = arith.constant 16 : i32
      %mul3A_160 = arith.muli %add3A_143, %mul3A_159 : i32
      %add3A_161 = arith.constant 384 : i32
      %add3A_162 = arith.addi %add3A_161, %mul3A_160 : i32
      %swap3A = arith.index_cast %add3A_162 : i32 to index
      %swap3A_163 = tpu.vector_load %arg15[%swap3A] {strides = array<i32>} : memref<512xf32, #tpu.memory_space<vmem>>, vector<16xf32>,
      tpu.vector_store %arg15[%swap3A], %div3A_158 {strides = array<i32>} : memref<512xf32, #tpu.memory_space<vmem>>, vector<16xf32>,
    }
    %scan3A_138 = arith.constant 8 : i32
    "tpu.region"() ({
      %run_scoped3A = tpu.sem_alloc : memref<!tpu.dma_semaphore, #tpu.memory_space<semaphore_mem>>
      %dma_start3A_139 = tpu.memref_slice %arg8[%mul3A_2] : memref<16384xf32, #tpu.memory_space<hbm>> -> memref<512xf32, #tpu.memory_space<hbm>>
      %dma_start3A_140 = tpu.memref_slice %arg8[%mul3A_2] : memref<16384xf32, #tpu.memory_space<hbm>> -> memref<512xf32, #tpu.memory_space<hbm>>
      tpu.enqueue_dma source(%arg15 : memref<512xf32, #tpu.memory_space<vmem>>) target(%dma_start3A_140 : memref<512xf32, #tpu.memory_space<hbm>>) target_semaphore(%run_scoped3A : memref<!tpu.dma_semaphore, #tpu.memory_space<semaphore_mem>>)
      %dma_wait3A_141 = tpu.memref_slice %arg8[%mul3A_2] : memref<16384xf32, #tpu.memory_space<hbm>> -> memref<512xf32, #tpu.memory_space<hbm>>
      %dma_wait3A_142 = tpu.memref_slice %arg8[%mul3A_2] : memref<16384xf32, #tpu.memory_space<hbm>> -> memref<512xf32, #tpu.memory_space<hbm>>
      tpu.wait_dma2 semaphore(%run_scoped3A : memref<!tpu.dma_semaphore, #tpu.memory_space<semaphore_mem>>) src(%arg15 : memref<512xf32, #tpu.memory_space<vmem>>) dst(%dma_wait3A_142 : memref<512xf32, #tpu.memory_space<hbm>>)
      tpu.yield
    }) : () -> ()
    return
  }
}

</mosaic_0001>

<sc_bundles>
// kernel: kernel.3.cloned.1.call-start
scs
__scs_entry_jumppad:
0x0: {  	(pc) =	sbr.rel $0x88, $3  }
0x1: {  	(tag) =	ssettag $0x0;
	lr =	simm.s32 $0x1  }
0x2: {  	[smem:$0x3F9B] =	sst lr;
	_ =	strace $0xD0000000  }
0x3: {  	_ = 	snop  }
0x4: {  	_ = 	snop  }
0x5: {  	_ = 	snop  }
0x6: {  	_ = 	snop  }
0x7: {  	_ = 	snop  }
__scs_overlays_trampoline_lowered:
0x8: {  	[smem:$0x3FAA] =	sst s0  }
0x9: {  	[smem:$0x3FAB] =	sst s1  }
0xa: {  	[smem:$0x3FAC] =	sst s2  }
0xb: {  	[smem:$0x3FAD] =	sst s3  }
0xc: {  	[smem:$0x3FAE] =	sst s4  }
0xd: {  	[smem:$0x3FAF] =	sst s5  }
0xe: {  	[smem:$0x3FB0] =	sst s6  }
0xf: {  	[smem:$0x3FB1] =	sst s7  }
0x10: {  	[smem:$0x3FB2] =	sst s8  }
0x11: {  	[smem:$0x3FB3] =	sst s9;
	s0 =	simm.s32 @!p0 $0x0  }
0x12: {  	s1 =	sld [smem:$0x3F99];
	s0 =	simm.s32 @p0 $0x1  }
0x13: {  	[smem:$0x3FB4] =	sst s0;
	s0 =	simm.s32 @!p1 $0x0  }
0x14: {  	s2 =	sld [smem:$0x3F98];
	s0 =	simm.s32 @p1 $0x1  }
0x15: {  	[smem:$0x3FB5] =	sst s0;
	s0 =	simm.s32 @!p2 $0x0  }
0x16: {  	s3 =	sld [smem:$0x3FDB];
	s0 =	simm.s32 @p2 $0x1  }
0x17: {  	s4 =	simm.s32 $0x1BF5;
	[smem:$0x3FB7] =	sst s0  }
0x18: {  	s0 =	sld [smem:$0x3F9A];
	_ =	swait.ge [sflag:s4], $0x0  }
0x19: {  	s7 =	sld [smem:$0x3F9B]  }
0x1a: {  	s8 =	sadd.s32 $0xFFFFE003, lr  }
0x1b: {  	s9 =	sadd.s32 $0xFFFFFEF7, lr;
	s5 =	simm.s32 $0xFFFFFFFF;
	p2 =	slt.u32 s8, $0xFFFFF086  }
0x1c: {  	p1 =	slt.u32 s9, $0xF7A;
	s5 =	simm.s32 @!p2 $0x0  }
0x1d: {  	s5 =	simm.s32 @p1 $0x1;
	p0 =	seq.s32 s7, s2  }
0x1e: {  	s7 =	smul.u32 @!p0 $0xF7A, s2;
	p2 =	seq.s32 @!p0 s5, $0x0  }
0x1f: {  	s9 =	smul.u32 $0xF7A, s1;
	s8 =	simm.s32 @!p0 $0x1BF5;
	p2 =	por !p2, p0  }
0x20: {  	[sflag:s8] =	ssyncset.s32 @!p0 $0xFFFFF086;
	s6 =	sadd.s32 @!p0 s3, s7;
	s7 =	simm.s32 @!p0 $0x108  }
0x21: {  	s3 =	sadd.s32 s3, s9;
	s6 =	sadd.s32 @!p0 $0x88, s6;
	s7 =	simm.s32 @p2 $0x1082  }
0x22: {  	[simem:s7], [sflag:s8] =	dma.local @!p0 [hbm:s6], $0xF7A  }
0x23: {  	s9 =	sor.u32 $0xD0000000, s2;
	s6 =	simm.s32 $0x108;
	_ =	swait.ge @!p0 [sflag:s8], $0x0  }
0x24: {  	s3 =	sadd.s32 $0x88, s3;
	s6 =	simm.s32 @!p1 $0x1082;
	[sflag:s4] =	ssyncset.s32 $0xFFFFF086  }
0x25: {  	[simem:s6], [sflag:s4] =	dma.local [hbm:s3], $0xF7A  }
0x26: {  	[smem:$0x3F9B] =	sst s1;
	(tag) =	ssettag s2;
	_ =	strace s9  }
0x27: {  	s1 =	sld [smem:$0x3FAB]  }
0x28: {  	s2 =	sld [smem:$0x3FAC]  }
0x29: {  	s4 =	sld [smem:$0x3FAE]  }
0x2a: {  	p0 =	seq.s32 s5, $0x0;
	s5 =	sld [smem:$0x3FAF]  }
0x2b: {  	s6 =	sld [smem:$0x3FB0]  }
0x2c: {  	s7 =	sld [smem:$0x3FB1]  }
0x2d: {  	s3 =	simm.s32 $0x108;
	s8 =	sld [smem:$0x3FB2]  }
0x2e: {  	s3 =	simm.s32 @!p0 $0x1082;
	s9 =	sld [smem:$0x3FB3]  }
0x2f: {  	lr =	sadd.s32 s0, s3;
	s0 =	sld [smem:$0x3FAA]  }
0x30: {  	s3 =	sld [smem:$0x3FAD]  }
0x31: {  	[smem:$0x3FB6] =	sst s10  }
0x32: {  	s10 =	sld [smem:$0x3FB4];
	_ =	sdelay $0x3  }
0x33: {  	p0 =	seq.s32 s10, $0x1;
	s10 =	sld [smem:$0x3FB6];
	_ =	sdelay $0x3  }
0x34: {  	[smem:$0x3FB6] =	sst s10  }
0x35: {  	s10 =	sld [smem:$0x3FB5];
	_ =	sdelay $0x3  }
0x36: {  	p1 =	seq.s32 s10, $0x1;
	s10 =	sld [smem:$0x3FB6];
	_ =	sdelay $0x3  }
0x37: {  	[smem:$0x3FB6] =	sst s10  }
0x38: {  	s10 =	sld [smem:$0x3FB7]  }
0x39: {  	_ = 	snop;
	(pc) =	sbr.ind lr, $3  }
0x3a: {  	_ = 	snop  }
0x3b: {  	_ = 	snop  }
0x3c: {  	p2 =	seq.s32 s10, $0x1;
	s10 =	sld [smem:$0x3FB6]  }
0x3d: {  	_ =	shalt  }
0x3e: {  	_ =	shalt  }
0x3f: {  	_ =	shalt  }
0x40: {  	_ =	shalt  }
0x41: {  	_ =	shalt  }
0x42: {  	_ =	shalt  }
0x43: {  	_ =	shalt  }
0x44: {  	_ =	shalt  }
0x45: {  	_ =	shalt  }
0x46: {  	_ =	shalt  }
0x47: {  	_ =	shalt  }
0x48: {  	_ =	shalt  }
0x49: {  	_ =	shalt  }
0x4a: {  	_ =	shalt  }
0x4b: {  	_ =	shalt  }
0x4c: {  	_ =	shalt  }
0x4d: {  	_ =	shalt  }
0x4e: {  	_ =	shalt  }
0x4f: {  	_ =	shalt  }
0x50: {  	_ =	shalt  }
0x51: {  	_ =	shalt  }
0x52: {  	_ =	shalt  }
0x53: {  	_ =	shalt  }
0x54: {  	_ =	shalt  }
0x55: {  	_ =	shalt  }
0x56: {  	_ =	shalt  }
0x57: {  	_ =	shalt  }
0x58: {  	_ =	shalt  }
0x59: {  	_ =	shalt  }
0x5a: {  	_ =	shalt  }
0x5b: {  	_ =	shalt  }
0x5c: {  	_ =	shalt  }
0x5d: {  	_ =	shalt  }
0x5e: {  	_ =	shalt  }
0x5f: {  	_ =	shalt  }
0x60: {  	_ =	shalt  }
0x61: {  	_ =	shalt  }
0x62: {  	_ =	shalt  }
0x63: {  	_ =	shalt  }
0x64: {  	_ =	shalt  }
0x65: {  	_ =	shalt  }
0x66: {  	_ =	shalt  }
0x67: {  	_ =	shalt  }
0x68: {  	_ =	shalt  }
0x69: {  	_ =	shalt  }
0x6a: {  	_ =	shalt  }
0x6b: {  	_ =	shalt  }
0x6c: {  	_ =	shalt  }
0x6d: {  	_ =	shalt  }
0x6e: {  	_ =	shalt  }
0x6f: {  	_ =	shalt  }
0x70: {  	_ =	shalt  }
0x71: {  	_ =	shalt  }
0x72: {  	_ =	shalt  }
0x73: {  	_ =	shalt  }
0x74: {  	_ =	shalt  }
0x75: {  	_ =	shalt  }
0x76: {  	_ =	shalt  }
0x77: {  	_ =	shalt  }
0x78: {  	_ =	shalt  }
0x79: {  	_ =	shalt  }
0x7a: {  	_ =	shalt  }
0x7b: {  	_ =	shalt  }
0x7c: {  	_ =	shalt  }
0x7d: {  	_ =	shalt  }
0x7e: {  	_ =	shalt  }
0x7f: {  	_ =	shalt  }
0x80: {  	_ =	shalt  }
0x81: {  	_ =	shalt  }
0x82: {  	_ =	shalt  }
0x83: {  	_ =	shalt  }
0x84: {  	_ =	shalt  }
0x85: {  	_ =	shalt  }
0x86: {  	_ =	shalt  }
0x87: {  	_ =	shalt  }
.Lfunc_end0:
.L_simem_size_0:
called_computation_lowered:
.L_overlay_start_0:
0x88: {  	s2 =	sld [smem:$0x3FD9]  }
0x89: {  	s3 =	sld [smem:$0x3FFE];
	_ =	sdelay $0x1  }
0x8a: {  	s1 =	srdreg.scid  }
0x8b: {  	s0 =	sand.u32 $0x1, s1  }
0x8c: {  	s17 =	sshll.u32 s0, $0xA;
	s2 =	sadd.s32 s3, s2  }
0x8d: {  	s2 =	sadd.s32 s2, s17  }
0x8e: {  	[smem:$0x3FC2] =	sst s2  }
0x8f: {  	_ = 	snop  }
0x90: {  	s2 =	sld [smem:$0x3FC9]  }
0x91: {  	s18 =	sld [smem:$0x3FC8]  }
0x92: {  	s4 =	sld [smem:$0x3FC7]  }
0x93: {  	s5 =	sld [smem:$0x3FC6]  }
0x94: {  	s6 =	sld [smem:$0x3FC5]  }
0x95: {  	s7 =	sld [smem:$0x3FD0];
	(tm) =	ssettm $0x1  }
0x96: {  	s8 =	sld [smem:$0x3FFB];
	_ =	sdelay $0x3  }
0x97: {  	_ =	strace s8  }
0x98: {  	s8 =	sld [smem:$0x3FFC];
	_ =	sdelay $0x3  }
0x99: {  	_ =	strace s8  }
0x9a: {  	s8 =	sld [smem:$0x3FFD];
	_ =	sdelay $0x3  }
0x9b: {  	_ =	strace s8  }
0x9c: {  	_ =	strace $0x8FFFFFFF  }
0x9d: {  	s19 =	sld [smem:$0x3FDB];
	_ =	sdelay $0x1  }
0x9e: {  	s9 =	simm.s32 $_scs_section_size  }
0x9f: {  	s10 =	simm.s32 $_size__tile_overlayer_lowered;
	s11 =	simm.s32 $_tile_overlayer_lowered  }
0xa0: {  	s22 =	simm.s32 $0x1BFF;
	s21 =	sshll.u32 s11, $0x1;
	s8 =	sadd.s32 s9, s19  }
0xa1: {  	s12 =	simm.s32 $0x0;
	s20 =	sshll.u32 s10, $0x1;
	s10 =	sadd.s32 s21, s8  }
0xa2: {  	[timem:s12], [sflag:s22] =	dma.local [hbm:s10], s20  }
0xa3: {  	_ =	swait.ge [sflag:s22], s20  }
0xa4: {  	s9 =	ssub.s32 $0x0, s20;
	[sflag:s22] =	ssyncset.done $0x0  }
0xa5: {  	[sflag:s22] =	ssyncadd.s32 s9;
	_ =	sdelay $0x1  }
0xa6: {  	s23 =	simm.s32 $0x1B8B  }
0xa7: {  	_ =	swait.ge [sflag:s23], $0x1  }
0xa8: {  	[sflag:s23] =	ssyncset.done $0x0  }
0xa9: {  	s25 =	simm.s32 $0x1B8E;
	s24 =	sld [smem:$0x3FFE];
	[sflag:s23] =	ssyncadd.s32 $0xFFFFFFFF  }
0xaa: {  	s26 =	simm.s32 $execute0_lowered;
	[smem:$0x3FD2] =	sst s25  }
0xab: {  	s10 =	sshll.u32 s26, $0x1;
	_ =	strace $0x80000046;
	[dreg:$0x1] =	wrdreg $0xFFFFFFFF  }
0xac: {  	s28 =	simm.s32 $_size_execute0_lowered;
	s8 =	sadd.s32 s8, s10;
	[dreg:$0x0] =	wrdreg $0x0  }
0xad: {  	s10 =	sshll.u32 s28, $0x1;
	[dreg:$0x2] =	wrdreg s8  }
0xae: {  	[dreg:$0x3] =	wrdreg s10  }
0xaf: {  	[dreg:$0x4] =	wrdreg $0xC0  }
0xb0: {  	_ =	task [dreg:s12], $0x5FFFF  }
0xb1: {  	[dreg:$0x1] =	wrdreg $0xFFFFFFFF  }
0xb2: {  	[dreg:$0x0] =	wrdreg $0x60  }
0xb3: {  	[dreg:$0x2] =	wrdreg s2  }
0xb4: {  	[dreg:$0x3] =	wrdreg s18  }
0xb5: {  	[dreg:$0x4] =	wrdreg s4  }
0xb6: {  	[dreg:$0x5] =	wrdreg s5  }
0xb7: {  	[dreg:$0x6] =	wrdreg s6  }
0xb8: {  	[dreg:$0x7] =	wrdreg s24  }
0xb9: {  	[dreg:$0x8] =	wrdreg s7  }
0xba: {  	[dreg:$0x9] =	wrdreg $0x9  }
0xbb: {  	_ =	task.clear_ibuf [dreg:s12], $0xAFFFF;
	_ =	strace $0x90000046  }
0xbc: {  	s29 =	simm.s32 $0x9;
	_ =	strace $0x80000048  }
0xbd: {  	_ =	swait.ge [sflag:s29], $0x1  }
0xbe: {  	[sflag:s29] =	ssyncadd.s32 $0xFFFFFFFF  }
0xbf: {  	_ =	strace $0x90000048  }
0xc0: {  	_ =	sfence  }
0xc1: {  	s30 =	sld [smem:$0x0];
	_ =	sdelay $0x2  }
0xc2: {  	s31 =	sshll.u32 s1, $0xD;
	s1 =	sshrl.u32 s1, $0x2  }
0xc3: {  	s3 =	sand.u32 $0x4000, s31;
	s1 =	sadd.s32 s1, s30  }
0xc4: {  	s0 =	sor.u32 s3, s0;
	s1 =	sshll.u32 s1, $0x11  }
0xc5: {  	s0 =	sor.u32 s1, s0  }
0xc6: {  	s0 =	sadd.s32 $0x8F2B, s0  }
0xc7: {  	[sflag:s0] =	ssyncadd.remote.s32 $0x1  }
0xc8: {  	_ =	sfence.sel $0xFFFF  }
0xc9: {  	[dreg:$0x0] =	wrdreg $0xFFFFFFFF;
	(pc) =	sbr.abs _section_cstart, $3  }
0xca: {  	[dreg:$0x1] =	wrdreg $0xFFFFFFFF  }
0xcb: {  	_ =	task.clear_ibuf [dreg:s12], $0x2FFFF;
	_ =	strace $0x9FFFFFFF  }
0xcc: {  	(tm) =	ssettm $0x7FFFFFFF  }
0xcd: {  	_ =	shalt  }
tec
execute0_lowered:
.L_overlay_start_1:
0x0: {  	(tag) =	ssettag $0x1  }
0x1: {  	s0 =	rddreg [dreg:$0x0]  }
0x2: {  	s3 =	rddreg [dreg:$0x1]  }
0x3: {  	s1 =	rddreg [dreg:$0x2]  }
0x4: {  	s2 =	rddreg [dreg:$0x3]  }
0x5: {  	s4 =	rddreg [dreg:$0x5]  }
0x6: {  	s9 =	rddreg [dreg:$0x6];
	s5 =	simm.s32 $0x0  }
0x7: {  	s6 =	srdreg.scid;
	s8 =	stileid.u32;
	s12 =	simm.s32 $0x5  }
0x8: {  	s13 =	simm.s32 $0x80;
	s15 =	simm.s32 $0x8400;
	s18 =	simm.s32 $0x4400  }
0x9: {  	s20 =	simm.s32 $0xC400;
	s21 =	simm.s32 $0x1;
	s22 =	simm.s32 $0x3  }
0xa: {  	s25 =	simm.s32 $0x2;
	s26 =	simm.s32 $0x4;
	s31 =	simm.s32 $0x6  }
0xb: {  	[smem:$0x7FF] =	sst s5;
	s6 =	sand.u32 $0x1, s6;
	s8 =	sshll.u32 s8, $0x7  }
0xc: {  	s7 =	ssub.s32 $0x2, s6;
	s6 =	sshll.u32 s6, $0x6;
	_ =	strace $0x80000047  }
0xd: {  	s10 =	sshrl.u32 s7, $0x1;
	s11 =	sor.u32 s6, s8;
	s6 =	sadd.s32 $0x400, s4  }
0xe: {  	s30 =	ssub.s32 s7, s10;
	s7 =	sadd.s32 s0, s11;
	s8 =	sadd.s32 s3, s11  }
0xf: {  	s9 =	sadd.s32 s9, s11;
	s0 =	simm.s32 $0x0;
	s10 =	smax.u32 s30, $0x1  }
.LBB2_1:
0x10: {  	[tilespmem:s5], [sflag:$0x5] =	stream.linear.gather [hbm4b:s7+s5], $0x200, $0x38;
	[tilespmem:$0x10700] =	vst v63  }
0x11: {  	s3 =	simm.s32 $0x200  }
0x12: {  	[tilespmem:s3], [sflag:$0x5] =	stream.linear.gather [hbm4b:s8+s5], $0x200, $0x38;
	[tilespmem:$0x10700] =	vst v63  }
0x13: {  	_ =	swait.ge [sflag:s12], $0x200  }
0x14: {  	[sflag:s12] =	ssyncset.done $0x0  }
0x15: {  	[sflag:s12] =	ssyncadd.s32 $0xFFFFFE00  }
0x16: {  	_ =	swait.ge [sflag:s12], $0x200  }
0x17: {  	[sflag:s12] =	ssyncset.done $0x0  }
0x18: {  	s4 =	simm.s32 $0x400;
	[sflag:s12] =	ssyncadd.s32 $0xFFFFFE00  }
0x19: {  	[tilespmem:s4], [sflag:$0x1] =	stream.indirect.gather [hbm4b:s1+s13], $0x80, s5, s13, $0xb8;
	[tilespmem:$0x10700] =	vst v63  }
0x1a: {  	_ = 	snop  }
0x1b: {  	[tilespmem:s15], [sflag:$0x3] =	stream.indirect.gather [hbm4b:s2+s13], $0x80, s3, s13, $0xb8;
	[tilespmem:$0x10700] =	vst v63  }
0x1c: {  	s28 =	simm.s32 $0x10600;
	s24 =	rddreg [dreg:$0x4]  }
0x1d: {  	[tilespmem:s28], [sflag:$0x5] =	stream.linear.gather [hbm4b:s24+s5], $0x80, $0x38;
	[tilespmem:$0x10700] =	vst v63  }
0x1e: {  	s29 =	simm.s32 $0x10680  }
0x1f: {  	[tilespmem:s29], [sflag:$0x5] =	stream.linear.gather [hbm4b:s6+s5], $0x80, $0x38;
	[tilespmem:$0x10700] =	vst v63  }
0x20: {  	_ =	swait.ge [sflag:s12], $0x80  }
0x21: {  	[sflag:s12] =	ssyncset.done $0x0  }
0x22: {  	[sflag:s12] =	ssyncadd.s32 $0xFFFFFF80  }
0x23: {  	_ =	swait.ge [sflag:s12], $0x80  }
0x24: {  	[sflag:s12] =	ssyncset.done $0x0  }
0x25: {  	[sflag:s12] =	ssyncadd.s32 $0xFFFFFF80  }
0x26: {  	v60 =	vld [tilespmem:$0x10600]  }
0x27: {  	v0 =	vld [tilespmem:$0x10610]  }
0x28: {  	v61 =	vld [tilespmem:$0x10630]  }
0x29: {  	v62 =	vld [tilespmem:$0x10650]  }
0x2a: {  	v63 =	vld [tilespmem:$0x10680]  }
0x2b: {  	v5 =	vld [tilespmem:$0x10620]  }
0x2c: {  	v7 =	vld [tilespmem:$0x10640];
	[tilespmem:$0x1FF90] =	vst v0  }
0x2d: {  	[tilespmem:$0x1FFA0] =	vst v61;
	v61 =	vld [tilespmem:$0x10660]  }
0x2e: {  	[tilespmem:$0x1FFB0] =	vst v62;
	v62 =	vld [tilespmem:$0x10670];
	[tilespmem:s18], [sflag:$0x2] =	stream.indirect.gather [hbm4b:s1+s13], $0x80, s13, s13, $0xb8  }
0x2f: {  	s30 =	simm.s32 $0x280;
	[tilespmem:$0x1FFC0] =	vst v63  }
0x30: {  	[tilespmem:s20], [sflag:$0x4] =	stream.indirect.gather [hbm4b:s2+s13], $0x80, s30, s13, $0xb8;
	[tilespmem:$0x10700] =	vst v63  }
0x31: {  	_ =	swait.ge [sflag:s21], $0x4000  }
0x32: {  	[sflag:s21] =	ssyncset.done $0x0  }
0x33: {  	[sflag:s21] =	ssyncadd.s32 $0xFFFFC000  }
0x34: {  	_ =	swait.ge [sflag:s22], $0x4000  }
0x35: {  	[tilespmem:$0x1FFD0] =	vst v60  }
0x36: {  	s16 =	simm.s32 $0x0;
	[sflag:s22] =	ssyncset.done $0x0;
	[tilespmem:$0x1FFE0] =	vst v61  }
0x37: {  	s4 =	simm.s32 $0x500;
	s3 =	simm.s32 $0x8500;
	[tilespmem:$0x1FFF0] =	vst v62;
	[sflag:s22] =	ssyncadd.s32 $0xFFFFC000  }
.LBB2_2:
0x38: {  	v10 =	vld [tilespmem:s4+$0x70]  }
0x39: {  	v11 =	vld [tilespmem:s3+$0x70]  }
0x3a: {  	v12 =	vld [tilespmem:s4+$0xFFFFFFF0]  }
0x3b: {  	v13 =	vld [tilespmem:s3+$0xFFFFFFF0]  }
0x3c: {  	v14 =	vld [tilespmem:s4+$0xE0]  }
0x3d: {  	v15 =	vld [tilespmem:s3+$0xE0]  }
0x3e: {  	v16 =	vld [tilespmem:s4+$0x60]  }
0x3f: {  	v18 =	vld [tilespmem:s3+$0x60]  }
0x40: {  	v33 =	vld [tilespmem:s4+$0xFFFFFFE0]  }
0x41: {  	v21 =	vld [tilespmem:s3+$0xFFFFFFE0]  }
0x42: {  	v23 =	vld [tilespmem:s4+$0xD0]  }
0x43: {  	v24 =	vld [tilespmem:s3+$0xD0]  }
0x44: {  	v25 =	vld [tilespmem:s4+$0xFFFFFF60]  }
0x45: {  	v26 =	vld [tilespmem:s3+$0xFFFFFF60]  }
0x46: {  	v27 =	vld [tilespmem:s4+$0x50]  }
0x47: {  	v28 =	vld [tilespmem:s3+$0x50]  }
0x48: {  	v29 =	vld [tilespmem:s4+$0xFFFFFFD0]  }
0x49: {  	v30 =	vld [tilespmem:s3+$0xFFFFFFD0]  }
0x4a: {  	v31 =	vld [tilespmem:s4+$0xC0]  }
0x4b: {  	v32 =	vld [tilespmem:s3+$0xC0]  }
0x4c: {  	v34 =	vld [tilespmem:s4+$0xFFFFFF50]  }
0x4d: {  	v9 =	vld [tilespmem:s3+$0xFFFFFF50]  }
0x4e: {  	v36 =	vld [tilespmem:s4+$0x40]  }
0x4f: {  	v20 =	vld [tilespmem:s3+$0x40]  }
0x50: {  	v38 =	vld [tilespmem:s4+$0xFFFFFFC0]  }
0x51: {  	v39 =	vld [tilespmem:s3+$0xFFFFFFC0]  }
0x52: {  	v40 =	vld [tilespmem:s4+$0xB0]  }
0x53: {  	v41 =	vld [tilespmem:s3+$0xB0]  }
0x54: {  	v42 =	vld [tilespmem:s4+$0xFFFFFF40]  }
0x55: {  	v43 =	vld [tilespmem:s3+$0xFFFFFF40]  }
0x56: {  	v44 =	vld [tilespmem:s4+$0x30]  }
0x57: {  	v45 =	vld [tilespmem:s3+$0x30]  }
0x58: {  	v46 =	vld [tilespmem:s4+$0xFFFFFFB0]  }
0x59: {  	v47 =	vld [tilespmem:s3+$0xFFFFFFB0]  }
0x5a: {  	v48 =	vld [tilespmem:s4+$0xA0]  }
0x5b: {  	v49 =	vld [tilespmem:s3+$0xA0]  }
0x5c: {  	v50 =	vld [tilespmem:s4+$0xFFFFFF30]  }
0x5d: {  	v51 =	vld [tilespmem:s3+$0xFFFFFF30]  }
0x5e: {  	v52 =	vld [tilespmem:s4+$0x20]  }
0x5f: {  	v53 =	vld [tilespmem:s3+$0x20]  }
0x60: {  	v54 =	vld [tilespmem:s4+$0xFFFFFFA0]  }
0x61: {  	v55 =	vld [tilespmem:s3+$0xFFFFFFA0]  }
0x62: {  	v56 =	vld [tilespmem:s4+$0x90]  }
0x63: {  	v57 =	vld [tilespmem:s3+$0x90]  }
0x64: {  	v58 =	vld [tilespmem:s4+$0xFFFFFF20]  }
0x65: {  	v59 =	vld [tilespmem:s3+$0xFFFFFF20]  }
0x66: {  	v60 =	vld [tilespmem:s4+$0x10]  }
0x67: {  	v61 =	vld [tilespmem:s3+$0x10]  }
0x68: {  	v62 =	vld [tilespmem:s4+$0xFFFFFF90]  }
0x69: {  	v63 =	vld [tilespmem:s3+$0xFFFFFF90]  }
0x6a: {  	v37 =	vld [tilespmem:s4+$0x80];
	v19 =	vmul.f32 v13, v12;
	v17 =	vmul.f32 v11, v10  }
0x6b: {  	v35 =	vld [tilespmem:s3+$0x80];
	v22 =	vmul.f32 v18, v16;
	v11 =	vmul.f32 v15, v14  }
0x6c: {  	v1 =	vld [tilespmem:s3+$0xFFFFFF80];
	v21 =	vmul.f32 v21, v33;
	v12 =	vmul.f32 v24, v23  }
0x6d: {  	v2 =	vld [tilespmem:s4+$0xFFFFFF00];
	v13 =	vmul.f32 v26, v25;
	v33 =	vmul.f32 v28, v27  }
0x6e: {  	v18 =	vld [tilespmem:s4+$0xFFFFFF10];
	v24 =	vmul.f32 v30, v29;
	v14 =	vmul.f32 v32, v31  }
0x6f: {  	v23 =	vld [tilespmem:s3+$0xFFFFFF10];
	v15 =	vmul.f32 v9, v34;
	v28 =	vmul.f32 v20, v36  }
0x70: {  	v10 =	vld [tilespmem:s4+$0x0];
	v26 =	vmul.f32 v39, v38;
	v20 =	vmul.f32 v41, v40  }
0x71: {  	v9 =	vld [tilespmem:s3+$0x0];
	v25 =	vmul.f32 v43, v42;
	v34 =	vmul.f32 v45, v44  }
0x72: {  	v16 =	vld [tilespmem:s4+$0xFFFFFF80];
	v27 =	vmul.f32 v47, v46;
	v29 =	vmul.f32 v49, v48  }
0x73: {  	v49 =	vld [tilespmem:s3+$0xFFFFFF00];
	v32 =	vmul.f32 v51, v50;
	v38 =	vmul.f32 v53, v52  }
0x74: {  	v6 =	vmov v5;
	v5 =	vld [tilespmem:$0x1FF90];
	v36 =	vmul.f32 v55, v54;
	v31 =	vmul.f32 v57, v56  }
0x75: {  	v8 =	vmov v7;
	v7 =	vld [tilespmem:$0x1FFA0];
	v30 =	vmul.f32 v59, v58;
	v41 =	vmul.f32 v61, v60  }
0x76: {  	v4 =	vld [tilespmem:$0x1FFB0];
	v39 =	vmul.f32 v63, v62;
	v35 =	vmul.f32 v35, v37  }
0x77: {  	s17 =	simm.s32 $0x0;
	s24 =	sadd.s32 $0x200, s4;
	s28 =	simm.s32 $0x4;
	v37 =	vmul.f32 v23, v18;
	v43 =	vmul.f32 v9, v10;
	v18 =	vld [tilespmem:s4+$0xF0]  }
0x78: {  	s29 =	smov.u32 s3;
	s23 =	smov.u32 s4;
	s19 =	smov.u32 s3;
	v10 =	vimm.f32 $0.0e+00;
	v40 =	vmul.f32 v49, v2;
	v42 =	vmul.f32 v1, v16;
	v23 =	vld [tilespmem:s3+$0xF0]  }
.LBB2_3:
0x79: {  	v16 =	vld [tilespmem:s24+$0x70]  }
0x7a: {  	v1 =	vld [tilespmem:$0x1FFD0]  }
0x7b: {  	v2 =	vld [tilespmem:$0x1FFF0]  }
0x7c: {  	v0 =	vld [tilespmem:$0x1FFE0]  }
0x7d: {  	v59 =	vld [tilespmem:s23+$0xFFFFFF70]  }
0x7e: {  	v60 =	vld [tilespmem:s19+$0xFFFFFF70]  }
0x7f: {  	v61 =	vmul.f32 v26, v8;
	v26 =	vld [tilespmem:s24+$0x60]  }
0x80: {  	v53 =	vmul.f32 v29, v6;
	v29 =	vld [tilespmem:s24+$0xFFFFFF60]  }
0x81: {  	s29 =	sadd.s32 $0x200, s29;
	v56 =	vmul.f32 v20, v7;
	v20 =	vld [tilespmem:s24+$0x50]  }
0x82: {  	v47 =	vmul.f32 v24, v4;
	v24 =	vld [tilespmem:s29+$0xE0]  }
0x83: {  	v63 =	vmul.f32 v27, v7;
	v27 =	vld [tilespmem:s24+$0xFFFFFFE0]  }
0x84: {  	v49 =	vmul.f32 v31, v5;
	v31 =	vld [tilespmem:s24+$0xD0]  }
0x85: {  	v50 =	vmul.f32 v32, v7;
	v32 =	vld [tilespmem:s29+$0xD0]  }
0x86: {  	v55 =	vmul.f32 v25, v8;
	v25 =	vld [tilespmem:s29+$0xFFFFFF60]  }
0x87: {  	v3 =	vld [tilespmem:s29+$0xFFFFFF10]  }
0x88: {  	v9 =	vmul.f32 v43, v1;
	v43 =	vmul.f32 v17, v2;
	v17 =	vld [tilespmem:s29+$0x70]  }
0x89: {  	v44 =	vmul.f32 v19, v2;
	v19 =	vld [tilespmem:s24+$0xFFFFFFF0]  }
0x8a: {  	v45 =	vmul.f32 v22, v0;
	v22 =	vld [tilespmem:s29+$0xFFFFFFF0]  }
0x8b: {  	v46 =	vmul.f32 v21, v0;
	v21 =	vld [tilespmem:s24+$0xE0]  }
0x8c: {  	v58 =	vmul.f32 v28, v8;
	v28 =	vmul.f32 v40, v1;
	v40 =	vld [tilespmem:s29+$0xFFFFFFC0]  }
0x8d: {  	v13 =	vmul.f32 v13, v0;
	v11 =	vmul.f32 v11, v0;
	v0 =	vld [tilespmem:s29+$0xFFFFFF90]  }
0x8e: {  	v42 =	vmul.f32 v42, v1;
	v35 =	vmul.f32 v35, v1;
	v1 =	vld [tilespmem:s29+$0x80]  }
0x8f: {  	v37 =	vmul.f32 v37, v5;
	v48 =	vadd.f32 $0.0e+00, v28;
	v28 =	vld [tilespmem:s29+$0x60]  }
0x90: {  	v41 =	vmul.f32 v41, v5;
	v39 =	vmul.f32 v39, v5;
	v57 =	vadd.f32 $0.0e+00, v42;
	v42 =	vld [tilespmem:s29+$0xB0]  }
0x91: {  	v35 =	vadd.f32 $0.0e+00, v35;
	v37 =	vadd.f32 v37, v48;
	v48 =	vmul.f32 v30, v6;
	v30 =	vld [tilespmem:s29+$0xFFFFFFE0]  }
0x92: {  	v9 =	vadd.f32 $0.0e+00, v9;
	v39 =	vadd.f32 v39, v57;
	v57 =	vmul.f32 v15, v4;
	v15 =	vld [tilespmem:s29+$0x50]  }
0x93: {  	v52 =	vadd.f32 v49, v35;
	v35 =	vld [tilespmem:s24+$0xFFFFFFD0]  }
0x94: {  	v38 =	vmul.f32 v38, v6;
	v9 =	vadd.f32 v41, v9;
	v41 =	vld [tilespmem:s24+$0xB0]  }
0x95: {  	v36 =	vmul.f32 v36, v6;
	v17 =	vmul.f32 v17, v16;
	v16 =	vld [tilespmem:s24+$0x80]  }
0x96: {  	v9 =	vadd.f32 v38, v9;
	v38 =	vld [tilespmem:s29+$0x40]  }
0x97: {  	v62 =	vadd.f32 v36, v39;
	v37 =	vadd.f32 v48, v37;
	v39 =	vld [tilespmem:s24+$0xFFFFFFC0]  }
0x98: {  	s11 =	sadd.s32 $0x3, s17;
	v34 =	vmul.f32 v34, v7;
	v48 =	vld [tilespmem:s29+$0xFFFFFFB0]  }
0x99: {  	v49 =	vmov s11;
	v54 =	vadd.f32 v50, v37;
	v37 =	vld [tilespmem:s29+$0xC0]  }
0x9a: {  	s14 =	sadd.s32 $0x1, s17;
	v9 =	vadd.f32 v34, v9;
	v34 =	vadd.f32 v63, v62;
	v50 =	vld [tilespmem:s24+$0xA0];
	v62 =	vlaneseq.u32  }
0x9b: {  	v63 =	vmov s14;
	vm15 =	veq.s32 v49, v62;
	v49 =	vld [tilespmem:s24+$0x20]  }
0x9c: {  	vm13 =	veq.s32 v63, v62;
	v63 =	vld [tilespmem:s24+$0xFFFFFF90]  }
0x9d: {  	v51 =	vadd.f32 v61, v34;
	v34 =	vadd.f32 v53, v52;
	v52 =	vld [tilespmem:s24+$0xFFFFFF30]  }
0x9e: {  	v53 =	vld [tilespmem:s29+$0xFFFFFF30]  }
0x9f: {  	v33 =	vmul.f32 v33, v4;
	s30 =	sadd.s32 $0x2, s17;
	v9 =	vadd.f32 v58, v9;
	v36 =	vadd.f32 v55, v54;
	v54 =	vld [tilespmem:s29+$0x20]  }
0xa0: {  	v14 =	vmul.f32 v14, v8;
	v19 =	vmul.f32 v22, v19;
	v61 =	vmov s30;
	v55 =	vld [tilespmem:s24+$0xFFFFFFA0]  }
0xa1: {  	v22 =	vmul.f32 v28, v26;
	vm14 =	veq.s32 v61, v62;
	v61 =	vld [tilespmem:s24+$0x10];
	v9 =	vadd.f32 v33, v9  }
0xa2: {  	v26 =	vmul.f32 v40, v39;
	v40 =	vld [tilespmem:s24+$0xFFFFFF00];
	v33 =	vadd.f32 v47, v51;
	v34 =	vadd.f32 v56, v34  }
0xa3: {  	v58 =	vmul.f32 v60, v59;
	v36 =	vadd.f32 v57, v36;
	v47 =	vld [tilespmem:s24+$0xFFFFFFB0];
	v9 =	vadd.f32 v45, v9  }
0xa4: {  	v12 =	vmul.f32 v12, v4;
	v51 =	vld [tilespmem:s29+$0xA0];
	v33 =	vadd.f32 v46, v33;
	v14 =	vadd.f32 v14, v34  }
0xa5: {  	v59 =	vmul.f32 v58, v2;
	v56 =	vld [tilespmem:s29+$0xFFFFFFA0];
	v13 =	vadd.f32 v13, v36;
	v9 =	vadd.f32 v43, v9  }
0xa6: {  	v57 =	vld [tilespmem:s24+$0x90];
	v33 =	vadd.f32 v44, v33;
	v12 =	vadd.f32 v12, v14;
	v14 =	vmul.f32 v23, v18  }
0xa7: {  	v58 =	vld [tilespmem:s29+$0x90];
	v13 =	vadd.f32 v59, v13;
	(xrf2) =	vadd.scan.msk.f32 $0xffff, v9  }
0xa8: {  	v34 =	vld [tilespmem:s24+$0xC0];
	v11 =	vadd.f32 v11, v12;
	v12 =	vmul.f32 v14, v2;
	(xrf2) =	vadd.scan.msk.f32 $0xffff, v33  }
0xa9: {  	v18 =	vld [tilespmem:s24+$0xFFFFFF50];
	(xrf2) =	vadd.scan.msk.f32 $0xffff, v13  }
0xaa: {  	v23 =	vld [tilespmem:s29+$0xFFFFFF50];
	v60 =	vadd.f32 v12, v11  }
0xab: {  	v36 =	vld [tilespmem:s24+$0x40]  }
0xac: {  	v45 =	vld [tilespmem:s24+$0x30];
	(xrf2) =	vadd.scan.msk.f32 $0xffff, v60  }
0xad: {  	v33 =	vmul.f32 v15, v20;
	v20 =	vmul.f32 v42, v41;
	v42 =	vld [tilespmem:s29+$0xFFFFFF80];
	v13 =	vmov s17  }
0xae: {  	vm0 =	veq.s32 v13, v62;
	v62 =	vld [tilespmem:s29+$0x10]  }
0xaf: {  	v15 =	vmul.f32 v23, v18;
	v23 =	vld [tilespmem:s24+$0xFFFFFF80]  }
0xb0: {  	v46 =	vld [tilespmem:s29+$0x30]  }
0xb1: {  	v39 =	vmul.f32 v0, v63;
	v43 =	vld [tilespmem:s24+$0xFFFFFF40];
	v11, _, _ =	vpop (xrf2)  }
0xb2: {  	v2 =	vld [tilespmem:s24+$0xFFFFFF10];
	v28 =	vmul.f32 v38, v36;
	v38 =	vmul.f32 v54, v49;
	v12, _, _ =	vpop (xrf2)  }
0xb3: {  	v44 =	vld [tilespmem:s29+$0xFFFFFF40];
	v36 =	vmul.f32 v56, v55;
	v41 =	vmul.f32 v62, v61;
	v14, _, _ =	vpop (xrf2)  }
0xb4: {  	v9 =	vld [tilespmem:s29+$0xFFFFFFD0];
	v42 =	vmul.f32 v42, v23;
	v14 =	vbroadcast v14, $0xF  }
0xb5: {  	v59 =	vld [tilespmem:s24+$0xFFFFFF20];
	v11 =	vbroadcast v11, $0xF;
	v12 =	vbroadcast v12, $0xF  }
0xb6: {  	v60 =	vld [tilespmem:s29+$0xFFFFFF20];
	v13, _, _ =	vpop (xrf2);
	v10 =	vsel vm0, v14, v10;
	v14 =	vmul.f32 v37, v34;
	v34 =	vmul.f32 v46, v45  }
0xb7: {  	v18 =	vld [tilespmem:s29+$0x0];
	v37 =	vmul.f32 v3, v2;
	v10 =	vsel vm13, v12, v10;
	v12 =	vbroadcast v13, $0xF  }
0xb8: {  	v13 =	vmul.f32 v25, v29;
	v29 =	vmul.f32 v51, v50;
	v51 =	vld [tilespmem:s29+$0xFFFFFF00]  }
0xb9: {  	p0 =	sne.s32 s28, $0xC;
	v10 =	vsel vm14, v11, v10;
	v11 =	vmul.f32 v24, v21;
	v24 =	vmul.f32 v9, v35;
	v9 =	vld [tilespmem:s24+$0x0]  }
.Ltmp0:
0xba: {  	v25 =	vmul.f32 v44, v43;
	v21 =	vmul.f32 v30, v27;
	(pc) =	sbr.rel @p0 .LBB2_3-.Ltmp0, $4  }
0xbb: {  	v27 =	vmul.f32 v48, v47;
	v30 =	vmul.f32 v60, v59  }
0xbc: {  	v35 =	vmul.f32 v1, v16;
	v10 =	vsel vm15, v12, v10;
	v12 =	vmul.f32 v32, v31  }
0xbd: {  	s23 =	smov.u32 s24;
	s19 =	smov.u32 s29;
	v23 =	vld [tilespmem:s29+$0xF0];
	v32 =	vmul.f32 v53, v52;
	v31 =	vmul.f32 v58, v57  }
0xbe: {  	s17 =	smov.u32 s28;
	s28 =	sadd.s32 $0x4, s28;
	v40 =	vmul.f32 v51, v40;
	v43 =	vmul.f32 v18, v9;
	v18 =	vld [tilespmem:s24+$0xF0];
	s24 =	sadd.s32 $0x200, s24  }
0xbf: {  	v60 =	vld [tilespmem:$0x1FFD0];
	_ =	sdelay $0x1  }
0xc0: {  	v9 =	vmul.f32 v41, v5  }
0xc1: {  	v49 =	vmul.f32 v33, v4;
	v50 =	vmul.f32 v38, v6  }
0xc2: {  	v51 =	vmul.f32 v24, v4;
	v52 =	vmul.f32 v39, v5  }
0xc3: {  	v62 =	vld [tilespmem:$0x1FFF0];
	v53 =	vmul.f32 v28, v8;
	v0 =	vmul.f32 v43, v60  }
0xc4: {  	v55 =	vmul.f32 v34, v7;
	v56 =	vmul.f32 v36, v6  }
0xc5: {  	v26 =	vmul.f32 v26, v8;
	v57 =	vmul.f32 v37, v5;
	v0 =	vadd.f32 $0.0e+00, v0  }
0xc6: {  	v58 =	vmul.f32 v27, v7;
	v48 =	vmul.f32 v42, v60  }
0xc7: {  	v33 =	vmul.f32 v30, v6;
	v54 =	vmul.f32 v40, v60;
	v0 =	vadd.f32 v9, v0  }
0xc8: {  	v37 =	vmul.f32 v32, v7;
	v1 =	vmul.f32 v17, v62;
	v17 =	vadd.f32 $0.0e+00, v48  }
0xc9: {  	v61 =	vld [tilespmem:$0x1FFE0];
	v39 =	vmul.f32 v29, v6;
	v28 =	vadd.f32 $0.0e+00, v54;
	v0 =	vadd.f32 v50, v0  }
0xca: {  	v20 =	vmul.f32 v20, v7;
	v59 =	vmul.f32 v35, v60;
	v17 =	vadd.f32 v52, v17  }
0xcb: {  	v14 =	vmul.f32 v14, v8;
	v63 =	vadd.f32 v57, v28;
	v0 =	vadd.f32 v55, v0  }
0xcc: {  	v35 =	vmul.f32 v31, v5;
	v34 =	vadd.f32 $0.0e+00, v59;
	v17 =	vadd.f32 v56, v17  }
0xcd: {  	v36 =	vld [tilespmem:s23+$0xFFFFFF70];
	v12 =	vmul.f32 v12, v4;
	v9 =	vadd.f32 v33, v63;
	v0 =	vadd.f32 v53, v0  }
0xce: {  	v38 =	vld [tilespmem:s19+$0xFFFFFF70];
	v3 =	vmul.f32 v22, v61;
	v22 =	vadd.f32 v35, v34;
	v17 =	vadd.f32 v58, v17  }
0xcf: {  	v40 =	vmul.f32 v25, v8;
	v9 =	vadd.f32 v37, v9;
	v0 =	vadd.f32 v49, v0  }
0xd0: {  	v2 =	vmul.f32 v19, v62;
	v41 =	vadd.f32 v39, v22;
	v17 =	vadd.f32 v26, v17  }
0xd1: {  	v42 =	vmul.f32 v15, v4;
	v0 =	vadd.f32 v3, v0;
	v3 =	vadd.f32 v40, v9  }
0xd2: {  	v16 =	vmul.f32 v21, v61;
	v44 =	vadd.f32 v20, v41;
	v17 =	vadd.f32 v51, v17  }
0xd3: {  	v45 =	vmul.f32 v13, v61;
	v46 =	vmul.f32 v38, v36;
	v3 =	vadd.f32 v42, v3  }
0xd4: {  	v11 =	vmul.f32 v11, v61;
	v47 =	vadd.f32 v14, v44;
	v43 =	vadd.f32 v16, v17  }
0xd5: {  	v48 =	vmul.f32 v46, v62;
	v0 =	vadd.f32 v1, v0;
	v3 =	vadd.f32 v45, v3  }
0xd6: {  	v49 =	vmul.f32 v23, v18;
	v2 =	vadd.f32 v2, v43;
	v1 =	vadd.f32 v12, v47  }
0xd7: {  	(xrf2) =	vadd.scan.msk.f32 $0xffff, v0;
	v50 =	vadd.f32 v48, v3  }
0xd8: {  	v51 =	vmul.f32 v49, v62;
	v1 =	vadd.f32 v11, v1;
	(xrf2) =	vadd.scan.msk.f32 $0xffff, v2  }
0xd9: {  	(xrf2) =	vadd.scan.msk.f32 $0xffff, v50  }
0xda: {  	v52 =	vadd.f32 v51, v1;
	_ =	sdelay $0x1  }
0xdb: {  	(xrf2) =	vadd.scan.msk.f32 $0xffff, v52;
	_ =	sdelay $0x4  }
0xdc: {  	v53, _, _ =	vpop (xrf2)  }
0xdd: {  	s14 =	sadd.s32 $0x3, s17;
	v54, _, _ =	vpop (xrf2)  }
0xde: {  	s11 =	sadd.s32 $0x2, s17;
	v4 =	vlaneseq.u32;
	v57 =	vmov s14;
	v3, _, _ =	vpop (xrf2)  }
0xdf: {  	s29 =	sadd.s32 $0x1, s17;
	v56 =	vmov s11;
	v55 =	vmov s17;
	v3 =	vbroadcast v3, $0xF  }
0xe0: {  	v63 =	vld [tilespmem:$0x1FFC0];
	v58 =	vmov s29;
	vm0 =	veq.s32 v55, v4;
	v1 =	vbroadcast v54, $0xF  }
0xe1: {  	vm13 =	veq.s32 v58, v4;
	v0 =	vbroadcast v53, $0xF;
	v59, _, _ =	vpop (xrf2);
	v3 =	vsel vm0, v3, v10  }
0xe2: {  	vm14 =	veq.s32 v56, v4;
	v2 =	vbroadcast v59, $0xF;
	v1 =	vsel vm13, v1, v3  }
0xe3: {  	vm15 =	veq.s32 v57, v4;
	v0 =	vsel vm14, v0, v1  }
0xe4: {  	v0 =	vsel vm15, v2, v0  }
0xe5: {  	v0 =	vadd.f32 v0, v63;
	_ =	sdelay $0x1  }
0xe6: {  	v0 =	vsub.f32 $0.0e+00, v0;
	_ =	sdelay $0x1  }
0xe7: {  	v0 =	vmul.f32 $1.442695020e+00, v0;
	_ =	sdelay $0x1  }
0xe8: {  	(erf) = vpow2.f32 v0;
	_ =	sdelay $0x8  }
0xe9: {  	v0 =	vpop (erf)  }
0xea: {  	v0 =	vadd.f32 $1.000000000e+00, v0;
	_ =	sdelay $0x1  }
0xeb: {  	(erf) = vrcp.f32 v0;
	_ =	sdelay $0x3  }
0xec: {  	s30 =	sshll.u32 s16, $0x4;
	s16 =	sadd.s32 $0x1, s16  }
0xed: {  	p0 =	sne.s32 s16, $0x8  }
.Ltmp1:
0xee: {  	_ = 	snop;
	(pc) =	sbr.rel @p0 .LBB2_2-.Ltmp1, $3  }
0xef: {  	_ =	sdelay $0x1  }
0xf0: {  	s11 =	sand.u32 $0x3FFFFFF0, s30;
	v0 =	vpop (erf)  }
0xf1: {  	s4 =	sadd.s32 $0x800, s4;
	s3 =	sadd.s32 $0x800, s3;
	v7 =	vmov v8;
	v5 =	vmov v6;
	[tilespmem:s11+$0x10400] =	vst v0  }
0xf2: {  	s3 =	simm.s32 $0x400;
	s4 =	simm.s32 $0x100  }
0xf3: {  	[tilespmem:s3], [sflag:$0x1] =	stream.indirect.gather [hbm4b:s1+s13], $0x80, s4, s13, $0xb8;
	[tilespmem:$0x10700] =	vst v63  }
0xf4: {  	s30 =	simm.s32 $0x300  }
0xf5: {  	[tilespmem:s15], [sflag:$0x3] =	stream.indirect.gather [hbm4b:s2+s13], $0x80, s30, s13, $0xb8;
	[tilespmem:$0x10700] =	vst v63  }
0xf6: {  	_ =	swait.ge [sflag:s25], $0x4000  }
0xf7: {  	[sflag:s25] =	ssyncset.done $0x0  }
0xf8: {  	[sflag:s25] =	ssyncadd.s32 $0xFFFFC000  }
0xf9: {  	_ =	swait.ge [sflag:s26], $0x4000  }
0xfa: {  	v4 =	vld [tilespmem:$0x1FF90]  }
0xfb: {  	s23 =	simm.s32 $0x4500;
	[sflag:s26] =	ssyncset.done $0x0;
	v6 =	vld [tilespmem:$0x1FFA0]  }
0xfc: {  	s29 =	simm.s32 $0xC500;
	s4 =	simm.s32 $0x0;
	v8 =	vld [tilespmem:$0x1FFB0];
	[sflag:s26] =	ssyncadd.s32 $0xFFFFC000  }
.LBB2_6:
0xfd: {  	v0 =	vld [tilespmem:s23+$0x70]  }
0xfe: {  	v1 =	vld [tilespmem:s29+$0x70]  }
0xff: {  	v2 =	vld [tilespmem:s23+$0xFFFFFFF0]  }
0x100: {  	v3 =	vld [tilespmem:s29+$0xFFFFFFF0]  }
0x101: {  	v9 =	vld [tilespmem:s23+$0xE0]  }
0x102: {  	v10 =	vld [tilespmem:s29+$0xE0]  }
0x103: {  	v11 =	vld [tilespmem:s23+$0x60]  }
0x104: {  	v12 =	vld [tilespmem:s29+$0x60]  }
0x105: {  	v13 =	vld [tilespmem:s23+$0xFFFFFFE0]  }
0x106: {  	v14 =	vld [tilespmem:s29+$0xFFFFFFE0]  }
0x107: {  	v15 =	vld [tilespmem:s23+$0xD0]  }
0x108: {  	v16 =	vld [tilespmem:s29+$0xD0]  }
0x109: {  	v18 =	vld [tilespmem:s23+$0xFFFFFF60]  }
0x10a: {  	v20 =	vld [tilespmem:s29+$0xFFFFFF60]  }
0x10b: {  	v23 =	vld [tilespmem:s23+$0x50]  }
0x10c: {  	v24 =	vld [tilespmem:s29+$0x50]  }
0x10d: {  	v25 =	vld [tilespmem:s23+$0xFFFFFFD0]  }
0x10e: {  	v26 =	vld [tilespmem:s29+$0xFFFFFFD0]  }
0x10f: {  	v27 =	vld [tilespmem:s23+$0xC0]  }
0x110: {  	v28 =	vld [tilespmem:s29+$0xC0]  }
0x111: {  	v29 =	vld [tilespmem:s23+$0xFFFFFF50]  }
0x112: {  	v30 =	vld [tilespmem:s29+$0xFFFFFF50]  }
0x113: {  	v31 =	vld [tilespmem:s23+$0x40]  }
0x114: {  	v32 =	vld [tilespmem:s29+$0x40]  }
0x115: {  	v34 =	vld [tilespmem:s23+$0xFFFFFFC0]  }
0x116: {  	v35 =	vld [tilespmem:s29+$0xFFFFFFC0]  }
0x117: {  	v36 =	vld [tilespmem:s23+$0xB0]  }
0x118: {  	v37 =	vld [tilespmem:s29+$0xB0]  }
0x119: {  	v38 =	vld [tilespmem:s23+$0xFFFFFF40]  }
0x11a: {  	v39 =	vld [tilespmem:s29+$0xFFFFFF40]  }
0x11b: {  	v40 =	vld [tilespmem:s23+$0x30]  }
0x11c: {  	v41 =	vld [tilespmem:s29+$0x30]  }
0x11d: {  	v42 =	vld [tilespmem:s23+$0xFFFFFFB0]  }
0x11e: {  	v43 =	vld [tilespmem:s29+$0xFFFFFFB0]  }
0x11f: {  	v44 =	vld [tilespmem:s23+$0xA0]  }
0x120: {  	v45 =	vld [tilespmem:s29+$0xA0]  }
0x121: {  	v46 =	vld [tilespmem:s23+$0xFFFFFF30]  }
0x122: {  	v47 =	vld [tilespmem:s29+$0xFFFFFF30]  }
0x123: {  	v48 =	vld [tilespmem:s23+$0x20]  }
0x124: {  	v49 =	vld [tilespmem:s29+$0x20]  }
0x125: {  	v50 =	vld [tilespmem:s23+$0xFFFFFFA0]  }
0x126: {  	v51 =	vld [tilespmem:s29+$0xFFFFFFA0]  }
0x127: {  	v52 =	vld [tilespmem:s23+$0x90]  }
0x128: {  	v53 =	vld [tilespmem:s29+$0x90]  }
0x129: {  	v54 =	vld [tilespmem:s23+$0xFFFFFF20]  }
0x12a: {  	v55 =	vld [tilespmem:s29+$0xFFFFFF20]  }
0x12b: {  	v56 =	vld [tilespmem:s23+$0x10]  }
0x12c: {  	v57 =	vld [tilespmem:s29+$0x10]  }
0x12d: {  	v58 =	vld [tilespmem:s23+$0xFFFFFF90]  }
0x12e: {  	v59 =	vld [tilespmem:s29+$0xFFFFFF90]  }
0x12f: {  	v63 =	vld [tilespmem:s29+$0xFFFFFF00];
	v19 =	vmul.f32 v3, v2;
	v17 =	vmul.f32 v1, v0  }
0x130: {  	v0 =	vld [tilespmem:s23+$0x80];
	v22 =	vmul.f32 v12, v11;
	v11 =	vmul.f32 v10, v9  }
0x131: {  	v1 =	vld [tilespmem:s29+$0x80];
	v21 =	vmul.f32 v14, v13;
	v12 =	vmul.f32 v16, v15  }
0x132: {  	v2 =	vld [tilespmem:s23+$0xFFFFFF10];
	v13 =	vmul.f32 v20, v18;
	v33 =	vmul.f32 v24, v23  }
0x133: {  	v3 =	vld [tilespmem:s29+$0xFFFFFF10];
	v24 =	vmul.f32 v26, v25;
	v14 =	vmul.f32 v28, v27  }
0x134: {  	v9 =	vld [tilespmem:s23+$0x0];
	v15 =	vmul.f32 v30, v29;
	v28 =	vmul.f32 v32, v31  }
0x135: {  	v10 =	vld [tilespmem:s29+$0x0];
	v26 =	vmul.f32 v35, v34;
	v20 =	vmul.f32 v37, v36  }
0x136: {  	v16 =	vld [tilespmem:s23+$0xFFFFFF80];
	v25 =	vmul.f32 v39, v38;
	v34 =	vmul.f32 v41, v40  }
0x137: {  	v23 =	vld [tilespmem:s29+$0xFFFFFF80];
	v27 =	vmul.f32 v43, v42;
	v29 =	vmul.f32 v45, v44  }
0x138: {  	v40 =	vld [tilespmem:s23+$0xFFFFFF00];
	v32 =	vmul.f32 v47, v46;
	v38 =	vmul.f32 v49, v48  }
0x139: {  	v36 =	vmul.f32 v51, v50;
	v31 =	vmul.f32 v53, v52  }
0x13a: {  	v30 =	vmul.f32 v55, v54;
	v41 =	vmul.f32 v57, v56  }
0x13b: {  	v39 =	vmul.f32 v59, v58;
	v35 =	vmul.f32 v1, v0  }
0x13c: {  	s24 =	sadd.s32 $0x200, s23;
	s28 =	simm.s32 $0x4;
	s19 =	smov.u32 s29;
	v18 =	vld [tilespmem:s23+$0xF0];
	v37 =	vmul.f32 v3, v2;
	v43 =	vmul.f32 v10, v9  }
0x13d: {  	s3 =	smov.u32 s23;
	s16 =	smov.u32 s29;
	s17 =	simm.s32 $0x0;
	v10 =	vimm.f32 $0.0e+00;
	v40 =	vmul.f32 v63, v40;
	v42 =	vmul.f32 v23, v16;
	v23 =	vld [tilespmem:s29+$0xF0]  }
.LBB2_7:
0x13e: {  	v16 =	vld [tilespmem:s24+$0x70]  }
0x13f: {  	v2 =	vmul.f32 v19, v62;
	v19 =	vld [tilespmem:s24+$0xFFFFFFF0]  }
0x140: {  	v58 =	vmul.f32 v26, v7;
	v26 =	vld [tilespmem:s24+$0x60]  }
0x141: {  	s19 =	sadd.s32 $0x200, s19;
	v54 =	vmul.f32 v20, v6;
	v20 =	vld [tilespmem:s24+$0x50]  }
0x142: {  	v1 =	vmul.f32 v17, v62;
	v17 =	vld [tilespmem:s19+$0x70]  }
0x143: {  	v55 =	vmul.f32 v24, v8;
	v24 =	vld [tilespmem:s19+$0xE0]  }
0x144: {  	v63 =	vmul.f32 v27, v6;
	v27 =	vld [tilespmem:s24+$0xFFFFFFE0]  }
0x145: {  	v45 =	vmul.f32 v30, v5;
	v30 =	vld [tilespmem:s19+$0xFFFFFFE0]  }
0x146: {  	v46 =	vmul.f32 v31, v4;
	v31 =	vld [tilespmem:s24+$0xD0]  }
0x147: {  	v47 =	vmul.f32 v32, v6;
	v32 =	vld [tilespmem:s19+$0xD0]  }
0x148: {  	v50 =	vmul.f32 v29, v5;
	v29 =	vld [tilespmem:s24+$0xFFFFFF60]  }
0x149: {  	v52 =	vmul.f32 v25, v7;
	v25 =	vld [tilespmem:s19+$0xFFFFFF60]  }
0x14a: {  	v3 =	vmul.f32 v22, v61;
	v22 =	vld [tilespmem:s19+$0xFFFFFFF0]  }
0x14b: {  	v9 =	vmul.f32 v21, v61;
	v21 =	vld [tilespmem:s24+$0xE0]  }
0x14c: {  	v57 =	vmul.f32 v28, v7;
	v28 =	vmul.f32 v40, v60;
	v40 =	vld [tilespmem:s3+$0xFFFFFF70]  }
0x14d: {  	v0 =	vmul.f32 v43, v60;
	v42 =	vmul.f32 v42, v60;
	v43 =	vld [tilespmem:s19+$0xFFFFFFB0]  }
0x14e: {  	v35 =	vmul.f32 v35, v60;
	v44 =	vadd.f32 $0.0e+00, v28;
	v28 =	vld [tilespmem:s19+$0x60]  }
0x14f: {  	v39 =	vmul.f32 v39, v4;
	v56 =	vadd.f32 $0.0e+00, v42;
	v42 =	vld [tilespmem:s24+$0xFFFFFFB0]  }
0x150: {  	v41 =	vmul.f32 v41, v4;
	v35 =	vadd.f32 $0.0e+00, v35;
	v17 =	vmul.f32 v17, v16;
	v16 =	vld [tilespmem:s24+$0x80]  }
0x151: {  	v0 =	vadd.f32 $0.0e+00, v0;
	v39 =	vadd.f32 v39, v56;
	v56 =	vmul.f32 v15, v8;
	v15 =	vld [tilespmem:s19+$0x50]  }
0x152: {  	v49 =	vadd.f32 v46, v35;
	v35 =	vld [tilespmem:s19+$0x40]  }
0x153: {  	v37 =	vmul.f32 v37, v4;
	v0 =	vadd.f32 v41, v0;
	v41 =	vld [tilespmem:s19+$0x30]  }
0x154: {  	v38 =	vmul.f32 v38, v5;
	v46 =	vld [tilespmem:s24+$0xA0]  }
0x155: {  	v36 =	vmul.f32 v36, v5;
	v37 =	vadd.f32 v37, v44;
	v44 =	vld [tilespmem:s19+$0xFFFFFF30]  }
0x156: {  	v0 =	vadd.f32 v38, v0;
	v38 =	vld [tilespmem:s16+$0xFFFFFF70]  }
0x157: {  	v34 =	vmul.f32 v34, v6;
	v59 =	vadd.f32 v36, v39;
	v36 =	vld [tilespmem:s19+$0xFFFFFFC0]  }
0x158: {  	s14 =	sadd.s32 $0x3, s17;
	v37 =	vadd.f32 v45, v37;
	v53 =	vadd.f32 v50, v49;
	v39 =	vld [tilespmem:s19+$0xFFFFFF40]  }
0x159: {  	v45 =	vmov s14;
	v49 =	vlaneseq.u32;
	v50 =	vld [tilespmem:s24+$0xFFFFFFA0];
	v0 =	vadd.f32 v34, v0  }
0x15a: {  	vm15 =	veq.s32 v45, v49;
	v45 =	vld [tilespmem:s24+$0x20];
	v34 =	vadd.f32 v63, v59  }
0x15b: {  	v33 =	vmul.f32 v33, v8;
	v51 =	vadd.f32 v47, v37;
	v37 =	vld [tilespmem:s19+$0xB0];
	v0 =	vadd.f32 v57, v0  }
0x15c: {  	v47 =	vld [tilespmem:s19+$0xA0]  }
0x15d: {  	v48 =	vadd.f32 v58, v34;
	v34 =	vld [tilespmem:s19+$0xC0];
	v0 =	vadd.f32 v33, v0  }
0x15e: {  	v59 =	vmul.f32 v38, v40;
	v38 =	vld [tilespmem:s24+$0xFFFFFF40]  }
0x15f: {  	s30 =	sadd.s32 $0x1, s17;
	v40 =	vld [tilespmem:s24+$0x30];
	v0 =	vadd.f32 v3, v0;
	v3 =	vadd.f32 v55, v48  }
0x160: {  	v55 =	vadd.f32 v52, v51;
	v48 =	vmov s30;
	v51 =	vld [tilespmem:s19+$0xFFFFFFA0]  }
0x161: {  	v52 =	vld [tilespmem:s24+$0x90];
	v57 =	vadd.f32 v9, v3;
	v3 =	vadd.f32 v54, v53;
	v9 =	vmul.f32 v14, v7  }
0x162: {  	v13 =	vmul.f32 v13, v61;
	vm13 =	veq.s32 v48, v49;
	v48 =	vld [tilespmem:s24+$0xFFFFFF30];
	v58 =	vadd.f32 v56, v55  }
0x163: {  	v0 =	vadd.f32 v1, v0;
	v14 =	vld [tilespmem:s24+$0xFFFFFFD0];
	v60 =	vadd.f32 v9, v3;
	v3 =	vmul.f32 v12, v8  }
0x164: {  	v53 =	vld [tilespmem:s19+$0x90];
	v1 =	vadd.f32 v2, v57;
	v12 =	vadd.f32 v13, v58;
	v13 =	vmul.f32 v59, v62  }
0x165: {  	v54 =	vld [tilespmem:s24+$0xFFFFFF20];
	v2 =	vadd.f32 v3, v60;
	v3 =	vmul.f32 v11, v61;
	v11 =	vmul.f32 v23, v18  }
0x166: {  	v55 =	vld [tilespmem:s19+$0xFFFFFF20];
	(xrf2) =	vadd.scan.msk.f32 $0xffff, v0;
	v12 =	vadd.f32 v13, v12  }
0x167: {  	v56 =	vld [tilespmem:s24+$0x10];
	(xrf2) =	vadd.scan.msk.f32 $0xffff, v1;
	v2 =	vadd.f32 v3, v2;
	v3 =	vmul.f32 v11, v62  }
0x168: {  	v0 =	vld [tilespmem:s19+$0xFFFFFFD0];
	(xrf2) =	vadd.scan.msk.f32 $0xffff, v12  }
0x169: {  	v9 =	vld [tilespmem:s24+$0xC0];
	v2 =	vadd.f32 v3, v2  }
0x16a: {  	v57 =	vld [tilespmem:s19+$0x10]  }
0x16b: {  	v58 =	vld [tilespmem:s24+$0xFFFFFF90];
	(xrf2) =	vadd.scan.msk.f32 $0xffff, v2  }
0x16c: {  	v23 =	vld [tilespmem:s24+$0x40]  }
0x16d: {  	v60 =	vld [tilespmem:s19+$0x80]  }
0x16e: {  	v3 =	vld [tilespmem:s24+$0xFFFFFFC0]  }
0x16f: {  	s11 =	sadd.s32 $0x2, s17;
	v1 =	vld [tilespmem:s24+$0xFFFFFF50]  }
0x170: {  	v19 =	vmul.f32 v22, v19;
	v63 =	vmov s11;
	v18 =	vld [tilespmem:s19+$0xFFFFFF50];
	v11, _, _ =	vpop (xrf2)  }
0x171: {  	v22 =	vmul.f32 v28, v26;
	vm14 =	veq.s32 v63, v49;
	v28 =	vmul.f32 v35, v23;
	v2 =	vld [tilespmem:s24+$0xB0];
	v12, _, _ =	vpop (xrf2)  }
0x172: {  	v59 =	vld [tilespmem:s19+$0xFFFFFF90];
	v13 =	vmov s17;
	v35 =	vmul.f32 v60, v16;
	v11 =	vbroadcast v11, $0xF;
	v61, _, _ =	vpop (xrf2)  }
0x173: {  	vm0 =	veq.s32 v13, v49;
	v49 =	vld [tilespmem:s19+$0x20];
	v26 =	vmul.f32 v36, v3;
	v33 =	vbroadcast v61, $0xF  }
0x174: {  	v63 =	vmov v62;
	v62 =	vld [tilespmem:s19+$0xFFFFFF10];
	v36 =	vmul.f32 v51, v50;
	v12 =	vbroadcast v12, $0xF  }
0x175: {  	v23 =	vld [tilespmem:s19+$0xFFFFFF00];
	v10 =	vsel vm0, v33, v10;
	v33 =	vmul.f32 v15, v20;
	v15 =	vmul.f32 v18, v1;
	v13, _, _ =	vpop (xrf2)  }
0x176: {  	v3 =	vld [tilespmem:s24+$0xFFFFFF00];
	v20 =	vmul.f32 v37, v2;
	v10 =	vsel vm13, v12, v10;
	v12 =	vbroadcast v13, $0xF  }
0x177: {  	v61 =	vld [tilespmem:s24+$0xFFFFFF10];
	v10 =	vsel vm14, v11, v10;
	v11 =	vmul.f32 v24, v21;
	v21 =	vmul.f32 v30, v27  }
0x178: {  	v1 =	vld [tilespmem:s19+$0x0];
	v13 =	vmul.f32 v25, v29;
	v24 =	vmul.f32 v0, v14  }
0x179: {  	v2 =	vld [tilespmem:s19+$0xFFFFFF80];
	v14 =	vmul.f32 v34, v9;
	v25 =	vmul.f32 v39, v38  }
0x17a: {  	v0 =	vld [tilespmem:s24+$0x0];
	v34 =	vmul.f32 v41, v40;
	v27 =	vmul.f32 v43, v42  }
0x17b: {  	p0 =	sne.s32 s28, $0xC;
	v9 =	vld [tilespmem:s24+$0xFFFFFF80];
	v29 =	vmul.f32 v47, v46;
	v38 =	vmul.f32 v49, v45  }
.Ltmp2:
0x17c: {  	v30 =	vmul.f32 v55, v54;
	v41 =	vmul.f32 v57, v56;
	(pc) =	sbr.rel @p0 .LBB2_7-.Ltmp2, $4  }
0x17d: {  	v60 =	vld [tilespmem:$0x1FFD0];
	v39 =	vmul.f32 v59, v58;
	v40 =	vmul.f32 v23, v3  }
0x17e: {  	v18 =	vld [tilespmem:s24+$0xF0];
	v37 =	vmul.f32 v62, v61;
	v10 =	vsel vm15, v12, v10;
	v12 =	vmul.f32 v32, v31  }
0x17f: {  	s3 =	smov.u32 s24;
	s16 =	smov.u32 s19;
	v23 =	vld [tilespmem:s19+$0xF0];
	v32 =	vmul.f32 v44, v48;
	v31 =	vmul.f32 v53, v52  }
0x180: {  	s17 =	smov.u32 s28;
	s28 =	sadd.s32 $0x4, s28;
	s24 =	sadd.s32 $0x200, s24;
	v62 =	vmov v63;
	v61 =	vld [tilespmem:$0x1FFE0];
	v43 =	vmul.f32 v1, v0;
	v42 =	vmul.f32 v2, v9  }
0x181: {  	v1 =	vmul.f32 v17, v62  }
0x182: {  	v2 =	vmul.f32 v19, v62;
	v9 =	vmul.f32 v41, v4  }
0x183: {  	v53 =	vmul.f32 v33, v8;
	v54 =	vmul.f32 v24, v8  }
0x184: {  	v55 =	vmul.f32 v39, v4;
	v0 =	vmul.f32 v43, v60  }
0x185: {  	v56 =	vmul.f32 v28, v7;
	v58 =	vmul.f32 v36, v5  }
0x186: {  	v26 =	vmul.f32 v26, v7;
	v59 =	vmul.f32 v37, v4;
	v0 =	vadd.f32 $0.0e+00, v0  }
0x187: {  	v36 =	vmul.f32 v30, v5;
	v52 =	vmul.f32 v42, v60  }
0x188: {  	v57 =	vmul.f32 v40, v60;
	v0 =	vadd.f32 v9, v0;
	v9 =	vmul.f32 v38, v5  }
0x189: {  	v20 =	vmul.f32 v20, v6;
	v35 =	vmul.f32 v35, v60;
	v17 =	vadd.f32 $0.0e+00, v52  }
0x18a: {  	v28 =	vadd.f32 $0.0e+00, v57;
	v0 =	vadd.f32 v9, v0;
	v9 =	vmul.f32 v34, v6  }
0x18b: {  	v14 =	vmul.f32 v14, v7;
	v37 =	vadd.f32 $0.0e+00, v35;
	v17 =	vadd.f32 v55, v17  }
0x18c: {  	v40 =	vmul.f32 v32, v6;
	v0 =	vadd.f32 v9, v0;
	v9 =	vadd.f32 v59, v28  }
0x18d: {  	v38 =	vmul.f32 v31, v4;
	v17 =	vadd.f32 v58, v17;
	v34 =	vmul.f32 v27, v6  }
0x18e: {  	v39 =	vld [tilespmem:s3+$0xFFFFFF70];
	v42 =	vmul.f32 v29, v5;
	v0 =	vadd.f32 v56, v0;
	v9 =	vadd.f32 v36, v9  }
0x18f: {  	v41 =	vld [tilespmem:s16+$0xFFFFFF70];
	v3 =	vmul.f32 v22, v61;
	v22 =	vadd.f32 v38, v37;
	v17 =	vadd.f32 v34, v17  }
0x190: {  	v43 =	vmul.f32 v25, v7;
	v0 =	vadd.f32 v53, v0;
	v9 =	vadd.f32 v40, v9  }
0x191: {  	v12 =	vmul.f32 v12, v8;
	v44 =	vadd.f32 v42, v22;
	v17 =	vadd.f32 v26, v17  }
0x192: {  	v0 =	vadd.f32 v3, v0;
	v3 =	vadd.f32 v43, v9;
	v9 =	vmul.f32 v15, v8  }
0x193: {  	v16 =	vmul.f32 v21, v61;
	v46 =	vadd.f32 v20, v44;
	v17 =	vadd.f32 v54, v17  }
0x194: {  	v47 =	vmul.f32 v41, v39;
	v3 =	vadd.f32 v9, v3;
	v9 =	vmul.f32 v13, v61  }
0x195: {  	v49 =	vmul.f32 v23, v18;
	v48 =	vadd.f32 v14, v46;
	v45 =	vadd.f32 v16, v17  }
0x196: {  	v0 =	vadd.f32 v1, v0;
	v3 =	vadd.f32 v9, v3;
	v9 =	vmul.f32 v47, v62  }
0x197: {  	v11 =	vmul.f32 v11, v61;
	v2 =	vadd.f32 v2, v45;
	v1 =	vadd.f32 v12, v48  }
0x198: {  	(xrf2) =	vadd.scan.msk.f32 $0xffff, v0;
	v50 =	vadd.f32 v9, v3  }
0x199: {  	v51 =	vmul.f32 v49, v62;
	v1 =	vadd.f32 v11, v1;
	(xrf2) =	vadd.scan.msk.f32 $0xffff, v2  }
0x19a: {  	(xrf2) =	vadd.scan.msk.f32 $0xffff, v50  }
0x19b: {  	v52 =	vadd.f32 v51, v1;
	_ =	sdelay $0x1  }
0x19c: {  	(xrf2) =	vadd.scan.msk.f32 $0xffff, v52;
	_ =	sdelay $0x4  }
0x19d: {  	v53, _, _ =	vpop (xrf2)  }
0x19e: {  	v54, _, _ =	vpop (xrf2)  }
0x19f: {  	s14 =	sadd.s32 $0x1, s17;
	v55 =	vmov s17;
	v56 =	vlaneseq.u32;
	v3, _, _ =	vpop (xrf2)  }
0x1a0: {  	s11 =	sadd.s32 $0x3, s17;
	v57 =	vmov s14;
	vm0 =	veq.s32 v55, v56;
	v3 =	vbroadcast v3, $0xF  }
0x1a1: {  	s28 =	sadd.s32 $0x2, s17;
	v59 =	vld [tilespmem:$0x1FFC0];
	vm13 =	veq.s32 v57, v56;
	v11 =	vmov s11;
	v1 =	vbroadcast v54, $0xF  }
0x1a2: {  	v9 =	vmov s28;
	v0 =	vbroadcast v53, $0xF;
	v58, _, _ =	vpop (xrf2);
	v3 =	vsel vm0, v3, v10  }
0x1a3: {  	vm14 =	veq.s32 v9, v56;
	v2 =	vbroadcast v58, $0xF;
	v1 =	vsel vm13, v1, v3  }
0x1a4: {  	vm15 =	veq.s32 v11, v56;
	v0 =	vsel vm14, v0, v1  }
0x1a5: {  	v0 =	vsel vm15, v2, v0  }
0x1a6: {  	v0 =	vadd.f32 v0, v59;
	_ =	sdelay $0x1  }
0x1a7: {  	v0 =	vsub.f32 $0.0e+00, v0;
	_ =	sdelay $0x1  }
0x1a8: {  	v0 =	vmul.f32 $1.442695020e+00, v0;
	_ =	sdelay $0x1  }
0x1a9: {  	(erf) = vpow2.f32 v0;
	_ =	sdelay $0x8  }
0x1aa: {  	v0 =	vpop (erf)  }
0x1ab: {  	v0 =	vadd.f32 $1.000000000e+00, v0;
	_ =	sdelay $0x1  }
0x1ac: {  	(erf) = vrcp.f32 v0;
	_ =	sdelay $0x3  }
0x1ad: {  	s30 =	sshll.u32 s4, $0x4;
	s4 =	sadd.s32 $0x1, s4  }
0x1ae: {  	p0 =	sne.s32 s4, $0x8  }
.Ltmp3:
0x1af: {  	_ = 	snop;
	(pc) =	sbr.rel @p0 .LBB2_6-.Ltmp3, $3  }
0x1b0: {  	_ =	sdelay $0x1  }
0x1b1: {  	s3 =	sand.u32 $0x3FFFFFF0, s30;
	v0 =	vpop (erf)  }
0x1b2: {  	s23 =	sadd.s32 $0x800, s23;
	s29 =	sadd.s32 $0x800, s29;
	[tilespmem:s3+$0x10480] =	vst v0  }
0x1b3: {  	s3 =	simm.s32 $0x180  }
0x1b4: {  	[tilespmem:s18], [sflag:$0x2] =	stream.indirect.gather [hbm4b:s1+s13], $0x80, s3, s13, $0xb8;
	[tilespmem:$0x10700] =	vst v63  }
0x1b5: {  	s30 =	simm.s32 $0x380  }
0x1b6: {  	[tilespmem:s20], [sflag:$0x4] =	stream.indirect.gather [hbm4b:s2+s13], $0x80, s30, s13, $0xb8;
	[tilespmem:$0x10700] =	vst v63  }
0x1b7: {  	_ =	swait.ge [sflag:s21], $0x4000  }
0x1b8: {  	[sflag:s21] =	ssyncset.done $0x0  }
0x1b9: {  	[sflag:s21] =	ssyncadd.s32 $0xFFFFC000  }
0x1ba: {  	_ =	swait.ge [sflag:s22], $0x4000  }
0x1bb: {  	s4 =	simm.s32 $0x0;
	[sflag:s22] =	ssyncset.done $0x0  }
0x1bc: {  	s16 =	simm.s32 $0x8500;
	s3 =	simm.s32 $0x500;
	[sflag:s22] =	ssyncadd.s32 $0xFFFFC000  }
.LBB2_10:
0x1bd: {  	v0 =	vld [tilespmem:s3+$0x70]  }
0x1be: {  	v1 =	vld [tilespmem:s16+$0x70]  }
0x1bf: {  	v2 =	vld [tilespmem:s3+$0xFFFFFFF0]  }
0x1c0: {  	v3 =	vld [tilespmem:s16+$0xFFFFFFF0]  }
0x1c1: {  	v9 =	vld [tilespmem:s3+$0xE0]  }
0x1c2: {  	v10 =	vld [tilespmem:s16+$0xE0]  }
0x1c3: {  	v11 =	vld [tilespmem:s3+$0x60]  }
0x1c4: {  	v12 =	vld [tilespmem:s16+$0x60]  }
0x1c5: {  	v13 =	vld [tilespmem:s3+$0xFFFFFFE0]  }
0x1c6: {  	v14 =	vld [tilespmem:s16+$0xFFFFFFE0]  }
0x1c7: {  	v15 =	vld [tilespmem:s3+$0xD0]  }
0x1c8: {  	v16 =	vld [tilespmem:s16+$0xD0]  }
0x1c9: {  	v18 =	vld [tilespmem:s3+$0xFFFFFF60]  }
0x1ca: {  	v20 =	vld [tilespmem:s16+$0xFFFFFF60]  }
0x1cb: {  	v23 =	vld [tilespmem:s3+$0x50]  }
0x1cc: {  	v24 =	vld [tilespmem:s16+$0x50]  }
0x1cd: {  	v25 =	vld [tilespmem:s3+$0xFFFFFFD0]  }
0x1ce: {  	v26 =	vld [tilespmem:s16+$0xFFFFFFD0]  }
0x1cf: {  	v27 =	vld [tilespmem:s3+$0xC0]  }
0x1d0: {  	v28 =	vld [tilespmem:s16+$0xC0]  }
0x1d1: {  	v29 =	vld [tilespmem:s3+$0xFFFFFF50]  }
0x1d2: {  	v30 =	vld [tilespmem:s16+$0xFFFFFF50]  }
0x1d3: {  	v31 =	vld [tilespmem:s3+$0x40]  }
0x1d4: {  	v32 =	vld [tilespmem:s16+$0x40]  }
0x1d5: {  	v34 =	vld [tilespmem:s3+$0xFFFFFFC0]  }
0x1d6: {  	v35 =	vld [tilespmem:s16+$0xFFFFFFC0]  }
0x1d7: {  	v36 =	vld [tilespmem:s3+$0xB0]  }
0x1d8: {  	v37 =	vld [tilespmem:s16+$0xB0]  }
0x1d9: {  	v38 =	vld [tilespmem:s3+$0xFFFFFF40]  }
0x1da: {  	v39 =	vld [tilespmem:s16+$0xFFFFFF40]  }
0x1db: {  	v40 =	vld [tilespmem:s3+$0x30]  }
0x1dc: {  	v41 =	vld [tilespmem:s16+$0x30]  }
0x1dd: {  	v42 =	vld [tilespmem:s3+$0xFFFFFFB0]  }
0x1de: {  	v43 =	vld [tilespmem:s16+$0xFFFFFFB0]  }
0x1df: {  	v44 =	vld [tilespmem:s3+$0xA0]  }
0x1e0: {  	v45 =	vld [tilespmem:s16+$0xA0]  }
0x1e1: {  	v46 =	vld [tilespmem:s3+$0xFFFFFF30]  }
0x1e2: {  	v47 =	vld [tilespmem:s16+$0xFFFFFF30]  }
0x1e3: {  	v48 =	vld [tilespmem:s3+$0x20]  }
0x1e4: {  	v49 =	vld [tilespmem:s16+$0x20]  }
0x1e5: {  	v50 =	vld [tilespmem:s3+$0xFFFFFFA0]  }
0x1e6: {  	v51 =	vld [tilespmem:s16+$0xFFFFFFA0]  }
0x1e7: {  	v52 =	vld [tilespmem:s3+$0x90]  }
0x1e8: {  	v53 =	vld [tilespmem:s16+$0x90]  }
0x1e9: {  	v54 =	vld [tilespmem:s3+$0xFFFFFF20]  }
0x1ea: {  	v55 =	vld [tilespmem:s16+$0xFFFFFF20]  }
0x1eb: {  	v56 =	vld [tilespmem:s3+$0x10]  }
0x1ec: {  	v57 =	vld [tilespmem:s16+$0x10]  }
0x1ed: {  	v58 =	vld [tilespmem:s3+$0xFFFFFF90]  }
0x1ee: {  	v59 =	vld [tilespmem:s16+$0xFFFFFF90]  }
0x1ef: {  	v19 =	vmul.f32 v3, v2;
	v17 =	vmul.f32 v1, v0;
	v0 =	vld [tilespmem:s3+$0x80]  }
0x1f0: {  	v22 =	vmul.f32 v12, v11;
	v1 =	vld [tilespmem:s16+$0x80];
	v11 =	vmul.f32 v10, v9  }
0x1f1: {  	v2 =	vld [tilespmem:s3+$0xFFFFFF10];
	v21 =	vmul.f32 v14, v13;
	v12 =	vmul.f32 v16, v15  }
0x1f2: {  	v3 =	vld [tilespmem:s16+$0xFFFFFF10];
	v13 =	vmul.f32 v20, v18;
	v33 =	vmul.f32 v24, v23  }
0x1f3: {  	v24 =	vmul.f32 v26, v25;
	v9 =	vld [tilespmem:s3+$0x0];
	v14 =	vmul.f32 v28, v27  }
0x1f4: {  	v15 =	vmul.f32 v30, v29;
	v10 =	vld [tilespmem:s16+$0x0];
	v28 =	vmul.f32 v32, v31  }
0x1f5: {  	v16 =	vld [tilespmem:s3+$0xFFFFFF80];
	v26 =	vmul.f32 v35, v34;
	v20 =	vmul.f32 v37, v36  }
0x1f6: {  	v25 =	vmul.f32 v39, v38;
	v23 =	vld [tilespmem:s16+$0xFFFFFF80];
	v34 =	vmul.f32 v41, v40  }
0x1f7: {  	v40 =	vld [tilespmem:s3+$0xFFFFFF00];
	v27 =	vmul.f32 v43, v42;
	v29 =	vmul.f32 v45, v44  }
0x1f8: {  	v45 =	vld [tilespmem:s16+$0xFFFFFF00];
	v32 =	vmul.f32 v47, v46;
	v38 =	vmul.f32 v49, v48  }
0x1f9: {  	v36 =	vmul.f32 v51, v50;
	v31 =	vmul.f32 v53, v52  }
0x1fa: {  	v30 =	vmul.f32 v55, v54;
	v41 =	vmul.f32 v57, v56  }
0x1fb: {  	v39 =	vmul.f32 v59, v58;
	v35 =	vmul.f32 v1, v0  }
0x1fc: {  	s24 =	sadd.s32 $0x200, s3;
	s28 =	simm.s32 $0x4;
	s29 =	smov.u32 s16;
	v18 =	vld [tilespmem:s3+$0xF0];
	v37 =	vmul.f32 v3, v2;
	v43 =	vmul.f32 v10, v9  }
0x1fd: {  	s23 =	smov.u32 s3;
	s19 =	smov.u32 s16;
	s17 =	simm.s32 $0x0;
	v10 =	vimm.f32 $0.0e+00;
	v40 =	vmul.f32 v45, v40;
	v42 =	vmul.f32 v23, v16;
	v23 =	vld [tilespmem:s16+$0xF0]  }
.LBB2_11:
0x1fe: {  	v16 =	vld [tilespmem:s24+$0x70]  }
0x1ff: {  	v2 =	vmul.f32 v19, v62;
	v19 =	vld [tilespmem:s24+$0xFFFFFFF0]  }
0x200: {  	s29 =	sadd.s32 $0x200, s29;
	v57 =	vmul.f32 v26, v7;
	v26 =	vld [tilespmem:s24+$0x60]  }
0x201: {  	v1 =	vmul.f32 v17, v62;
	v17 =	vld [tilespmem:s29+$0x70]  }
0x202: {  	v54 =	vmul.f32 v24, v8;
	v24 =	vld [tilespmem:s29+$0xE0]  }
0x203: {  	v59 =	vmul.f32 v27, v6;
	v27 =	vld [tilespmem:s24+$0xFFFFFFE0]  }
0x204: {  	v45 =	vmul.f32 v30, v5;
	v30 =	vld [tilespmem:s29+$0xFFFFFFE0]  }
0x205: {  	v46 =	vmul.f32 v31, v4;
	v31 =	vld [tilespmem:s24+$0xD0]  }
0x206: {  	v47 =	vmul.f32 v32, v6;
	v32 =	vld [tilespmem:s29+$0xD0]  }
0x207: {  	v50 =	vmul.f32 v29, v5;
	v29 =	vld [tilespmem:s24+$0xFFFFFF60]  }
0x208: {  	v52 =	vmul.f32 v25, v7;
	v25 =	vld [tilespmem:s29+$0xFFFFFF60]  }
0x209: {  	v3 =	vmul.f32 v22, v61;
	v22 =	vld [tilespmem:s29+$0xFFFFFFF0]  }
0x20a: {  	v56 =	vmul.f32 v28, v7;
	v9 =	vmul.f32 v21, v61;
	v21 =	vld [tilespmem:s24+$0xE0]  }
0x20b: {  	v0 =	vmul.f32 v43, v60;
	v28 =	vmul.f32 v40, v60;
	v40 =	vld [tilespmem:s23+$0xFFFFFF70]  }
0x20c: {  	v42 =	vmul.f32 v42, v60;
	v35 =	vmul.f32 v35, v60;
	v43 =	vld [tilespmem:s29+$0xFFFFFFB0]  }
0x20d: {  	v44 =	vadd.f32 $0.0e+00, v28;
	v28 =	vld [tilespmem:s29+$0x60]  }
0x20e: {  	v55 =	vadd.f32 $0.0e+00, v42;
	v35 =	vadd.f32 $0.0e+00, v35;
	v42 =	vld [tilespmem:s24+$0xFFFFFFB0]  }
0x20f: {  	v41 =	vmul.f32 v41, v4;
	v0 =	vadd.f32 $0.0e+00, v0;
	v17 =	vmul.f32 v17, v16;
	v16 =	vld [tilespmem:s24+$0x80]  }
0x210: {  	v49 =	vadd.f32 v46, v35;
	v35 =	vld [tilespmem:s29+$0x40]  }
0x211: {  	v39 =	vmul.f32 v39, v4;
	v37 =	vmul.f32 v37, v4;
	v0 =	vadd.f32 v41, v0;
	v41 =	vld [tilespmem:s29+$0x30]  }
0x212: {  	v38 =	vmul.f32 v38, v5;
	v46 =	vld [tilespmem:s24+$0xA0]  }
0x213: {  	v36 =	vmul.f32 v36, v5;
	v39 =	vadd.f32 v39, v55;
	v37 =	vadd.f32 v37, v44;
	v44 =	vld [tilespmem:s29+$0xFFFFFF30]  }
0x214: {  	v0 =	vadd.f32 v38, v0;
	v38 =	vld [tilespmem:s19+$0xFFFFFF70]  }
0x215: {  	v58 =	vadd.f32 v36, v39;
	v36 =	vld [tilespmem:s29+$0xFFFFFFC0]  }
0x216: {  	s14 =	sadd.s32 $0x3, s17;
	v34 =	vmul.f32 v34, v6;
	v37 =	vadd.f32 v45, v37;
	v39 =	vld [tilespmem:s29+$0xFFFFFF40]  }
0x217: {  	v53 =	vadd.f32 v50, v49;
	v45 =	vmov s14;
	v49 =	vlaneseq.u32;
	v50 =	vld [tilespmem:s24+$0xFFFFFFA0]  }
0x218: {  	vm15 =	veq.s32 v45, v49;
	v45 =	vld [tilespmem:s24+$0x20]  }
0x219: {  	v0 =	vadd.f32 v34, v0;
	v51 =	vadd.f32 v47, v37;
	v37 =	vld [tilespmem:s29+$0xB0]  }
0x21a: {  	v34 =	vadd.f32 v59, v58;
	v47 =	vld [tilespmem:s29+$0xA0]  }
0x21b: {  	v33 =	vmul.f32 v33, v8;
	v0 =	vadd.f32 v56, v0;
	v56 =	vmul.f32 v15, v8;
	v15 =	vld [tilespmem:s29+$0x50]  }
0x21c: {  	v48 =	vadd.f32 v57, v34;
	v34 =	vld [tilespmem:s29+$0xC0]  }
0x21d: {  	v55 =	vadd.f32 v52, v51;
	v51 =	vld [tilespmem:s29+$0xFFFFFFA0];
	v0 =	vadd.f32 v33, v0  }
0x21e: {  	v52 =	vld [tilespmem:s24+$0x90];
	v59 =	vmul.f32 v38, v40  }
0x21f: {  	s30 =	sadd.s32 $0x1, s17;
	v38 =	vld [tilespmem:s24+$0xFFFFFF40];
	v0 =	vadd.f32 v3, v0;
	v3 =	vadd.f32 v54, v48;
	v54 =	vmul.f32 v20, v6  }
0x220: {  	v40 =	vld [tilespmem:s24+$0x30];
	v58 =	vadd.f32 v56, v55;
	v48 =	vmov s30  }
0x221: {  	v55 =	vld [tilespmem:s29+$0xFFFFFF20];
	v57 =	vadd.f32 v9, v3;
	v3 =	vadd.f32 v54, v53;
	v9 =	vmul.f32 v14, v7  }
0x222: {  	v13 =	vmul.f32 v13, v61;
	v56 =	vld [tilespmem:s24+$0x10];
	vm13 =	veq.s32 v48, v49  }
0x223: {  	v20 =	vld [tilespmem:s24+$0x50];
	v0 =	vadd.f32 v1, v0;
	v60 =	vadd.f32 v9, v3;
	v3 =	vmul.f32 v12, v8  }
0x224: {  	v48 =	vld [tilespmem:s24+$0xFFFFFF30];
	v1 =	vadd.f32 v2, v57;
	v12 =	vadd.f32 v13, v58;
	v13 =	vmul.f32 v59, v62  }
0x225: {  	v14 =	vld [tilespmem:s24+$0xFFFFFFD0];
	v2 =	vadd.f32 v3, v60;
	v3 =	vmul.f32 v11, v61;
	v11 =	vmul.f32 v23, v18  }
0x226: {  	v53 =	vld [tilespmem:s29+$0x90];
	(xrf2) =	vadd.scan.msk.f32 $0xffff, v0;
	v12 =	vadd.f32 v13, v12  }
0x227: {  	v54 =	vld [tilespmem:s24+$0xFFFFFF20];
	(xrf2) =	vadd.scan.msk.f32 $0xffff, v1;
	v2 =	vadd.f32 v3, v2;
	v3 =	vmul.f32 v11, v62  }
0x228: {  	v0 =	vld [tilespmem:s29+$0xFFFFFFD0];
	(xrf2) =	vadd.scan.msk.f32 $0xffff, v12  }
0x229: {  	v9 =	vld [tilespmem:s24+$0xC0];
	v2 =	vadd.f32 v3, v2  }
0x22a: {  	v57 =	vld [tilespmem:s29+$0x10]  }
0x22b: {  	v58 =	vld [tilespmem:s24+$0xFFFFFF90];
	(xrf2) =	vadd.scan.msk.f32 $0xffff, v2  }
0x22c: {  	v23 =	vld [tilespmem:s24+$0x40]  }
0x22d: {  	v60 =	vld [tilespmem:s29+$0x80]  }
0x22e: {  	v3 =	vld [tilespmem:s24+$0xFFFFFFC0]  }
0x22f: {  	v1 =	vld [tilespmem:s24+$0xFFFFFF50]  }
0x230: {  	v19 =	vmul.f32 v22, v19;
	v18 =	vld [tilespmem:s29+$0xFFFFFF50];
	v13 =	vmov s17;
	v11, _, _ =	vpop (xrf2)  }
0x231: {  	s11 =	sadd.s32 $0x2, s17;
	v22 =	vmul.f32 v28, v26;
	vm0 =	veq.s32 v13, v49;
	v28 =	vmul.f32 v35, v23;
	v2 =	vld [tilespmem:s24+$0xB0];
	v12, _, _ =	vpop (xrf2)  }
0x232: {  	v59 =	vld [tilespmem:s29+$0xFFFFFF90];
	v62 =	vmov s11;
	v35 =	vmul.f32 v60, v16;
	v11 =	vbroadcast v11, $0xF;
	v61, _, _ =	vpop (xrf2)  }
0x233: {  	vm14 =	veq.s32 v62, v49;
	v49 =	vld [tilespmem:s29+$0x20];
	v26 =	vmul.f32 v36, v3;
	v33 =	vbroadcast v61, $0xF  }
0x234: {  	v62 =	vld [tilespmem:s29+$0xFFFFFF10];
	v36 =	vmul.f32 v51, v50;
	v12 =	vbroadcast v12, $0xF  }
0x235: {  	v23 =	vld [tilespmem:s29+$0xFFFFFF00];
	v10 =	vsel vm0, v33, v10;
	v33 =	vmul.f32 v15, v20;
	v15 =	vmul.f32 v18, v1;
	v13, _, _ =	vpop (xrf2)  }
0x236: {  	v3 =	vld [tilespmem:s24+$0xFFFFFF00];
	v20 =	vmul.f32 v37, v2;
	v10 =	vsel vm13, v12, v10;
	v12 =	vbroadcast v13, $0xF  }
0x237: {  	v61 =	vld [tilespmem:s24+$0xFFFFFF10];
	v10 =	vsel vm14, v11, v10;
	v11 =	vmul.f32 v24, v21;
	v21 =	vmul.f32 v30, v27  }
0x238: {  	v1 =	vld [tilespmem:s29+$0x0];
	v13 =	vmul.f32 v25, v29;
	v24 =	vmul.f32 v0, v14  }
0x239: {  	v2 =	vld [tilespmem:s29+$0xFFFFFF80];
	v14 =	vmul.f32 v34, v9;
	v25 =	vmul.f32 v39, v38  }
0x23a: {  	v0 =	vld [tilespmem:s24+$0x0];
	v34 =	vmul.f32 v41, v40;
	v27 =	vmul.f32 v43, v42  }
0x23b: {  	p0 =	sne.s32 s28, $0xC;
	v9 =	vld [tilespmem:s24+$0xFFFFFF80];
	v29 =	vmul.f32 v47, v46;
	v38 =	vmul.f32 v49, v45  }
.Ltmp4:
0x23c: {  	v30 =	vmul.f32 v55, v54;
	v41 =	vmul.f32 v57, v56;
	(pc) =	sbr.rel @p0 .LBB2_11-.Ltmp4, $4  }
0x23d: {  	v60 =	vld [tilespmem:$0x1FFD0];
	v39 =	vmul.f32 v59, v58;
	v40 =	vmul.f32 v23, v3  }
0x23e: {  	v18 =	vld [tilespmem:s24+$0xF0];
	v37 =	vmul.f32 v62, v61;
	v10 =	vsel vm15, v12, v10;
	v12 =	vmul.f32 v32, v31  }
0x23f: {  	s23 =	smov.u32 s24;
	s19 =	smov.u32 s29;
	v23 =	vld [tilespmem:s29+$0xF0];
	v32 =	vmul.f32 v44, v48;
	v31 =	vmul.f32 v53, v52  }
0x240: {  	s17 =	smov.u32 s28;
	s28 =	sadd.s32 $0x4, s28;
	s24 =	sadd.s32 $0x200, s24;
	v62 =	vmov v63;
	v61 =	vld [tilespmem:$0x1FFE0];
	v43 =	vmul.f32 v1, v0;
	v42 =	vmul.f32 v2, v9  }
0x241: {  	v1 =	vmul.f32 v17, v62  }
0x242: {  	v2 =	vmul.f32 v19, v62;
	v9 =	vmul.f32 v41, v4  }
0x243: {  	v53 =	vmul.f32 v33, v8;
	v54 =	vmul.f32 v24, v8  }
0x244: {  	v55 =	vmul.f32 v39, v4;
	v0 =	vmul.f32 v43, v60  }
0x245: {  	v56 =	vmul.f32 v28, v7;
	v58 =	vmul.f32 v36, v5  }
0x246: {  	v26 =	vmul.f32 v26, v7;
	v59 =	vmul.f32 v37, v4;
	v0 =	vadd.f32 $0.0e+00, v0  }
0x247: {  	v36 =	vmul.f32 v30, v5;
	v52 =	vmul.f32 v42, v60  }
0x248: {  	v57 =	vmul.f32 v40, v60;
	v0 =	vadd.f32 v9, v0;
	v9 =	vmul.f32 v38, v5  }
0x249: {  	v20 =	vmul.f32 v20, v6;
	v35 =	vmul.f32 v35, v60;
	v17 =	vadd.f32 $0.0e+00, v52  }
0x24a: {  	v28 =	vadd.f32 $0.0e+00, v57;
	v0 =	vadd.f32 v9, v0;
	v9 =	vmul.f32 v34, v6  }
0x24b: {  	v14 =	vmul.f32 v14, v7;
	v37 =	vadd.f32 $0.0e+00, v35;
	v17 =	vadd.f32 v55, v17  }
0x24c: {  	v40 =	vmul.f32 v32, v6;
	v0 =	vadd.f32 v9, v0;
	v9 =	vadd.f32 v59, v28  }
0x24d: {  	v38 =	vmul.f32 v31, v4;
	v17 =	vadd.f32 v58, v17;
	v34 =	vmul.f32 v27, v6  }
0x24e: {  	v39 =	vld [tilespmem:s23+$0xFFFFFF70];
	v42 =	vmul.f32 v29, v5;
	v0 =	vadd.f32 v56, v0;
	v9 =	vadd.f32 v36, v9  }
0x24f: {  	v41 =	vld [tilespmem:s19+$0xFFFFFF70];
	v3 =	vmul.f32 v22, v61;
	v22 =	vadd.f32 v38, v37;
	v17 =	vadd.f32 v34, v17  }
0x250: {  	v43 =	vmul.f32 v25, v7;
	v0 =	vadd.f32 v53, v0;
	v9 =	vadd.f32 v40, v9  }
0x251: {  	v12 =	vmul.f32 v12, v8;
	v44 =	vadd.f32 v42, v22;
	v17 =	vadd.f32 v26, v17  }
0x252: {  	v0 =	vadd.f32 v3, v0;
	v3 =	vadd.f32 v43, v9;
	v9 =	vmul.f32 v15, v8  }
0x253: {  	v16 =	vmul.f32 v21, v61;
	v46 =	vadd.f32 v20, v44;
	v17 =	vadd.f32 v54, v17  }
0x254: {  	v47 =	vmul.f32 v41, v39;
	v3 =	vadd.f32 v9, v3;
	v9 =	vmul.f32 v13, v61  }
0x255: {  	v49 =	vmul.f32 v23, v18;
	v48 =	vadd.f32 v14, v46;
	v45 =	vadd.f32 v16, v17  }
0x256: {  	v0 =	vadd.f32 v1, v0;
	v3 =	vadd.f32 v9, v3;
	v9 =	vmul.f32 v47, v62  }
0x257: {  	v11 =	vmul.f32 v11, v61;
	v2 =	vadd.f32 v2, v45;
	v1 =	vadd.f32 v12, v48  }
0x258: {  	(xrf2) =	vadd.scan.msk.f32 $0xffff, v0;
	v50 =	vadd.f32 v9, v3  }
0x259: {  	v51 =	vmul.f32 v49, v62;
	v1 =	vadd.f32 v11, v1;
	(xrf2) =	vadd.scan.msk.f32 $0xffff, v2  }
0x25a: {  	(xrf2) =	vadd.scan.msk.f32 $0xffff, v50  }
0x25b: {  	v52 =	vadd.f32 v51, v1;
	_ =	sdelay $0x1  }
0x25c: {  	(xrf2) =	vadd.scan.msk.f32 $0xffff, v52;
	_ =	sdelay $0x4  }
0x25d: {  	v53, _, _ =	vpop (xrf2)  }
0x25e: {  	v54, _, _ =	vpop (xrf2)  }
0x25f: {  	s29 =	sadd.s32 $0x1, s17;
	v55 =	vmov s17;
	v56 =	vlaneseq.u32;
	v3, _, _ =	vpop (xrf2)  }
0x260: {  	s14 =	sadd.s32 $0x3, s17;
	v57 =	vmov s29;
	vm0 =	veq.s32 v55, v56;
	v3 =	vbroadcast v3, $0xF  }
0x261: {  	s11 =	sadd.s32 $0x2, s17;
	v59 =	vld [tilespmem:$0x1FFC0];
	vm13 =	veq.s32 v57, v56;
	v11 =	vmov s14;
	v1 =	vbroadcast v54, $0xF  }
0x262: {  	v9 =	vmov s11;
	v0 =	vbroadcast v53, $0xF;
	v58, _, _ =	vpop (xrf2);
	v3 =	vsel vm0, v3, v10  }
0x263: {  	vm14 =	veq.s32 v9, v56;
	v2 =	vbroadcast v58, $0xF;
	v1 =	vsel vm13, v1, v3  }
0x264: {  	vm15 =	veq.s32 v11, v56;
	v0 =	vsel vm14, v0, v1  }
0x265: {  	v0 =	vsel vm15, v2, v0  }
0x266: {  	v0 =	vadd.f32 v0, v59;
	_ =	sdelay $0x1  }
0x267: {  	v0 =	vsub.f32 $0.0e+00, v0;
	_ =	sdelay $0x1  }
0x268: {  	v0 =	vmul.f32 $1.442695020e+00, v0;
	_ =	sdelay $0x1  }
0x269: {  	(erf) = vpow2.f32 v0;
	_ =	sdelay $0x8  }
0x26a: {  	v0 =	vpop (erf)  }
0x26b: {  	v0 =	vadd.f32 $1.000000000e+00, v0;
	_ =	sdelay $0x1  }
0x26c: {  	(erf) = vrcp.f32 v0;
	_ =	sdelay $0x3  }
0x26d: {  	s30 =	sshll.u32 s4, $0x4;
	s4 =	sadd.s32 $0x1, s4  }
0x26e: {  	p0 =	sne.s32 s4, $0x8  }
.Ltmp5:
0x26f: {  	_ = 	snop;
	(pc) =	sbr.rel @p0 .LBB2_10-.Ltmp5, $3  }
0x270: {  	_ =	sdelay $0x1  }
0x271: {  	s11 =	sand.u32 $0x3FFFFFF0, s30;
	v0 =	vpop (erf)  }
0x272: {  	s3 =	sadd.s32 $0x800, s3;
	s16 =	sadd.s32 $0x800, s16;
	[tilespmem:s11+$0x10500] =	vst v0  }
0x273: {  	_ =	swait.ge [sflag:s25], $0x4000  }
0x274: {  	[sflag:s25] =	ssyncset.done $0x0  }
0x275: {  	[sflag:s25] =	ssyncadd.s32 $0xFFFFC000  }
0x276: {  	_ =	swait.ge [sflag:s26], $0x4000  }
0x277: {  	s4 =	simm.s32 $0x0;
	[sflag:s26] =	ssyncset.done $0x0  }
0x278: {  	s3 =	simm.s32 $0x4500;
	s16 =	simm.s32 $0xC500;
	[sflag:s26] =	ssyncadd.s32 $0xFFFFC000  }
.LBB2_14:
0x279: {  	v0 =	vld [tilespmem:s3+$0x70]  }
0x27a: {  	v1 =	vld [tilespmem:s16+$0x70]  }
0x27b: {  	v2 =	vld [tilespmem:s3+$0xFFFFFFF0]  }
0x27c: {  	v3 =	vld [tilespmem:s16+$0xFFFFFFF0]  }
0x27d: {  	v9 =	vld [tilespmem:s3+$0xE0]  }
0x27e: {  	v10 =	vld [tilespmem:s16+$0xE0]  }
0x27f: {  	v11 =	vld [tilespmem:s3+$0x60]  }
0x280: {  	v12 =	vld [tilespmem:s16+$0x60]  }
0x281: {  	v13 =	vld [tilespmem:s3+$0xFFFFFFE0]  }
0x282: {  	v14 =	vld [tilespmem:s16+$0xFFFFFFE0]  }
0x283: {  	v15 =	vld [tilespmem:s3+$0xD0]  }
0x284: {  	v16 =	vld [tilespmem:s16+$0xD0]  }
0x285: {  	v18 =	vld [tilespmem:s3+$0xFFFFFF60]  }
0x286: {  	v20 =	vld [tilespmem:s16+$0xFFFFFF60]  }
0x287: {  	v23 =	vld [tilespmem:s3+$0x50]  }
0x288: {  	v24 =	vld [tilespmem:s16+$0x50]  }
0x289: {  	v25 =	vld [tilespmem:s3+$0xFFFFFFD0]  }
0x28a: {  	v26 =	vld [tilespmem:s16+$0xFFFFFFD0]  }
0x28b: {  	v27 =	vld [tilespmem:s3+$0xC0]  }
0x28c: {  	v28 =	vld [tilespmem:s16+$0xC0]  }
0x28d: {  	v29 =	vld [tilespmem:s3+$0xFFFFFF50]  }
0x28e: {  	v30 =	vld [tilespmem:s16+$0xFFFFFF50]  }
0x28f: {  	v31 =	vld [tilespmem:s3+$0x40]  }
0x290: {  	v32 =	vld [tilespmem:s16+$0x40]  }
0x291: {  	v34 =	vld [tilespmem:s3+$0xFFFFFFC0]  }
0x292: {  	v35 =	vld [tilespmem:s16+$0xFFFFFFC0]  }
0x293: {  	v36 =	vld [tilespmem:s3+$0xB0]  }
0x294: {  	v37 =	vld [tilespmem:s16+$0xB0]  }
0x295: {  	v38 =	vld [tilespmem:s3+$0xFFFFFF40]  }
0x296: {  	v39 =	vld [tilespmem:s16+$0xFFFFFF40]  }
0x297: {  	v40 =	vld [tilespmem:s3+$0x30]  }
0x298: {  	v41 =	vld [tilespmem:s16+$0x30]  }
0x299: {  	v42 =	vld [tilespmem:s3+$0xFFFFFFB0]  }
0x29a: {  	v43 =	vld [tilespmem:s16+$0xFFFFFFB0]  }
0x29b: {  	v44 =	vld [tilespmem:s3+$0xA0]  }
0x29c: {  	v45 =	vld [tilespmem:s16+$0xA0]  }
0x29d: {  	v46 =	vld [tilespmem:s3+$0xFFFFFF30]  }
0x29e: {  	v47 =	vld [tilespmem:s16+$0xFFFFFF30]  }
0x29f: {  	v48 =	vld [tilespmem:s3+$0x20]  }
0x2a0: {  	v49 =	vld [tilespmem:s16+$0x20]  }
0x2a1: {  	v50 =	vld [tilespmem:s3+$0xFFFFFFA0]  }
0x2a2: {  	v51 =	vld [tilespmem:s16+$0xFFFFFFA0]  }
0x2a3: {  	v52 =	vld [tilespmem:s3+$0x90]  }
0x2a4: {  	v53 =	vld [tilespmem:s16+$0x90]  }
0x2a5: {  	v54 =	vld [tilespmem:s3+$0xFFFFFF20]  }
0x2a6: {  	v55 =	vld [tilespmem:s16+$0xFFFFFF20]  }
0x2a7: {  	v56 =	vld [tilespmem:s3+$0x10]  }
0x2a8: {  	v57 =	vld [tilespmem:s16+$0x10]  }
0x2a9: {  	v58 =	vld [tilespmem:s3+$0xFFFFFF90]  }
0x2aa: {  	v59 =	vld [tilespmem:s16+$0xFFFFFF90]  }
0x2ab: {  	v19 =	vmul.f32 v3, v2;
	v17 =	vmul.f32 v1, v0;
	v0 =	vld [tilespmem:s3+$0x80]  }
0x2ac: {  	v22 =	vmul.f32 v12, v11;
	v1 =	vld [tilespmem:s16+$0x80];
	v11 =	vmul.f32 v10, v9  }
0x2ad: {  	v2 =	vld [tilespmem:s3+$0xFFFFFF10];
	v21 =	vmul.f32 v14, v13;
	v12 =	vmul.f32 v16, v15  }
0x2ae: {  	v3 =	vld [tilespmem:s16+$0xFFFFFF10];
	v13 =	vmul.f32 v20, v18;
	v33 =	vmul.f32 v24, v23  }
0x2af: {  	v24 =	vmul.f32 v26, v25;
	v9 =	vld [tilespmem:s3+$0x0];
	v14 =	vmul.f32 v28, v27  }
0x2b0: {  	v15 =	vmul.f32 v30, v29;
	v10 =	vld [tilespmem:s16+$0x0];
	v28 =	vmul.f32 v32, v31  }
0x2b1: {  	v16 =	vld [tilespmem:s3+$0xFFFFFF80];
	v26 =	vmul.f32 v35, v34;
	v20 =	vmul.f32 v37, v36  }
0x2b2: {  	v25 =	vmul.f32 v39, v38;
	v23 =	vld [tilespmem:s16+$0xFFFFFF80];
	v34 =	vmul.f32 v41, v40  }
0x2b3: {  	v40 =	vld [tilespmem:s3+$0xFFFFFF00];
	v27 =	vmul.f32 v43, v42;
	v29 =	vmul.f32 v45, v44  }
0x2b4: {  	v45 =	vld [tilespmem:s16+$0xFFFFFF00];
	v32 =	vmul.f32 v47, v46;
	v38 =	vmul.f32 v49, v48  }
0x2b5: {  	v36 =	vmul.f32 v51, v50;
	v31 =	vmul.f32 v53, v52  }
0x2b6: {  	v30 =	vmul.f32 v55, v54;
	v41 =	vmul.f32 v57, v56  }
0x2b7: {  	v39 =	vmul.f32 v59, v58;
	v35 =	vmul.f32 v1, v0  }
0x2b8: {  	s24 =	sadd.s32 $0x200, s3;
	s28 =	simm.s32 $0x4;
	s29 =	smov.u32 s16;
	v18 =	vld [tilespmem:s3+$0xF0];
	v37 =	vmul.f32 v3, v2;
	v43 =	vmul.f32 v10, v9  }
0x2b9: {  	s23 =	smov.u32 s3;
	s19 =	smov.u32 s16;
	s17 =	simm.s32 $0x0;
	v10 =	vimm.f32 $0.0e+00;
	v40 =	vmul.f32 v45, v40;
	v42 =	vmul.f32 v23, v16;
	v23 =	vld [tilespmem:s16+$0xF0]  }
.LBB2_15:
0x2ba: {  	v16 =	vld [tilespmem:s24+$0x70]  }
0x2bb: {  	v2 =	vmul.f32 v19, v62;
	v19 =	vld [tilespmem:s24+$0xFFFFFFF0]  }
0x2bc: {  	s29 =	sadd.s32 $0x200, s29;
	v57 =	vmul.f32 v26, v7;
	v26 =	vld [tilespmem:s24+$0x60]  }
0x2bd: {  	v1 =	vmul.f32 v17, v62;
	v17 =	vld [tilespmem:s29+$0x70]  }
0x2be: {  	v54 =	vmul.f32 v24, v8;
	v24 =	vld [tilespmem:s29+$0xE0]  }
0x2bf: {  	v59 =	vmul.f32 v27, v6;
	v27 =	vld [tilespmem:s24+$0xFFFFFFE0]  }
0x2c0: {  	v45 =	vmul.f32 v30, v5;
	v30 =	vld [tilespmem:s29+$0xFFFFFFE0]  }
0x2c1: {  	v46 =	vmul.f32 v31, v4;
	v31 =	vld [tilespmem:s24+$0xD0]  }
0x2c2: {  	v47 =	vmul.f32 v32, v6;
	v32 =	vld [tilespmem:s29+$0xD0]  }
0x2c3: {  	v50 =	vmul.f32 v29, v5;
	v29 =	vld [tilespmem:s24+$0xFFFFFF60]  }
0x2c4: {  	v52 =	vmul.f32 v25, v7;
	v25 =	vld [tilespmem:s29+$0xFFFFFF60]  }
0x2c5: {  	v3 =	vmul.f32 v22, v61;
	v22 =	vld [tilespmem:s29+$0xFFFFFFF0]  }
0x2c6: {  	v56 =	vmul.f32 v28, v7;
	v9 =	vmul.f32 v21, v61;
	v21 =	vld [tilespmem:s24+$0xE0]  }
0x2c7: {  	v0 =	vmul.f32 v43, v60;
	v28 =	vmul.f32 v40, v60;
	v40 =	vld [tilespmem:s23+$0xFFFFFF70]  }
0x2c8: {  	v42 =	vmul.f32 v42, v60;
	v35 =	vmul.f32 v35, v60;
	v43 =	vld [tilespmem:s29+$0xFFFFFFB0]  }
0x2c9: {  	v44 =	vadd.f32 $0.0e+00, v28;
	v28 =	vld [tilespmem:s29+$0x60]  }
0x2ca: {  	v55 =	vadd.f32 $0.0e+00, v42;
	v35 =	vadd.f32 $0.0e+00, v35;
	v42 =	vld [tilespmem:s24+$0xFFFFFFB0]  }
0x2cb: {  	v41 =	vmul.f32 v41, v4;
	v0 =	vadd.f32 $0.0e+00, v0;
	v17 =	vmul.f32 v17, v16;
	v16 =	vld [tilespmem:s24+$0x80]  }
0x2cc: {  	v49 =	vadd.f32 v46, v35;
	v35 =	vld [tilespmem:s29+$0x40]  }
0x2cd: {  	v39 =	vmul.f32 v39, v4;
	v37 =	vmul.f32 v37, v4;
	v0 =	vadd.f32 v41, v0;
	v41 =	vld [tilespmem:s29+$0x30]  }
0x2ce: {  	v38 =	vmul.f32 v38, v5;
	v46 =	vld [tilespmem:s24+$0xA0]  }
0x2cf: {  	v36 =	vmul.f32 v36, v5;
	v39 =	vadd.f32 v39, v55;
	v37 =	vadd.f32 v37, v44;
	v44 =	vld [tilespmem:s29+$0xFFFFFF30]  }
0x2d0: {  	v0 =	vadd.f32 v38, v0;
	v38 =	vld [tilespmem:s19+$0xFFFFFF70]  }
0x2d1: {  	v58 =	vadd.f32 v36, v39;
	v36 =	vld [tilespmem:s29+$0xFFFFFFC0]  }
0x2d2: {  	s14 =	sadd.s32 $0x3, s17;
	v34 =	vmul.f32 v34, v6;
	v37 =	vadd.f32 v45, v37;
	v39 =	vld [tilespmem:s29+$0xFFFFFF40]  }
0x2d3: {  	v53 =	vadd.f32 v50, v49;
	v45 =	vmov s14;
	v49 =	vlaneseq.u32;
	v50 =	vld [tilespmem:s24+$0xFFFFFFA0]  }
0x2d4: {  	vm15 =	veq.s32 v45, v49;
	v45 =	vld [tilespmem:s24+$0x20]  }
0x2d5: {  	v0 =	vadd.f32 v34, v0;
	v51 =	vadd.f32 v47, v37;
	v37 =	vld [tilespmem:s29+$0xB0]  }
0x2d6: {  	v34 =	vadd.f32 v59, v58;
	v47 =	vld [tilespmem:s29+$0xA0]  }
0x2d7: {  	v33 =	vmul.f32 v33, v8;
	v0 =	vadd.f32 v56, v0;
	v56 =	vmul.f32 v15, v8;
	v15 =	vld [tilespmem:s29+$0x50]  }
0x2d8: {  	v48 =	vadd.f32 v57, v34;
	v34 =	vld [tilespmem:s29+$0xC0]  }
0x2d9: {  	v55 =	vadd.f32 v52, v51;
	v51 =	vld [tilespmem:s29+$0xFFFFFFA0];
	v0 =	vadd.f32 v33, v0  }
0x2da: {  	v52 =	vld [tilespmem:s24+$0x90];
	v59 =	vmul.f32 v38, v40  }
0x2db: {  	s30 =	sadd.s32 $0x1, s17;
	v38 =	vld [tilespmem:s24+$0xFFFFFF40];
	v0 =	vadd.f32 v3, v0;
	v3 =	vadd.f32 v54, v48;
	v54 =	vmul.f32 v20, v6  }
0x2dc: {  	v40 =	vld [tilespmem:s24+$0x30];
	v58 =	vadd.f32 v56, v55;
	v48 =	vmov s30  }
0x2dd: {  	v55 =	vld [tilespmem:s29+$0xFFFFFF20];
	v57 =	vadd.f32 v9, v3;
	v3 =	vadd.f32 v54, v53;
	v9 =	vmul.f32 v14, v7  }
0x2de: {  	v13 =	vmul.f32 v13, v61;
	v56 =	vld [tilespmem:s24+$0x10];
	vm13 =	veq.s32 v48, v49  }
0x2df: {  	v20 =	vld [tilespmem:s24+$0x50];
	v0 =	vadd.f32 v1, v0;
	v60 =	vadd.f32 v9, v3;
	v3 =	vmul.f32 v12, v8  }
0x2e0: {  	v48 =	vld [tilespmem:s24+$0xFFFFFF30];
	v1 =	vadd.f32 v2, v57;
	v12 =	vadd.f32 v13, v58;
	v13 =	vmul.f32 v59, v62  }
0x2e1: {  	v14 =	vld [tilespmem:s24+$0xFFFFFFD0];
	v2 =	vadd.f32 v3, v60;
	v3 =	vmul.f32 v11, v61;
	v11 =	vmul.f32 v23, v18  }
0x2e2: {  	v53 =	vld [tilespmem:s29+$0x90];
	(xrf2) =	vadd.scan.msk.f32 $0xffff, v0;
	v12 =	vadd.f32 v13, v12  }
0x2e3: {  	v54 =	vld [tilespmem:s24+$0xFFFFFF20];
	(xrf2) =	vadd.scan.msk.f32 $0xffff, v1;
	v2 =	vadd.f32 v3, v2;
	v3 =	vmul.f32 v11, v62  }
0x2e4: {  	v0 =	vld [tilespmem:s29+$0xFFFFFFD0];
	(xrf2) =	vadd.scan.msk.f32 $0xffff, v12  }
0x2e5: {  	v9 =	vld [tilespmem:s24+$0xC0];
	v2 =	vadd.f32 v3, v2  }
0x2e6: {  	v57 =	vld [tilespmem:s29+$0x10]  }
0x2e7: {  	v58 =	vld [tilespmem:s24+$0xFFFFFF90];
	(xrf2) =	vadd.scan.msk.f32 $0xffff, v2  }
0x2e8: {  	v23 =	vld [tilespmem:s24+$0x40]  }
0x2e9: {  	v60 =	vld [tilespmem:s29+$0x80]  }
0x2ea: {  	v3 =	vld [tilespmem:s24+$0xFFFFFFC0]  }
0x2eb: {  	v1 =	vld [tilespmem:s24+$0xFFFFFF50]  }
0x2ec: {  	v19 =	vmul.f32 v22, v19;
	v18 =	vld [tilespmem:s29+$0xFFFFFF50];
	v13 =	vmov s17;
	v11, _, _ =	vpop (xrf2)  }
0x2ed: {  	s11 =	sadd.s32 $0x2, s17;
	v22 =	vmul.f32 v28, v26;
	vm0 =	veq.s32 v13, v49;
	v28 =	vmul.f32 v35, v23;
	v2 =	vld [tilespmem:s24+$0xB0];
	v12, _, _ =	vpop (xrf2)  }
0x2ee: {  	v59 =	vld [tilespmem:s29+$0xFFFFFF90];
	v62 =	vmov s11;
	v35 =	vmul.f32 v60, v16;
	v11 =	vbroadcast v11, $0xF;
	v61, _, _ =	vpop (xrf2)  }
0x2ef: {  	vm14 =	veq.s32 v62, v49;
	v49 =	vld [tilespmem:s29+$0x20];
	v26 =	vmul.f32 v36, v3;
	v33 =	vbroadcast v61, $0xF  }
0x2f0: {  	v62 =	vld [tilespmem:s29+$0xFFFFFF10];
	v36 =	vmul.f32 v51, v50;
	v12 =	vbroadcast v12, $0xF  }
0x2f1: {  	v23 =	vld [tilespmem:s29+$0xFFFFFF00];
	v10 =	vsel vm0, v33, v10;
	v33 =	vmul.f32 v15, v20;
	v15 =	vmul.f32 v18, v1;
	v13, _, _ =	vpop (xrf2)  }
0x2f2: {  	v3 =	vld [tilespmem:s24+$0xFFFFFF00];
	v20 =	vmul.f32 v37, v2;
	v10 =	vsel vm13, v12, v10;
	v12 =	vbroadcast v13, $0xF  }
0x2f3: {  	v61 =	vld [tilespmem:s24+$0xFFFFFF10];
	v10 =	vsel vm14, v11, v10;
	v11 =	vmul.f32 v24, v21;
	v21 =	vmul.f32 v30, v27  }
0x2f4: {  	v1 =	vld [tilespmem:s29+$0x0];
	v13 =	vmul.f32 v25, v29;
	v24 =	vmul.f32 v0, v14  }
0x2f5: {  	v2 =	vld [tilespmem:s29+$0xFFFFFF80];
	v14 =	vmul.f32 v34, v9;
	v25 =	vmul.f32 v39, v38  }
0x2f6: {  	v0 =	vld [tilespmem:s24+$0x0];
	v34 =	vmul.f32 v41, v40;
	v27 =	vmul.f32 v43, v42  }
0x2f7: {  	p0 =	sne.s32 s28, $0xC;
	v9 =	vld [tilespmem:s24+$0xFFFFFF80];
	v29 =	vmul.f32 v47, v46;
	v38 =	vmul.f32 v49, v45  }
.Ltmp6:
0x2f8: {  	v30 =	vmul.f32 v55, v54;
	v41 =	vmul.f32 v57, v56;
	(pc) =	sbr.rel @p0 .LBB2_15-.Ltmp6, $4  }
0x2f9: {  	v60 =	vld [tilespmem:$0x1FFD0];
	v39 =	vmul.f32 v59, v58;
	v40 =	vmul.f32 v23, v3  }
0x2fa: {  	v18 =	vld [tilespmem:s24+$0xF0];
	v37 =	vmul.f32 v62, v61;
	v10 =	vsel vm15, v12, v10;
	v12 =	vmul.f32 v32, v31  }
0x2fb: {  	s23 =	smov.u32 s24;
	s19 =	smov.u32 s29;
	v23 =	vld [tilespmem:s29+$0xF0];
	v32 =	vmul.f32 v44, v48;
	v31 =	vmul.f32 v53, v52  }
0x2fc: {  	s17 =	smov.u32 s28;
	s28 =	sadd.s32 $0x4, s28;
	s24 =	sadd.s32 $0x200, s24;
	v62 =	vmov v63;
	v61 =	vld [tilespmem:$0x1FFE0];
	v43 =	vmul.f32 v1, v0;
	v42 =	vmul.f32 v2, v9  }
0x2fd: {  	v1 =	vmul.f32 v17, v62  }
0x2fe: {  	v2 =	vmul.f32 v19, v62;
	v9 =	vmul.f32 v41, v4  }
0x2ff: {  	v53 =	vmul.f32 v33, v8;
	v54 =	vmul.f32 v24, v8  }
0x300: {  	v55 =	vmul.f32 v39, v4;
	v0 =	vmul.f32 v43, v60  }
0x301: {  	v56 =	vmul.f32 v28, v7;
	v58 =	vmul.f32 v36, v5  }
0x302: {  	v26 =	vmul.f32 v26, v7;
	v59 =	vmul.f32 v37, v4;
	v0 =	vadd.f32 $0.0e+00, v0  }
0x303: {  	v36 =	vmul.f32 v30, v5;
	v52 =	vmul.f32 v42, v60  }
0x304: {  	v57 =	vmul.f32 v40, v60;
	v0 =	vadd.f32 v9, v0;
	v9 =	vmul.f32 v38, v5  }
0x305: {  	v20 =	vmul.f32 v20, v6;
	v35 =	vmul.f32 v35, v60;
	v17 =	vadd.f32 $0.0e+00, v52  }
0x306: {  	v28 =	vadd.f32 $0.0e+00, v57;
	v0 =	vadd.f32 v9, v0;
	v9 =	vmul.f32 v34, v6  }
0x307: {  	v14 =	vmul.f32 v14, v7;
	v37 =	vadd.f32 $0.0e+00, v35;
	v17 =	vadd.f32 v55, v17  }
0x308: {  	v40 =	vmul.f32 v32, v6;
	v0 =	vadd.f32 v9, v0;
	v9 =	vadd.f32 v59, v28  }
0x309: {  	v38 =	vmul.f32 v31, v4;
	v17 =	vadd.f32 v58, v17;
	v34 =	vmul.f32 v27, v6  }
0x30a: {  	v39 =	vld [tilespmem:s23+$0xFFFFFF70];
	v42 =	vmul.f32 v29, v5;
	v0 =	vadd.f32 v56, v0;
	v9 =	vadd.f32 v36, v9  }
0x30b: {  	v41 =	vld [tilespmem:s19+$0xFFFFFF70];
	v3 =	vmul.f32 v22, v61;
	v22 =	vadd.f32 v38, v37;
	v17 =	vadd.f32 v34, v17  }
0x30c: {  	v43 =	vmul.f32 v25, v7;
	v0 =	vadd.f32 v53, v0;
	v9 =	vadd.f32 v40, v9  }
0x30d: {  	v12 =	vmul.f32 v12, v8;
	v44 =	vadd.f32 v42, v22;
	v17 =	vadd.f32 v26, v17  }
0x30e: {  	v0 =	vadd.f32 v3, v0;
	v3 =	vadd.f32 v43, v9;
	v9 =	vmul.f32 v15, v8  }
0x30f: {  	v16 =	vmul.f32 v21, v61;
	v46 =	vadd.f32 v20, v44;
	v17 =	vadd.f32 v54, v17  }
0x310: {  	v47 =	vmul.f32 v41, v39;
	v3 =	vadd.f32 v9, v3;
	v9 =	vmul.f32 v13, v61  }
0x311: {  	v49 =	vmul.f32 v23, v18;
	v48 =	vadd.f32 v14, v46;
	v45 =	vadd.f32 v16, v17  }
0x312: {  	v0 =	vadd.f32 v1, v0;
	v3 =	vadd.f32 v9, v3;
	v9 =	vmul.f32 v47, v62  }
0x313: {  	v11 =	vmul.f32 v11, v61;
	v2 =	vadd.f32 v2, v45;
	v1 =	vadd.f32 v12, v48  }
0x314: {  	(xrf2) =	vadd.scan.msk.f32 $0xffff, v0;
	v50 =	vadd.f32 v9, v3  }
0x315: {  	v51 =	vmul.f32 v49, v62;
	v1 =	vadd.f32 v11, v1;
	(xrf2) =	vadd.scan.msk.f32 $0xffff, v2  }
0x316: {  	(xrf2) =	vadd.scan.msk.f32 $0xffff, v50  }
0x317: {  	v52 =	vadd.f32 v51, v1;
	_ =	sdelay $0x1  }
0x318: {  	(xrf2) =	vadd.scan.msk.f32 $0xffff, v52;
	_ =	sdelay $0x4  }
0x319: {  	v53, _, _ =	vpop (xrf2)  }
0x31a: {  	v54, _, _ =	vpop (xrf2)  }
0x31b: {  	s29 =	sadd.s32 $0x1, s17;
	v55 =	vmov s17;
	v56 =	vlaneseq.u32;
	v3, _, _ =	vpop (xrf2)  }
0x31c: {  	s14 =	sadd.s32 $0x3, s17;
	v57 =	vmov s29;
	vm0 =	veq.s32 v55, v56;
	v3 =	vbroadcast v3, $0xF  }
0x31d: {  	s11 =	sadd.s32 $0x2, s17;
	v59 =	vld [tilespmem:$0x1FFC0];
	vm13 =	veq.s32 v57, v56;
	v11 =	vmov s14;
	v1 =	vbroadcast v54, $0xF  }
0x31e: {  	v9 =	vmov s11;
	v0 =	vbroadcast v53, $0xF;
	v58, _, _ =	vpop (xrf2);
	v3 =	vsel vm0, v3, v10  }
0x31f: {  	vm14 =	veq.s32 v9, v56;
	v2 =	vbroadcast v58, $0xF;
	v1 =	vsel vm13, v1, v3  }
0x320: {  	vm15 =	veq.s32 v11, v56;
	v0 =	vsel vm14, v0, v1  }
0x321: {  	v0 =	vsel vm15, v2, v0  }
0x322: {  	v0 =	vadd.f32 v0, v59;
	_ =	sdelay $0x1  }
0x323: {  	v0 =	vsub.f32 $0.0e+00, v0;
	_ =	sdelay $0x1  }
0x324: {  	v0 =	vmul.f32 $1.442695020e+00, v0;
	_ =	sdelay $0x1  }
0x325: {  	(erf) = vpow2.f32 v0;
	_ =	sdelay $0x8  }
0x326: {  	v0 =	vpop (erf)  }
0x327: {  	v0 =	vadd.f32 $1.000000000e+00, v0;
	_ =	sdelay $0x1  }
0x328: {  	(erf) = vrcp.f32 v0;
	_ =	sdelay $0x3  }
0x329: {  	s30 =	sshll.u32 s4, $0x4;
	s4 =	sadd.s32 $0x1, s4  }
0x32a: {  	p0 =	sne.s32 s4, $0x8  }
.Ltmp7:
0x32b: {  	_ = 	snop;
	(pc) =	sbr.rel @p0 .LBB2_14-.Ltmp7, $3  }
0x32c: {  	_ =	sdelay $0x1  }
0x32d: {  	s11 =	sand.u32 $0x3FFFFFF0, s30;
	v0 =	vpop (erf)  }
0x32e: {  	s3 =	sadd.s32 $0x800, s3;
	s16 =	sadd.s32 $0x800, s16;
	[tilespmem:s11+$0x10580] =	vst v0  }
0x32f: {  	s0 =	sadd.s32 $0x1, s0  }
0x330: {  	p0 =	sne.s32 s0, s10  }
.Ltmp8:
0x331: {  	s3 =	simm.s32 $0x10400;
	(pc) =	sbr.rel @p0 .LBB2_1-.Ltmp8, $4  }
0x332: {  	[hbm4b:s9+s5] =	stream.linear.scatter [tilespmem:s3], [sflag:$0x6], $0x200, $0x38;
	[tilespmem:$0x10700] =	vst v63  }
0x333: {  	_ =	swait.ge [sflag:s31], $0x200  }
0x334: {  	[sflag:s31] =	ssyncset.done $0x0  }
0x335: {  	[sflag:s31] =	ssyncadd.s32 $0xFFFFFE00  }
0x336: {  	_ =	sfence.sel $0x180000  }
0x337: {  	[bflag:$0x0] =	sbarrier.arrive $0xFFFF  }
0x338: {  	_ =	strace $0x90000047  }
0x339: {  	s0 =	stileid.u32;
	[bflag:$0x2] =	sbarrier.arrive $0xFFFF  }
0x33a: {  	p0 =	sne.s32 s0, $0x0;
	s0 =	rddreg [dreg:$0x7]  }
0x33b: {  	s0 =	sadd.s32 @!p0 $0x100000, s0  }
0x33c: {  	[sflag:s0] =	ssyncadd.tile.s32 @!p0 $0x1;
	_ =	shalt  }
.Lfunc_end2:
_tile_overlayer_lowered:
.L_overlay_start_2:
0x33d: {  	(tag) =	ssettag $0x2  }
0x33e: {  	s0 =	rddreg [dreg:$0x0];
	s2 =	stileid.u32  }
0x33f: {  	s1 =	rddreg [dreg:$0x1];
	p0 =	sne.s32 s2, $0x0  }
0x340: {  	s3 =	rddreg [dreg:$0x2];
	[bflag:$0x3] =	sbarrier.arrive $0xFFFF;
	s2 =	simm.s32 @!p0 $0x1C06  }
0x341: {  	[timem:s3], [sflag:s2] =	dma.local @!p0 [hbm:s0], s1  }
0x342: {  	s0 =	simm.s32 @!p0 $0x6  }
0x343: {  	_ =	swait.ge @!p0 [sflag:s0], s1  }
0x344: {  	s1 =	ssub.s32 @!p0 $0x0, s1;
	[sflag:s0] =	ssyncset.done @!p0 $0x0  }
0x345: {  	[sflag:s0] =	ssyncadd.s32 @!p0 s1  }
0x346: {  	[bflag:$0x3] =	sbarrier.arrive $0xFFFF  }
0x347: {  	_ =	shalt  }

</sc_bundles>
